<compile_context>
chip_gen: v7x
topology: tpu7x:2x2x1
jax: 0.10.2.dev20260603
libtpu: 0.0.44.dev20260713+nightly
codegen_flags: <defaults>
</compile_context>

<pallas_src>
import functools

import numpy as np
import jax
import jax.numpy as jnp
from jax import lax
from jax.experimental import pallas as pl
from jax.experimental.pallas import tpu as pltpu
from jax.experimental.pallas import tpu_sc as plsc

_VE = 1024
_FEAT = 768
_B = 32
_COPIES = 10


def _mask_indices():
    np.random.seed(42)
    m = np.random.choice([True, False], size=(_VE,))
    return np.nonzero(m)[0].astype(np.int32)


_IDX = _mask_indices()
_NNZ = int(_IDX.shape[0])
_IDX_PAD = 512
_CHUNK = 128
_NCHUNK = _IDX_PAD // _CHUNK

_IDX_ALL = np.zeros((_B, _IDX_PAD), dtype=np.int32)
for _b in range(_B):
    _IDX_ALL[_b, :_NNZ] = _IDX + _b * _VE
    _IDX_ALL[_b, _NNZ:] = _b * _VE


def _make_sc_call():
    mesh = plsc.VectorSubcoreMesh(core_axis_name="c", subcore_axis_name="s")

    @functools.partial(
        pl.kernel,
        mesh=mesh,
        out_type=jax.ShapeDtypeStruct((_B * _COPIES * _NNZ, _FEAT), jnp.float32),
        scratch_types=[
            pltpu.VMEM((_IDX_PAD,), jnp.int32),
            pltpu.VMEM((_CHUNK, _FEAT), jnp.float32),
            pltpu.SemaphoreType.DMA,
        ],
    )
    def sc_kernel(img_hbm, idx_hbm, out_hbm, idx_v, rows_v, gsem):
        wid = lax.axis_index("s") * 2 + lax.axis_index("c")
        pltpu.sync_copy(idx_hbm.at[wid], idx_v)
        out_base = wid * (_COPIES * _NNZ)
        for j in range(_NCHUNK):
            pltpu.async_copy(
                img_hbm.at[idx_v.at[pl.ds(j * _CHUNK, _CHUNK)]], rows_v, gsem
            ).wait()
            n = min(_CHUNK, _NNZ - j * _CHUNK)
            for c in range(_COPIES):
                pltpu.sync_copy(
                    rows_v.at[pl.ds(0, n)],
                    out_hbm.at[pl.ds(out_base + c * _NNZ + j * _CHUNK, n)],
                )

    return sc_kernel


_sc_call = _make_sc_call()


@jax.jit
def kernel(images_batch, masks_batch):
    del masks_batch
    table = images_batch.reshape(_B * _VE, _FEAT)
    idx_all = jnp.asarray(_IDX_ALL)
    out = _sc_call(table, idx_all)
    return out.reshape(_B, _COPIES * _NNZ, _FEAT)

# --- scband reference (transcript-rebuilt; emitter-appended) ---
"""Pipeline reference for scband-mask-embedder-90374701842736 (READ-ONLY COPY).

The authoritative reference and input builder live on the scoring server;
editing this copy changes nothing except your own understanding.
"""

import jax, jax.numpy as jnp
import numpy as np

VE_DIM = 1024
FEAT_DIM = 768
BATCH = 32
NUM_MASKS = 10


def _dummy_mask(ve_dim):
    # Mirrors create_deterministic_dummy_masks: the seed is reset inside the loop,
    # so all NUM_MASKS masks are identical. We compute the single shared mask.
    np.random.seed(42)
    return np.random.choice([True, False], size=(ve_dim,))


def setup_inputs(seed: int = 0) -> dict:
    key = jax.random.key(seed)
    k1, k2 = jax.random.split(key)
    images_batch = jax.random.normal(k1, (BATCH, VE_DIM, FEAT_DIM), dtype=jnp.float32)
    # masks_batch is unused when use_dummy_masks=True, but must be provided with
    # outer length == batch to satisfy the zip in apply_masks_with_tokens.
    masks_batch = jnp.zeros((BATCH, NUM_MASKS, 32, 32), dtype=bool)
    return {"images_batch": images_batch, "masks_batch": masks_batch}


def reference(images_batch, masks_batch):
    # use_dummy_masks=True path with no_masktoken=True, global_view=False,
    # averaging=False, mask_removing=False, mask_limiting=False (10 masks <= limit):
    # per image: masked_features = [features[mask] for mask in 10 identical masks],
    # then masked_with_tokens = cat(masked_features, dim=0).
    # All images share the same mask -> equal lengths -> stack over batch.
    mask = _dummy_mask(images_batch.shape[1])
    idx = jnp.asarray(np.nonzero(mask)[0], dtype=jnp.int32)
    gathered = jnp.take(images_batch, idx, axis=1)  # [B, nnz, d]
    out = jnp.concatenate([gathered] * NUM_MASKS, axis=1)  # [B, 10*nnz, d]
    return out

if __name__ == "__main__":
    import jax
    _d = setup_inputs()
    print(jax.jit(kernel)(*tuple(_d.values())))

</pallas_src>

<mosaic_0001>
#map = affine_map<(d0, d1) -> (0, 0)>
module attributes {stable_mosaic.version = 14 : i64} {
  func.func @sc_kernel(%arg0: i32, %arg1: i32, %arg2: memref<32768x768xf32, #tpu.memory_space<hbm>>, %arg3: memref<32x512xi32, #tpu.memory_space<hbm>>, %arg4: memref<161280x768xf32, #tpu.memory_space<hbm>>, %arg5: memref<512xi32, #tpu.memory_space<vmem>>, %arg6: memref<128x768xf32, #tpu.memory_space<vmem>>, %arg7: memref<!tpu.dma_semaphore, #tpu.memory_space<semaphore_mem>>) attributes {dimension_semantics = [#tpu.dimension_semantics<core_parallel>, #tpu.dimension_semantics<subcore_parallel>], iteration_bounds = array<i64: 2, 16>, scalar_prefetch = 0 : i64, scratch_operands = 3 : i64, tpu.core_type = #tpu.core_type<sc_vector_subcore>, window_params = [{transform_indices = #map}, {transform_indices = #map}, {transform_indices = #map}]} {
    %mul3A = arith.constant 2 : i32
    %mul3A_0 = arith.muli %arg1, %mul3A : i32
    %add3A = arith.addi %mul3A_0, %arg0 : i32
    "tpu.region"() ({
      %run_scoped3A = tpu.sem_alloc : memref<!tpu.dma_semaphore, #tpu.memory_space<semaphore_mem>>
      %dma_start3A_201 = arith.constant 0 : i32
      %dma_start3A_202 = tpu.memref_slice %arg3[%add3A, %dma_start3A_201] : memref<32x512xi32, #tpu.memory_space<hbm>> -> memref<1x512xi32, #tpu.memory_space<hbm>>
      %dma_start3A_203 = tpu.memref_squeeze %dma_start3A_202 : memref<1x512xi32, #tpu.memory_space<hbm>> -> memref<512xi32, #tpu.memory_space<hbm>>
      %dma_start3A_204 = arith.constant 0 : i32
      %dma_start3A_205 = tpu.memref_slice %arg3[%add3A, %dma_start3A_204] : memref<32x512xi32, #tpu.memory_space<hbm>> -> memref<1x512xi32, #tpu.memory_space<hbm>>
      %dma_start3A_206 = tpu.memref_squeeze %dma_start3A_205 : memref<1x512xi32, #tpu.memory_space<hbm>> -> memref<512xi32, #tpu.memory_space<hbm>>
      tpu.enqueue_dma source(%dma_start3A_206 : memref<512xi32, #tpu.memory_space<hbm>>) target(%arg5 : memref<512xi32, #tpu.memory_space<vmem>>) target_semaphore(%run_scoped3A : memref<!tpu.dma_semaphore, #tpu.memory_space<semaphore_mem>>)
      %dma_wait3A_207 = arith.constant 0 : i32
      %dma_wait3A_208 = tpu.memref_slice %arg3[%add3A, %dma_wait3A_207] : memref<32x512xi32, #tpu.memory_space<hbm>> -> memref<1x512xi32, #tpu.memory_space<hbm>>
      %dma_wait3A_209 = tpu.memref_squeeze %dma_wait3A_208 : memref<1x512xi32, #tpu.memory_space<hbm>> -> memref<512xi32, #tpu.memory_space<hbm>>
      %dma_wait3A_210 = arith.constant 0 : i32
      %dma_wait3A_211 = tpu.memref_slice %arg3[%add3A, %dma_wait3A_210] : memref<32x512xi32, #tpu.memory_space<hbm>> -> memref<1x512xi32, #tpu.memory_space<hbm>>
      %dma_wait3A_212 = tpu.memref_squeeze %dma_wait3A_211 : memref<1x512xi32, #tpu.memory_space<hbm>> -> memref<512xi32, #tpu.memory_space<hbm>>
      tpu.wait_dma2 semaphore(%run_scoped3A : memref<!tpu.dma_semaphore, #tpu.memory_space<semaphore_mem>>) src(%dma_wait3A_212 : memref<512xi32, #tpu.memory_space<hbm>>) dst(%arg5 : memref<512xi32, #tpu.memory_space<vmem>>)
      tpu.yield
    }) : () -> ()
    %mul3A_1 = arith.constant 5040 : i32
    %mul3A_2 = arith.muli %add3A, %mul3A_1 : i32
    %dma_start3A = arith.constant 0 : i32
    %dma_start3A_3 = tpu.memref_slice %arg5[%dma_start3A] : memref<512xi32, #tpu.memory_space<vmem>> -> memref<128xi32, #tpu.memory_space<vmem>>
    %dma_start3A_4 = arith.constant 0 : i32
    %dma_start3A_5 = arith.constant 0 : i32
    %dma_start3A_6 = tpu.memref_slice %arg2[%dma_start3A_4, %dma_start3A_5] : memref<32768x768xf32, #tpu.memory_space<hbm>> -> memref<32768x768xf32, #tpu.memory_space<hbm>>
    tpu.enqueue_indirect_dma source(%dma_start3A_6 : memref<32768x768xf32, #tpu.memory_space<hbm>>) target(%arg6 : memref<128x768xf32, #tpu.memory_space<vmem>>) offsets(%dma_start3A_3 : memref<128xi32, #tpu.memory_space<vmem>>) semaphore(%arg7 : memref<!tpu.dma_semaphore, #tpu.memory_space<semaphore_mem>>)
    %dma_wait3A = arith.constant 0 : i32
    %dma_wait3A_7 = tpu.memref_slice %arg5[%dma_wait3A] : memref<512xi32, #tpu.memory_space<vmem>> -> memref<128xi32, #tpu.memory_space<vmem>>
    %dma_wait3A_8 = arith.constant 0 : i32
    %dma_wait3A_9 = arith.constant 0 : i32
    %dma_wait3A_10 = tpu.memref_slice %arg2[%dma_wait3A_8, %dma_wait3A_9] : memref<32768x768xf32, #tpu.memory_space<hbm>> -> memref<32768x768xf32, #tpu.memory_space<hbm>>
    tpu.wait_indirect_dma semaphore(%arg7 : memref<!tpu.dma_semaphore, #tpu.memory_space<semaphore_mem>>) src(%dma_wait3A_10 : memref<32768x768xf32, #tpu.memory_space<hbm>>) dst(%arg6 : memref<128x768xf32, #tpu.memory_space<vmem>>)
    %add3A_11 = arith.constant 0 : i32
    %add3A_12 = arith.addi %mul3A_2, %add3A_11 : i32
    %add3A_13 = arith.constant 0 : i32
    %add3A_14 = arith.addi %add3A_12, %add3A_13 : i32
    "tpu.region"() ({
      %run_scoped3A = tpu.sem_alloc : memref<!tpu.dma_semaphore, #tpu.memory_space<semaphore_mem>>
      %dma_start3A_201 = arith.constant 0 : i32
      %dma_start3A_202 = arith.constant 0 : i32
      %dma_start3A_203 = tpu.memref_slice %arg6[%dma_start3A_201, %dma_start3A_202] : memref<128x768xf32, #tpu.memory_space<vmem>> -> memref<128x768xf32, #tpu.memory_space<vmem>>
      %dma_start3A_204 = arith.constant 0 : i32
      %dma_start3A_205 = tpu.memref_slice %arg4[%add3A_14, %dma_start3A_204] : memref<161280x768xf32, #tpu.memory_space<hbm>> -> memref<128x768xf32, #tpu.memory_space<hbm>>
      %dma_start3A_206 = arith.constant 0 : i32
      %dma_start3A_207 = tpu.memref_slice %arg4[%add3A_14, %dma_start3A_206] : memref<161280x768xf32, #tpu.memory_space<hbm>> -> memref<128x768xf32, #tpu.memory_space<hbm>>
      %dma_start3A_208 = arith.constant 0 : i32
      %dma_start3A_209 = arith.constant 0 : i32
      %dma_start3A_210 = tpu.memref_slice %arg6[%dma_start3A_208, %dma_start3A_209] : memref<128x768xf32, #tpu.memory_space<vmem>> -> memref<128x768xf32, #tpu.memory_space<vmem>>
      tpu.enqueue_dma source(%dma_start3A_210 : memref<128x768xf32, #tpu.memory_space<vmem>>) target(%dma_start3A_207 : memref<128x768xf32, #tpu.memory_space<hbm>>) target_semaphore(%run_scoped3A : memref<!tpu.dma_semaphore, #tpu.memory_space<semaphore_mem>>)
      %dma_wait3A_211 = arith.constant 0 : i32
      %dma_wait3A_212 = arith.constant 0 : i32
      %dma_wait3A_213 = tpu.memref_slice %arg6[%dma_wait3A_211, %dma_wait3A_212] : memref<128x768xf32, #tpu.memory_space<vmem>> -> memref<128x768xf32, #tpu.memory_space<vmem>>
      %dma_wait3A_214 = arith.constant 0 : i32
      %dma_wait3A_215 = tpu.memref_slice %arg4[%add3A_14, %dma_wait3A_214] : memref<161280x768xf32, #tpu.memory_space<hbm>> -> memref<128x768xf32, #tpu.memory_space<hbm>>
      %dma_wait3A_216 = arith.constant 0 : i32
      %dma_wait3A_217 = tpu.memref_slice %arg4[%add3A_14, %dma_wait3A_216] : memref<161280x768xf32, #tpu.memory_space<hbm>> -> memref<128x768xf32, #tpu.memory_space<hbm>>
      %dma_wait3A_218 = arith.constant 0 : i32
      %dma_wait3A_219 = arith.constant 0 : i32
      %dma_wait3A_220 = tpu.memref_slice %arg6[%dma_wait3A_218, %dma_wait3A_219] : memref<128x768xf32, #tpu.memory_space<vmem>> -> memref<128x768xf32, #tpu.memory_space<vmem>>
      tpu.wait_dma2 semaphore(%run_scoped3A : memref<!tpu.dma_semaphore, #tpu.memory_space<semaphore_mem>>) src(%dma_wait3A_220 : memref<128x768xf32, #tpu.memory_space<vmem>>) dst(%dma_wait3A_217 : memref<128x768xf32, #tpu.memory_space<hbm>>)
      tpu.yield
    }) : () -> ()
    %add3A_15 = arith.constant 504 : i32
    %add3A_16 = arith.addi %mul3A_2, %add3A_15 : i32
    %add3A_17 = arith.constant 0 : i32
    %add3A_18 = arith.addi %add3A_16, %add3A_17 : i32
    "tpu.region"() ({
      %run_scoped3A = tpu.sem_alloc : memref<!tpu.dma_semaphore, #tpu.memory_space<semaphore_mem>>
      %dma_start3A_201 = arith.constant 0 : i32
      %dma_start3A_202 = arith.constant 0 : i32
      %dma_start3A_203 = tpu.memref_slice %arg6[%dma_start3A_201, %dma_start3A_202] : memref<128x768xf32, #tpu.memory_space<vmem>> -> memref<128x768xf32, #tpu.memory_space<vmem>>
      %dma_start3A_204 = arith.constant 0 : i32
      %dma_start3A_205 = tpu.memref_slice %arg4[%add3A_18, %dma_start3A_204] : memref<161280x768xf32, #tpu.memory_space<hbm>> -> memref<128x768xf32, #tpu.memory_space<hbm>>
      %dma_start3A_206 = arith.constant 0 : i32
      %dma_start3A_207 = tpu.memref_slice %arg4[%add3A_18, %dma_start3A_206] : memref<161280x768xf32, #tpu.memory_space<hbm>> -> memref<128x768xf32, #tpu.memory_space<hbm>>
      %dma_start3A_208 = arith.constant 0 : i32
      %dma_start3A_209 = arith.constant 0 : i32
      %dma_start3A_210 = tpu.memref_slice %arg6[%dma_start3A_208, %dma_start3A_209] : memref<128x768xf32, #tpu.memory_space<vmem>> -> memref<128x768xf32, #tpu.memory_space<vmem>>
      tpu.enqueue_dma source(%dma_start3A_210 : memref<128x768xf32, #tpu.memory_space<vmem>>) target(%dma_start3A_207 : memref<128x768xf32, #tpu.memory_space<hbm>>) target_semaphore(%run_scoped3A : memref<!tpu.dma_semaphore, #tpu.memory_space<semaphore_mem>>)
      %dma_wait3A_211 = arith.constant 0 : i32
      %dma_wait3A_212 = arith.constant 0 : i32
      %dma_wait3A_213 = tpu.memref_slice %arg6[%dma_wait3A_211, %dma_wait3A_212] : memref<128x768xf32, #tpu.memory_space<vmem>> -> memref<128x768xf32, #tpu.memory_space<vmem>>
      %dma_wait3A_214 = arith.constant 0 : i32
      %dma_wait3A_215 = tpu.memref_slice %arg4[%add3A_18, %dma_wait3A_214] : memref<161280x768xf32, #tpu.memory_space<hbm>> -> memref<128x768xf32, #tpu.memory_space<hbm>>
      %dma_wait3A_216 = arith.constant 0 : i32
      %dma_wait3A_217 = tpu.memref_slice %arg4[%add3A_18, %dma_wait3A_216] : memref<161280x768xf32, #tpu.memory_space<hbm>> -> memref<128x768xf32, #tpu.memory_space<hbm>>
      %dma_wait3A_218 = arith.constant 0 : i32
      %dma_wait3A_219 = arith.constant 0 : i32
      %dma_wait3A_220 = tpu.memref_slice %arg6[%dma_wait3A_218, %dma_wait3A_219] : memref<128x768xf32, #tpu.memory_space<vmem>> -> memref<128x768xf32, #tpu.memory_space<vmem>>
      tpu.wait_dma2 semaphore(%run_scoped3A : memref<!tpu.dma_semaphore, #tpu.memory_space<semaphore_mem>>) src(%dma_wait3A_220 : memref<128x768xf32, #tpu.memory_space<vmem>>) dst(%dma_wait3A_217 : memref<128x768xf32, #tpu.memory_space<hbm>>)
      tpu.yield
    }) : () -> ()
    %add3A_19 = arith.constant 1008 : i32
    %add3A_20 = arith.addi %mul3A_2, %add3A_19 : i32
    %add3A_21 = arith.constant 0 : i32
    %add3A_22 = arith.addi %add3A_20, %add3A_21 : i32
    "tpu.region"() ({
      %run_scoped3A = tpu.sem_alloc : memref<!tpu.dma_semaphore, #tpu.memory_space<semaphore_mem>>
      %dma_start3A_201 = arith.constant 0 : i32
      %dma_start3A_202 = arith.constant 0 : i32
      %dma_start3A_203 = tpu.memref_slice %arg6[%dma_start3A_201, %dma_start3A_202] : memref<128x768xf32, #tpu.memory_space<vmem>> -> memref<128x768xf32, #tpu.memory_space<vmem>>
      %dma_start3A_204 = arith.constant 0 : i32
      %dma_start3A_205 = tpu.memref_slice %arg4[%add3A_22, %dma_start3A_204] : memref<161280x768xf32, #tpu.memory_space<hbm>> -> memref<128x768xf32, #tpu.memory_space<hbm>>
      %dma_start3A_206 = arith.constant 0 : i32
      %dma_start3A_207 = tpu.memref_slice %arg4[%add3A_22, %dma_start3A_206] : memref<161280x768xf32, #tpu.memory_space<hbm>> -> memref<128x768xf32, #tpu.memory_space<hbm>>
      %dma_start3A_208 = arith.constant 0 : i32
      %dma_start3A_209 = arith.constant 0 : i32
      %dma_start3A_210 = tpu.memref_slice %arg6[%dma_start3A_208, %dma_start3A_209] : memref<128x768xf32, #tpu.memory_space<vmem>> -> memref<128x768xf32, #tpu.memory_space<vmem>>
      tpu.enqueue_dma source(%dma_start3A_210 : memref<128x768xf32, #tpu.memory_space<vmem>>) target(%dma_start3A_207 : memref<128x768xf32, #tpu.memory_space<hbm>>) target_semaphore(%run_scoped3A : memref<!tpu.dma_semaphore, #tpu.memory_space<semaphore_mem>>)
      %dma_wait3A_211 = arith.constant 0 : i32
      %dma_wait3A_212 = arith.constant 0 : i32
      %dma_wait3A_213 = tpu.memref_slice %arg6[%dma_wait3A_211, %dma_wait3A_212] : memref<128x768xf32, #tpu.memory_space<vmem>> -> memref<128x768xf32, #tpu.memory_space<vmem>>
      %dma_wait3A_214 = arith.constant 0 : i32
      %dma_wait3A_215 = tpu.memref_slice %arg4[%add3A_22, %dma_wait3A_214] : memref<161280x768xf32, #tpu.memory_space<hbm>> -> memref<128x768xf32, #tpu.memory_space<hbm>>
      %dma_wait3A_216 = arith.constant 0 : i32
      %dma_wait3A_217 = tpu.memref_slice %arg4[%add3A_22, %dma_wait3A_216] : memref<161280x768xf32, #tpu.memory_space<hbm>> -> memref<128x768xf32, #tpu.memory_space<hbm>>
      %dma_wait3A_218 = arith.constant 0 : i32
      %dma_wait3A_219 = arith.constant 0 : i32
      %dma_wait3A_220 = tpu.memref_slice %arg6[%dma_wait3A_218, %dma_wait3A_219] : memref<128x768xf32, #tpu.memory_space<vmem>> -> memref<128x768xf32, #tpu.memory_space<vmem>>
      tpu.wait_dma2 semaphore(%run_scoped3A : memref<!tpu.dma_semaphore, #tpu.memory_space<semaphore_mem>>) src(%dma_wait3A_220 : memref<128x768xf32, #tpu.memory_space<vmem>>) dst(%dma_wait3A_217 : memref<128x768xf32, #tpu.memory_space<hbm>>)
      tpu.yield
    }) : () -> ()
    %add3A_23 = arith.constant 1512 : i32
    %add3A_24 = arith.addi %mul3A_2, %add3A_23 : i32
    %add3A_25 = arith.constant 0 : i32
    %add3A_26 = arith.addi %add3A_24, %add3A_25 : i32
    "tpu.region"() ({
      %run_scoped3A = tpu.sem_alloc : memref<!tpu.dma_semaphore, #tpu.memory_space<semaphore_mem>>
      %dma_start3A_201 = arith.constant 0 : i32
      %dma_start3A_202 = arith.constant 0 : i32
      %dma_start3A_203 = tpu.memref_slice %arg6[%dma_start3A_201, %dma_start3A_202] : memref<128x768xf32, #tpu.memory_space<vmem>> -> memref<128x768xf32, #tpu.memory_space<vmem>>
      %dma_start3A_204 = arith.constant 0 : i32
      %dma_start3A_205 = tpu.memref_slice %arg4[%add3A_26, %dma_start3A_204] : memref<161280x768xf32, #tpu.memory_space<hbm>> -> memref<128x768xf32, #tpu.memory_space<hbm>>
      %dma_start3A_206 = arith.constant 0 : i32
      %dma_start3A_207 = tpu.memref_slice %arg4[%add3A_26, %dma_start3A_206] : memref<161280x768xf32, #tpu.memory_space<hbm>> -> memref<128x768xf32, #tpu.memory_space<hbm>>
      %dma_start3A_208 = arith.constant 0 : i32
      %dma_start3A_209 = arith.constant 0 : i32
      %dma_start3A_210 = tpu.memref_slice %arg6[%dma_start3A_208, %dma_start3A_209] : memref<128x768xf32, #tpu.memory_space<vmem>> -> memref<128x768xf32, #tpu.memory_space<vmem>>
      tpu.enqueue_dma source(%dma_start3A_210 : memref<128x768xf32, #tpu.memory_space<vmem>>) target(%dma_start3A_207 : memref<128x768xf32, #tpu.memory_space<hbm>>) target_semaphore(%run_scoped3A : memref<!tpu.dma_semaphore, #tpu.memory_space<semaphore_mem>>)
      %dma_wait3A_211 = arith.constant 0 : i32
      %dma_wait3A_212 = arith.constant 0 : i32
      %dma_wait3A_213 = tpu.memref_slice %arg6[%dma_wait3A_211, %dma_wait3A_212] : memref<128x768xf32, #tpu.memory_space<vmem>> -> memref<128x768xf32, #tpu.memory_space<vmem>>
      %dma_wait3A_214 = arith.constant 0 : i32
      %dma_wait3A_215 = tpu.memref_slice %arg4[%add3A_26, %dma_wait3A_214] : memref<161280x768xf32, #tpu.memory_space<hbm>> -> memref<128x768xf32, #tpu.memory_space<hbm>>
      %dma_wait3A_216 = arith.constant 0 : i32
      %dma_wait3A_217 = tpu.memref_slice %arg4[%add3A_26, %dma_wait3A_216] : memref<161280x768xf32, #tpu.memory_space<hbm>> -> memref<128x768xf32, #tpu.memory_space<hbm>>
      %dma_wait3A_218 = arith.constant 0 : i32
      %dma_wait3A_219 = arith.constant 0 : i32
      %dma_wait3A_220 = tpu.memref_slice %arg6[%dma_wait3A_218, %dma_wait3A_219] : memref<128x768xf32, #tpu.memory_space<vmem>> -> memref<128x768xf32, #tpu.memory_space<vmem>>
      tpu.wait_dma2 semaphore(%run_scoped3A : memref<!tpu.dma_semaphore, #tpu.memory_space<semaphore_mem>>) src(%dma_wait3A_220 : memref<128x768xf32, #tpu.memory_space<vmem>>) dst(%dma_wait3A_217 : memref<128x768xf32, #tpu.memory_space<hbm>>)
      tpu.yield
    }) : () -> ()
    %add3A_27 = arith.constant 2016 : i32
    %add3A_28 = arith.addi %mul3A_2, %add3A_27 : i32
    %add3A_29 = arith.constant 0 : i32
    %add3A_30 = arith.addi %add3A_28, %add3A_29 : i32
    "tpu.region"() ({
      %run_scoped3A = tpu.sem_alloc : memref<!tpu.dma_semaphore, #tpu.memory_space<semaphore_mem>>
      %dma_start3A_201 = arith.constant 0 : i32
      %dma_start3A_202 = arith.constant 0 : i32
      %dma_start3A_203 = tpu.memref_slice %arg6[%dma_start3A_201, %dma_start3A_202] : memref<128x768xf32, #tpu.memory_space<vmem>> -> memref<128x768xf32, #tpu.memory_space<vmem>>
      %dma_start3A_204 = arith.constant 0 : i32
      %dma_start3A_205 = tpu.memref_slice %arg4[%add3A_30, %dma_start3A_204] : memref<161280x768xf32, #tpu.memory_space<hbm>> -> memref<128x768xf32, #tpu.memory_space<hbm>>
      %dma_start3A_206 = arith.constant 0 : i32
      %dma_start3A_207 = tpu.memref_slice %arg4[%add3A_30, %dma_start3A_206] : memref<161280x768xf32, #tpu.memory_space<hbm>> -> memref<128x768xf32, #tpu.memory_space<hbm>>
      %dma_start3A_208 = arith.constant 0 : i32
      %dma_start3A_209 = arith.constant 0 : i32
      %dma_start3A_210 = tpu.memref_slice %arg6[%dma_start3A_208, %dma_start3A_209] : memref<128x768xf32, #tpu.memory_space<vmem>> -> memref<128x768xf32, #tpu.memory_space<vmem>>
      tpu.enqueue_dma source(%dma_start3A_210 : memref<128x768xf32, #tpu.memory_space<vmem>>) target(%dma_start3A_207 : memref<128x768xf32, #tpu.memory_space<hbm>>) target_semaphore(%run_scoped3A : memref<!tpu.dma_semaphore, #tpu.memory_space<semaphore_mem>>)
      %dma_wait3A_211 = arith.constant 0 : i32
      %dma_wait3A_212 = arith.constant 0 : i32
      %dma_wait3A_213 = tpu.memref_slice %arg6[%dma_wait3A_211, %dma_wait3A_212] : memref<128x768xf32, #tpu.memory_space<vmem>> -> memref<128x768xf32, #tpu.memory_space<vmem>>
      %dma_wait3A_214 = arith.constant 0 : i32
      %dma_wait3A_215 = tpu.memref_slice %arg4[%add3A_30, %dma_wait3A_214] : memref<161280x768xf32, #tpu.memory_space<hbm>> -> memref<128x768xf32, #tpu.memory_space<hbm>>
      %dma_wait3A_216 = arith.constant 0 : i32
      %dma_wait3A_217 = tpu.memref_slice %arg4[%add3A_30, %dma_wait3A_216] : memref<161280x768xf32, #tpu.memory_space<hbm>> -> memref<128x768xf32, #tpu.memory_space<hbm>>
      %dma_wait3A_218 = arith.constant 0 : i32
      %dma_wait3A_219 = arith.constant 0 : i32
      %dma_wait3A_220 = tpu.memref_slice %arg6[%dma_wait3A_218, %dma_wait3A_219] : memref<128x768xf32, #tpu.memory_space<vmem>> -> memref<128x768xf32, #tpu.memory_space<vmem>>
      tpu.wait_dma2 semaphore(%run_scoped3A : memref<!tpu.dma_semaphore, #tpu.memory_space<semaphore_mem>>) src(%dma_wait3A_220 : memref<128x768xf32, #tpu.memory_space<vmem>>) dst(%dma_wait3A_217 : memref<128x768xf32, #tpu.memory_space<hbm>>)
      tpu.yield
    }) : () -> ()
    %add3A_31 = arith.constant 2520 : i32
    %add3A_32 = arith.addi %mul3A_2, %add3A_31 : i32
    %add3A_33 = arith.constant 0 : i32
    %add3A_34 = arith.addi %add3A_32, %add3A_33 : i32
    "tpu.region"() ({
      %run_scoped3A = tpu.sem_alloc : memref<!tpu.dma_semaphore, #tpu.memory_space<semaphore_mem>>
      %dma_start3A_201 = arith.constant 0 : i32
      %dma_start3A_202 = arith.constant 0 : i32
      %dma_start3A_203 = tpu.memref_slice %arg6[%dma_start3A_201, %dma_start3A_202] : memref<128x768xf32, #tpu.memory_space<vmem>> -> memref<128x768xf32, #tpu.memory_space<vmem>>
      %dma_start3A_204 = arith.constant 0 : i32
      %dma_start3A_205 = tpu.memref_slice %arg4[%add3A_34, %dma_start3A_204] : memref<161280x768xf32, #tpu.memory_space<hbm>> -> memref<128x768xf32, #tpu.memory_space<hbm>>
      %dma_start3A_206 = arith.constant 0 : i32
      %dma_start3A_207 = tpu.memref_slice %arg4[%add3A_34, %dma_start3A_206] : memref<161280x768xf32, #tpu.memory_space<hbm>> -> memref<128x768xf32, #tpu.memory_space<hbm>>
      %dma_start3A_208 = arith.constant 0 : i32
      %dma_start3A_209 = arith.constant 0 : i32
      %dma_start3A_210 = tpu.memref_slice %arg6[%dma_start3A_208, %dma_start3A_209] : memref<128x768xf32, #tpu.memory_space<vmem>> -> memref<128x768xf32, #tpu.memory_space<vmem>>
      tpu.enqueue_dma source(%dma_start3A_210 : memref<128x768xf32, #tpu.memory_space<vmem>>) target(%dma_start3A_207 : memref<128x768xf32, #tpu.memory_space<hbm>>) target_semaphore(%run_scoped3A : memref<!tpu.dma_semaphore, #tpu.memory_space<semaphore_mem>>)
      %dma_wait3A_211 = arith.constant 0 : i32
      %dma_wait3A_212 = arith.constant 0 : i32
      %dma_wait3A_213 = tpu.memref_slice %arg6[%dma_wait3A_211, %dma_wait3A_212] : memref<128x768xf32, #tpu.memory_space<vmem>> -> memref<128x768xf32, #tpu.memory_space<vmem>>
      %dma_wait3A_214 = arith.constant 0 : i32
      %dma_wait3A_215 = tpu.memref_slice %arg4[%add3A_34, %dma_wait3A_214] : memref<161280x768xf32, #tpu.memory_space<hbm>> -> memref<128x768xf32, #tpu.memory_space<hbm>>
      %dma_wait3A_216 = arith.constant 0 : i32
      %dma_wait3A_217 = tpu.memref_slice %arg4[%add3A_34, %dma_wait3A_216] : memref<161280x768xf32, #tpu.memory_space<hbm>> -> memref<128x768xf32, #tpu.memory_space<hbm>>
      %dma_wait3A_218 = arith.constant 0 : i32
      %dma_wait3A_219 = arith.constant 0 : i32
      %dma_wait3A_220 = tpu.memref_slice %arg6[%dma_wait3A_218, %dma_wait3A_219] : memref<128x768xf32, #tpu.memory_space<vmem>> -> memref<128x768xf32, #tpu.memory_space<vmem>>
      tpu.wait_dma2 semaphore(%run_scoped3A : memref<!tpu.dma_semaphore, #tpu.memory_space<semaphore_mem>>) src(%dma_wait3A_220 : memref<128x768xf32, #tpu.memory_space<vmem>>) dst(%dma_wait3A_217 : memref<128x768xf32, #tpu.memory_space<hbm>>)
      tpu.yield
    }) : () -> ()
    %add3A_35 = arith.constant 3024 : i32
    %add3A_36 = arith.addi %mul3A_2, %add3A_35 : i32
    %add3A_37 = arith.constant 0 : i32
    %add3A_38 = arith.addi %add3A_36, %add3A_37 : i32
    "tpu.region"() ({
      %run_scoped3A = tpu.sem_alloc : memref<!tpu.dma_semaphore, #tpu.memory_space<semaphore_mem>>
      %dma_start3A_201 = arith.constant 0 : i32
      %dma_start3A_202 = arith.constant 0 : i32
      %dma_start3A_203 = tpu.memref_slice %arg6[%dma_start3A_201, %dma_start3A_202] : memref<128x768xf32, #tpu.memory_space<vmem>> -> memref<128x768xf32, #tpu.memory_space<vmem>>
      %dma_start3A_204 = arith.constant 0 : i32
      %dma_start3A_205 = tpu.memref_slice %arg4[%add3A_38, %dma_start3A_204] : memref<161280x768xf32, #tpu.memory_space<hbm>> -> memref<128x768xf32, #tpu.memory_space<hbm>>
      %dma_start3A_206 = arith.constant 0 : i32
      %dma_start3A_207 = tpu.memref_slice %arg4[%add3A_38, %dma_start3A_206] : memref<161280x768xf32, #tpu.memory_space<hbm>> -> memref<128x768xf32, #tpu.memory_space<hbm>>
      %dma_start3A_208 = arith.constant 0 : i32
      %dma_start3A_209 = arith.constant 0 : i32
      %dma_start3A_210 = tpu.memref_slice %arg6[%dma_start3A_208, %dma_start3A_209] : memref<128x768xf32, #tpu.memory_space<vmem>> -> memref<128x768xf32, #tpu.memory_space<vmem>>
      tpu.enqueue_dma source(%dma_start3A_210 : memref<128x768xf32, #tpu.memory_space<vmem>>) target(%dma_start3A_207 : memref<128x768xf32, #tpu.memory_space<hbm>>) target_semaphore(%run_scoped3A : memref<!tpu.dma_semaphore, #tpu.memory_space<semaphore_mem>>)
      %dma_wait3A_211 = arith.constant 0 : i32
      %dma_wait3A_212 = arith.constant 0 : i32
      %dma_wait3A_213 = tpu.memref_slice %arg6[%dma_wait3A_211, %dma_wait3A_212] : memref<128x768xf32, #tpu.memory_space<vmem>> -> memref<128x768xf32, #tpu.memory_space<vmem>>
      %dma_wait3A_214 = arith.constant 0 : i32
      %dma_wait3A_215 = tpu.memref_slice %arg4[%add3A_38, %dma_wait3A_214] : memref<161280x768xf32, #tpu.memory_space<hbm>> -> memref<128x768xf32, #tpu.memory_space<hbm>>
      %dma_wait3A_216 = arith.constant 0 : i32
      %dma_wait3A_217 = tpu.memref_slice %arg4[%add3A_38, %dma_wait3A_216] : memref<161280x768xf32, #tpu.memory_space<hbm>> -> memref<128x768xf32, #tpu.memory_space<hbm>>
      %dma_wait3A_218 = arith.constant 0 : i32
      %dma_wait3A_219 = arith.constant 0 : i32
      %dma_wait3A_220 = tpu.memref_slice %arg6[%dma_wait3A_218, %dma_wait3A_219] : memref<128x768xf32, #tpu.memory_space<vmem>> -> memref<128x768xf32, #tpu.memory_space<vmem>>
      tpu.wait_dma2 semaphore(%run_scoped3A : memref<!tpu.dma_semaphore, #tpu.memory_space<semaphore_mem>>) src(%dma_wait3A_220 : memref<128x768xf32, #tpu.memory_space<vmem>>) dst(%dma_wait3A_217 : memref<128x768xf32, #tpu.memory_space<hbm>>)
      tpu.yield
    }) : () -> ()
    %add3A_39 = arith.constant 3528 : i32
    %add3A_40 = arith.addi %mul3A_2, %add3A_39 : i32
    %add3A_41 = arith.constant 0 : i32
    %add3A_42 = arith.addi %add3A_40, %add3A_41 : i32
    "tpu.region"() ({
      %run_scoped3A = tpu.sem_alloc : memref<!tpu.dma_semaphore, #tpu.memory_space<semaphore_mem>>
      %dma_start3A_201 = arith.constant 0 : i32
      %dma_start3A_202 = arith.constant 0 : i32
      %dma_start3A_203 = tpu.memref_slice %arg6[%dma_start3A_201, %dma_start3A_202] : memref<128x768xf32, #tpu.memory_space<vmem>> -> memref<128x768xf32, #tpu.memory_space<vmem>>
      %dma_start3A_204 = arith.constant 0 : i32
      %dma_start3A_205 = tpu.memref_slice %arg4[%add3A_42, %dma_start3A_204] : memref<161280x768xf32, #tpu.memory_space<hbm>> -> memref<128x768xf32, #tpu.memory_space<hbm>>
      %dma_start3A_206 = arith.constant 0 : i32
      %dma_start3A_207 = tpu.memref_slice %arg4[%add3A_42, %dma_start3A_206] : memref<161280x768xf32, #tpu.memory_space<hbm>> -> memref<128x768xf32, #tpu.memory_space<hbm>>
      %dma_start3A_208 = arith.constant 0 : i32
      %dma_start3A_209 = arith.constant 0 : i32
      %dma_start3A_210 = tpu.memref_slice %arg6[%dma_start3A_208, %dma_start3A_209] : memref<128x768xf32, #tpu.memory_space<vmem>> -> memref<128x768xf32, #tpu.memory_space<vmem>>
      tpu.enqueue_dma source(%dma_start3A_210 : memref<128x768xf32, #tpu.memory_space<vmem>>) target(%dma_start3A_207 : memref<128x768xf32, #tpu.memory_space<hbm>>) target_semaphore(%run_scoped3A : memref<!tpu.dma_semaphore, #tpu.memory_space<semaphore_mem>>)
      %dma_wait3A_211 = arith.constant 0 : i32
      %dma_wait3A_212 = arith.constant 0 : i32
      %dma_wait3A_213 = tpu.memref_slice %arg6[%dma_wait3A_211, %dma_wait3A_212] : memref<128x768xf32, #tpu.memory_space<vmem>> -> memref<128x768xf32, #tpu.memory_space<vmem>>
      %dma_wait3A_214 = arith.constant 0 : i32
      %dma_wait3A_215 = tpu.memref_slice %arg4[%add3A_42, %dma_wait3A_214] : memref<161280x768xf32, #tpu.memory_space<hbm>> -> memref<128x768xf32, #tpu.memory_space<hbm>>
      %dma_wait3A_216 = arith.constant 0 : i32
      %dma_wait3A_217 = tpu.memref_slice %arg4[%add3A_42, %dma_wait3A_216] : memref<161280x768xf32, #tpu.memory_space<hbm>> -> memref<128x768xf32, #tpu.memory_space<hbm>>
      %dma_wait3A_218 = arith.constant 0 : i32
      %dma_wait3A_219 = arith.constant 0 : i32
      %dma_wait3A_220 = tpu.memref_slice %arg6[%dma_wait3A_218, %dma_wait3A_219] : memref<128x768xf32, #tpu.memory_space<vmem>> -> memref<128x768xf32, #tpu.memory_space<vmem>>
      tpu.wait_dma2 semaphore(%run_scoped3A : memref<!tpu.dma_semaphore, #tpu.memory_space<semaphore_mem>>) src(%dma_wait3A_220 : memref<128x768xf32, #tpu.memory_space<vmem>>) dst(%dma_wait3A_217 : memref<128x768xf32, #tpu.memory_space<hbm>>)
      tpu.yield
    }) : () -> ()
    %add3A_43 = arith.constant 4032 : i32
    %add3A_44 = arith.addi %mul3A_2, %add3A_43 : i32
    %add3A_45 = arith.constant 0 : i32
    %add3A_46 = arith.addi %add3A_44, %add3A_45 : i32
    "tpu.region"() ({
      %run_scoped3A = tpu.sem_alloc : memref<!tpu.dma_semaphore, #tpu.memory_space<semaphore_mem>>
      %dma_start3A_201 = arith.constant 0 : i32
      %dma_start3A_202 = arith.constant 0 : i32
      %dma_start3A_203 = tpu.memref_slice %arg6[%dma_start3A_201, %dma_start3A_202] : memref<128x768xf32, #tpu.memory_space<vmem>> -> memref<128x768xf32, #tpu.memory_space<vmem>>
      %dma_start3A_204 = arith.constant 0 : i32
      %dma_start3A_205 = tpu.memref_slice %arg4[%add3A_46, %dma_start3A_204] : memref<161280x768xf32, #tpu.memory_space<hbm>> -> memref<128x768xf32, #tpu.memory_space<hbm>>
      %dma_start3A_206 = arith.constant 0 : i32
      %dma_start3A_207 = tpu.memref_slice %arg4[%add3A_46, %dma_start3A_206] : memref<161280x768xf32, #tpu.memory_space<hbm>> -> memref<128x768xf32, #tpu.memory_space<hbm>>
      %dma_start3A_208 = arith.constant 0 : i32
      %dma_start3A_209 = arith.constant 0 : i32
      %dma_start3A_210 = tpu.memref_slice %arg6[%dma_start3A_208, %dma_start3A_209] : memref<128x768xf32, #tpu.memory_space<vmem>> -> memref<128x768xf32, #tpu.memory_space<vmem>>
      tpu.enqueue_dma source(%dma_start3A_210 : memref<128x768xf32, #tpu.memory_space<vmem>>) target(%dma_start3A_207 : memref<128x768xf32, #tpu.memory_space<hbm>>) target_semaphore(%run_scoped3A : memref<!tpu.dma_semaphore, #tpu.memory_space<semaphore_mem>>)
      %dma_wait3A_211 = arith.constant 0 : i32
      %dma_wait3A_212 = arith.constant 0 : i32
      %dma_wait3A_213 = tpu.memref_slice %arg6[%dma_wait3A_211, %dma_wait3A_212] : memref<128x768xf32, #tpu.memory_space<vmem>> -> memref<128x768xf32, #tpu.memory_space<vmem>>
      %dma_wait3A_214 = arith.constant 0 : i32
      %dma_wait3A_215 = tpu.memref_slice %arg4[%add3A_46, %dma_wait3A_214] : memref<161280x768xf32, #tpu.memory_space<hbm>> -> memref<128x768xf32, #tpu.memory_space<hbm>>
      %dma_wait3A_216 = arith.constant 0 : i32
      %dma_wait3A_217 = tpu.memref_slice %arg4[%add3A_46, %dma_wait3A_216] : memref<161280x768xf32, #tpu.memory_space<hbm>> -> memref<128x768xf32, #tpu.memory_space<hbm>>
      %dma_wait3A_218 = arith.constant 0 : i32
      %dma_wait3A_219 = arith.constant 0 : i32
      %dma_wait3A_220 = tpu.memref_slice %arg6[%dma_wait3A_218, %dma_wait3A_219] : memref<128x768xf32, #tpu.memory_space<vmem>> -> memref<128x768xf32, #tpu.memory_space<vmem>>
      tpu.wait_dma2 semaphore(%run_scoped3A : memref<!tpu.dma_semaphore, #tpu.memory_space<semaphore_mem>>) src(%dma_wait3A_220 : memref<128x768xf32, #tpu.memory_space<vmem>>) dst(%dma_wait3A_217 : memref<128x768xf32, #tpu.memory_space<hbm>>)
      tpu.yield
    }) : () -> ()
    %add3A_47 = arith.constant 4536 : i32
    %add3A_48 = arith.addi %mul3A_2, %add3A_47 : i32
    %add3A_49 = arith.constant 0 : i32
    %add3A_50 = arith.addi %add3A_48, %add3A_49 : i32
    "tpu.region"() ({
      %run_scoped3A = tpu.sem_alloc : memref<!tpu.dma_semaphore, #tpu.memory_space<semaphore_mem>>
      %dma_start3A_201 = arith.constant 0 : i32
      %dma_start3A_202 = arith.constant 0 : i32
      %dma_start3A_203 = tpu.memref_slice %arg6[%dma_start3A_201, %dma_start3A_202] : memref<128x768xf32, #tpu.memory_space<vmem>> -> memref<128x768xf32, #tpu.memory_space<vmem>>
      %dma_start3A_204 = arith.constant 0 : i32
      %dma_start3A_205 = tpu.memref_slice %arg4[%add3A_50, %dma_start3A_204] : memref<161280x768xf32, #tpu.memory_space<hbm>> -> memref<128x768xf32, #tpu.memory_space<hbm>>
      %dma_start3A_206 = arith.constant 0 : i32
      %dma_start3A_207 = tpu.memref_slice %arg4[%add3A_50, %dma_start3A_206] : memref<161280x768xf32, #tpu.memory_space<hbm>> -> memref<128x768xf32, #tpu.memory_space<hbm>>
      %dma_start3A_208 = arith.constant 0 : i32
      %dma_start3A_209 = arith.constant 0 : i32
      %dma_start3A_210 = tpu.memref_slice %arg6[%dma_start3A_208, %dma_start3A_209] : memref<128x768xf32, #tpu.memory_space<vmem>> -> memref<128x768xf32, #tpu.memory_space<vmem>>
      tpu.enqueue_dma source(%dma_start3A_210 : memref<128x768xf32, #tpu.memory_space<vmem>>) target(%dma_start3A_207 : memref<128x768xf32, #tpu.memory_space<hbm>>) target_semaphore(%run_scoped3A : memref<!tpu.dma_semaphore, #tpu.memory_space<semaphore_mem>>)
      %dma_wait3A_211 = arith.constant 0 : i32
      %dma_wait3A_212 = arith.constant 0 : i32
      %dma_wait3A_213 = tpu.memref_slice %arg6[%dma_wait3A_211, %dma_wait3A_212] : memref<128x768xf32, #tpu.memory_space<vmem>> -> memref<128x768xf32, #tpu.memory_space<vmem>>
      %dma_wait3A_214 = arith.constant 0 : i32
      %dma_wait3A_215 = tpu.memref_slice %arg4[%add3A_50, %dma_wait3A_214] : memref<161280x768xf32, #tpu.memory_space<hbm>> -> memref<128x768xf32, #tpu.memory_space<hbm>>
      %dma_wait3A_216 = arith.constant 0 : i32
      %dma_wait3A_217 = tpu.memref_slice %arg4[%add3A_50, %dma_wait3A_216] : memref<161280x768xf32, #tpu.memory_space<hbm>> -> memref<128x768xf32, #tpu.memory_space<hbm>>
      %dma_wait3A_218 = arith.constant 0 : i32
      %dma_wait3A_219 = arith.constant 0 : i32
      %dma_wait3A_220 = tpu.memref_slice %arg6[%dma_wait3A_218, %dma_wait3A_219] : memref<128x768xf32, #tpu.memory_space<vmem>> -> memref<128x768xf32, #tpu.memory_space<vmem>>
      tpu.wait_dma2 semaphore(%run_scoped3A : memref<!tpu.dma_semaphore, #tpu.memory_space<semaphore_mem>>) src(%dma_wait3A_220 : memref<128x768xf32, #tpu.memory_space<vmem>>) dst(%dma_wait3A_217 : memref<128x768xf32, #tpu.memory_space<hbm>>)
      tpu.yield
    }) : () -> ()
    %dma_start3A_51 = arith.constant 128 : i32
    %dma_start3A_52 = tpu.memref_slice %arg5[%dma_start3A_51] : memref<512xi32, #tpu.memory_space<vmem>> -> memref<128xi32, #tpu.memory_space<vmem>>
    %dma_start3A_53 = arith.constant 0 : i32
    %dma_start3A_54 = arith.constant 0 : i32
    %dma_start3A_55 = tpu.memref_slice %arg2[%dma_start3A_53, %dma_start3A_54] : memref<32768x768xf32, #tpu.memory_space<hbm>> -> memref<32768x768xf32, #tpu.memory_space<hbm>>
    tpu.enqueue_indirect_dma source(%dma_start3A_55 : memref<32768x768xf32, #tpu.memory_space<hbm>>) target(%arg6 : memref<128x768xf32, #tpu.memory_space<vmem>>) offsets(%dma_start3A_52 : memref<128xi32, #tpu.memory_space<vmem>>) semaphore(%arg7 : memref<!tpu.dma_semaphore, #tpu.memory_space<semaphore_mem>>)
    %dma_wait3A_56 = arith.constant 128 : i32
    %dma_wait3A_57 = tpu.memref_slice %arg5[%dma_wait3A_56] : memref<512xi32, #tpu.memory_space<vmem>> -> memref<128xi32, #tpu.memory_space<vmem>>
    %dma_wait3A_58 = arith.constant 0 : i32
    %dma_wait3A_59 = arith.constant 0 : i32
    %dma_wait3A_60 = tpu.memref_slice %arg2[%dma_wait3A_58, %dma_wait3A_59] : memref<32768x768xf32, #tpu.memory_space<hbm>> -> memref<32768x768xf32, #tpu.memory_space<hbm>>
    tpu.wait_indirect_dma semaphore(%arg7 : memref<!tpu.dma_semaphore, #tpu.memory_space<semaphore_mem>>) src(%dma_wait3A_60 : memref<32768x768xf32, #tpu.memory_space<hbm>>) dst(%arg6 : memref<128x768xf32, #tpu.memory_space<vmem>>)
    %add3A_61 = arith.constant 0 : i32
    %add3A_62 = arith.addi %mul3A_2, %add3A_61 : i32
    %add3A_63 = arith.constant 128 : i32
    %add3A_64 = arith.addi %add3A_62, %add3A_63 : i32
    "tpu.region"() ({
      %run_scoped3A = tpu.sem_alloc : memref<!tpu.dma_semaphore, #tpu.memory_space<semaphore_mem>>
      %dma_start3A_201 = arith.constant 0 : i32
      %dma_start3A_202 = arith.constant 0 : i32
      %dma_start3A_203 = tpu.memref_slice %arg6[%dma_start3A_201, %dma_start3A_202] : memref<128x768xf32, #tpu.memory_space<vmem>> -> memref<128x768xf32, #tpu.memory_space<vmem>>
      %dma_start3A_204 = arith.constant 0 : i32
      %dma_start3A_205 = tpu.memref_slice %arg4[%add3A_64, %dma_start3A_204] : memref<161280x768xf32, #tpu.memory_space<hbm>> -> memref<128x768xf32, #tpu.memory_space<hbm>>
      %dma_start3A_206 = arith.constant 0 : i32
      %dma_start3A_207 = tpu.memref_slice %arg4[%add3A_64, %dma_start3A_206] : memref<161280x768xf32, #tpu.memory_space<hbm>> -> memref<128x768xf32, #tpu.memory_space<hbm>>
      %dma_start3A_208 = arith.constant 0 : i32
      %dma_start3A_209 = arith.constant 0 : i32
      %dma_start3A_210 = tpu.memref_slice %arg6[%dma_start3A_208, %dma_start3A_209] : memref<128x768xf32, #tpu.memory_space<vmem>> -> memref<128x768xf32, #tpu.memory_space<vmem>>
      tpu.enqueue_dma source(%dma_start3A_210 : memref<128x768xf32, #tpu.memory_space<vmem>>) target(%dma_start3A_207 : memref<128x768xf32, #tpu.memory_space<hbm>>) target_semaphore(%run_scoped3A : memref<!tpu.dma_semaphore, #tpu.memory_space<semaphore_mem>>)
      %dma_wait3A_211 = arith.constant 0 : i32
      %dma_wait3A_212 = arith.constant 0 : i32
      %dma_wait3A_213 = tpu.memref_slice %arg6[%dma_wait3A_211, %dma_wait3A_212] : memref<128x768xf32, #tpu.memory_space<vmem>> -> memref<128x768xf32, #tpu.memory_space<vmem>>
      %dma_wait3A_214 = arith.constant 0 : i32
      %dma_wait3A_215 = tpu.memref_slice %arg4[%add3A_64, %dma_wait3A_214] : memref<161280x768xf32, #tpu.memory_space<hbm>> -> memref<128x768xf32, #tpu.memory_space<hbm>>
      %dma_wait3A_216 = arith.constant 0 : i32
      %dma_wait3A_217 = tpu.memref_slice %arg4[%add3A_64, %dma_wait3A_216] : memref<161280x768xf32, #tpu.memory_space<hbm>> -> memref<128x768xf32, #tpu.memory_space<hbm>>
      %dma_wait3A_218 = arith.constant 0 : i32
      %dma_wait3A_219 = arith.constant 0 : i32
      %dma_wait3A_220 = tpu.memref_slice %arg6[%dma_wait3A_218, %dma_wait3A_219] : memref<128x768xf32, #tpu.memory_space<vmem>> -> memref<128x768xf32, #tpu.memory_space<vmem>>
      tpu.wait_dma2 semaphore(%run_scoped3A : memref<!tpu.dma_semaphore, #tpu.memory_space<semaphore_mem>>) src(%dma_wait3A_220 : memref<128x768xf32, #tpu.memory_space<vmem>>) dst(%dma_wait3A_217 : memref<128x768xf32, #tpu.memory_space<hbm>>)
      tpu.yield
    }) : () -> ()
    %add3A_65 = arith.constant 504 : i32
    %add3A_66 = arith.addi %mul3A_2, %add3A_65 : i32
    %add3A_67 = arith.constant 128 : i32
    %add3A_68 = arith.addi %add3A_66, %add3A_67 : i32
    "tpu.region"() ({
      %run_scoped3A = tpu.sem_alloc : memref<!tpu.dma_semaphore, #tpu.memory_space<semaphore_mem>>
      %dma_start3A_201 = arith.constant 0 : i32
      %dma_start3A_202 = arith.constant 0 : i32
      %dma_start3A_203 = tpu.memref_slice %arg6[%dma_start3A_201, %dma_start3A_202] : memref<128x768xf32, #tpu.memory_space<vmem>> -> memref<128x768xf32, #tpu.memory_space<vmem>>
      %dma_start3A_204 = arith.constant 0 : i32
      %dma_start3A_205 = tpu.memref_slice %arg4[%add3A_68, %dma_start3A_204] : memref<161280x768xf32, #tpu.memory_space<hbm>> -> memref<128x768xf32, #tpu.memory_space<hbm>>
      %dma_start3A_206 = arith.constant 0 : i32
      %dma_start3A_207 = tpu.memref_slice %arg4[%add3A_68, %dma_start3A_206] : memref<161280x768xf32, #tpu.memory_space<hbm>> -> memref<128x768xf32, #tpu.memory_space<hbm>>
      %dma_start3A_208 = arith.constant 0 : i32
      %dma_start3A_209 = arith.constant 0 : i32
      %dma_start3A_210 = tpu.memref_slice %arg6[%dma_start3A_208, %dma_start3A_209] : memref<128x768xf32, #tpu.memory_space<vmem>> -> memref<128x768xf32, #tpu.memory_space<vmem>>
      tpu.enqueue_dma source(%dma_start3A_210 : memref<128x768xf32, #tpu.memory_space<vmem>>) target(%dma_start3A_207 : memref<128x768xf32, #tpu.memory_space<hbm>>) target_semaphore(%run_scoped3A : memref<!tpu.dma_semaphore, #tpu.memory_space<semaphore_mem>>)
      %dma_wait3A_211 = arith.constant 0 : i32
      %dma_wait3A_212 = arith.constant 0 : i32
      %dma_wait3A_213 = tpu.memref_slice %arg6[%dma_wait3A_211, %dma_wait3A_212] : memref<128x768xf32, #tpu.memory_space<vmem>> -> memref<128x768xf32, #tpu.memory_space<vmem>>
      %dma_wait3A_214 = arith.constant 0 : i32
      %dma_wait3A_215 = tpu.memref_slice %arg4[%add3A_68, %dma_wait3A_214] : memref<161280x768xf32, #tpu.memory_space<hbm>> -> memref<128x768xf32, #tpu.memory_space<hbm>>
      %dma_wait3A_216 = arith.constant 0 : i32
      %dma_wait3A_217 = tpu.memref_slice %arg4[%add3A_68, %dma_wait3A_216] : memref<161280x768xf32, #tpu.memory_space<hbm>> -> memref<128x768xf32, #tpu.memory_space<hbm>>
      %dma_wait3A_218 = arith.constant 0 : i32
      %dma_wait3A_219 = arith.constant 0 : i32
      %dma_wait3A_220 = tpu.memref_slice %arg6[%dma_wait3A_218, %dma_wait3A_219] : memref<128x768xf32, #tpu.memory_space<vmem>> -> memref<128x768xf32, #tpu.memory_space<vmem>>
      tpu.wait_dma2 semaphore(%run_scoped3A : memref<!tpu.dma_semaphore, #tpu.memory_space<semaphore_mem>>) src(%dma_wait3A_220 : memref<128x768xf32, #tpu.memory_space<vmem>>) dst(%dma_wait3A_217 : memref<128x768xf32, #tpu.memory_space<hbm>>)
      tpu.yield
    }) : () -> ()
    %add3A_69 = arith.constant 1008 : i32
    %add3A_70 = arith.addi %mul3A_2, %add3A_69 : i32
    %add3A_71 = arith.constant 128 : i32
    %add3A_72 = arith.addi %add3A_70, %add3A_71 : i32
    "tpu.region"() ({
      %run_scoped3A = tpu.sem_alloc : memref<!tpu.dma_semaphore, #tpu.memory_space<semaphore_mem>>
      %dma_start3A_201 = arith.constant 0 : i32
      %dma_start3A_202 = arith.constant 0 : i32
      %dma_start3A_203 = tpu.memref_slice %arg6[%dma_start3A_201, %dma_start3A_202] : memref<128x768xf32, #tpu.memory_space<vmem>> -> memref<128x768xf32, #tpu.memory_space<vmem>>
      %dma_start3A_204 = arith.constant 0 : i32
      %dma_start3A_205 = tpu.memref_slice %arg4[%add3A_72, %dma_start3A_204] : memref<161280x768xf32, #tpu.memory_space<hbm>> -> memref<128x768xf32, #tpu.memory_space<hbm>>
      %dma_start3A_206 = arith.constant 0 : i32
      %dma_start3A_207 = tpu.memref_slice %arg4[%add3A_72, %dma_start3A_206] : memref<161280x768xf32, #tpu.memory_space<hbm>> -> memref<128x768xf32, #tpu.memory_space<hbm>>
      %dma_start3A_208 = arith.constant 0 : i32
      %dma_start3A_209 = arith.constant 0 : i32
      %dma_start3A_210 = tpu.memref_slice %arg6[%dma_start3A_208, %dma_start3A_209] : memref<128x768xf32, #tpu.memory_space<vmem>> -> memref<128x768xf32, #tpu.memory_space<vmem>>
      tpu.enqueue_dma source(%dma_start3A_210 : memref<128x768xf32, #tpu.memory_space<vmem>>) target(%dma_start3A_207 : memref<128x768xf32, #tpu.memory_space<hbm>>) target_semaphore(%run_scoped3A : memref<!tpu.dma_semaphore, #tpu.memory_space<semaphore_mem>>)
      %dma_wait3A_211 = arith.constant 0 : i32
      %dma_wait3A_212 = arith.constant 0 : i32
      %dma_wait3A_213 = tpu.memref_slice %arg6[%dma_wait3A_211, %dma_wait3A_212] : memref<128x768xf32, #tpu.memory_space<vmem>> -> memref<128x768xf32, #tpu.memory_space<vmem>>
      %dma_wait3A_214 = arith.constant 0 : i32
      %dma_wait3A_215 = tpu.memref_slice %arg4[%add3A_72, %dma_wait3A_214] : memref<161280x768xf32, #tpu.memory_space<hbm>> -> memref<128x768xf32, #tpu.memory_space<hbm>>
      %dma_wait3A_216 = arith.constant 0 : i32
      %dma_wait3A_217 = tpu.memref_slice %arg4[%add3A_72, %dma_wait3A_216] : memref<161280x768xf32, #tpu.memory_space<hbm>> -> memref<128x768xf32, #tpu.memory_space<hbm>>
      %dma_wait3A_218 = arith.constant 0 : i32
      %dma_wait3A_219 = arith.constant 0 : i32
      %dma_wait3A_220 = tpu.memref_slice %arg6[%dma_wait3A_218, %dma_wait3A_219] : memref<128x768xf32, #tpu.memory_space<vmem>> -> memref<128x768xf32, #tpu.memory_space<vmem>>
      tpu.wait_dma2 semaphore(%run_scoped3A : memref<!tpu.dma_semaphore, #tpu.memory_space<semaphore_mem>>) src(%dma_wait3A_220 : memref<128x768xf32, #tpu.memory_space<vmem>>) dst(%dma_wait3A_217 : memref<128x768xf32, #tpu.memory_space<hbm>>)
      tpu.yield
    }) : () -> ()
    %add3A_73 = arith.constant 1512 : i32
    %add3A_74 = arith.addi %mul3A_2, %add3A_73 : i32
    %add3A_75 = arith.constant 128 : i32
    %add3A_76 = arith.addi %add3A_74, %add3A_75 : i32
    "tpu.region"() ({
      %run_scoped3A = tpu.sem_alloc : memref<!tpu.dma_semaphore, #tpu.memory_space<semaphore_mem>>
      %dma_start3A_201 = arith.constant 0 : i32
      %dma_start3A_202 = arith.constant 0 : i32
      %dma_start3A_203 = tpu.memref_slice %arg6[%dma_start3A_201, %dma_start3A_202] : memref<128x768xf32, #tpu.memory_space<vmem>> -> memref<128x768xf32, #tpu.memory_space<vmem>>
      %dma_start3A_204 = arith.constant 0 : i32
      %dma_start3A_205 = tpu.memref_slice %arg4[%add3A_76, %dma_start3A_204] : memref<161280x768xf32, #tpu.memory_space<hbm>> -> memref<128x768xf32, #tpu.memory_space<hbm>>
      %dma_start3A_206 = arith.constant 0 : i32
      %dma_start3A_207 = tpu.memref_slice %arg4[%add3A_76, %dma_start3A_206] : memref<161280x768xf32, #tpu.memory_space<hbm>> -> memref<128x768xf32, #tpu.memory_space<hbm>>
      %dma_start3A_208 = arith.constant 0 : i32
      %dma_start3A_209 = arith.constant 0 : i32
      %dma_start3A_210 = tpu.memref_slice %arg6[%dma_start3A_208, %dma_start3A_209] : memref<128x768xf32, #tpu.memory_space<vmem>> -> memref<128x768xf32, #tpu.memory_space<vmem>>
      tpu.enqueue_dma source(%dma_start3A_210 : memref<128x768xf32, #tpu.memory_space<vmem>>) target(%dma_start3A_207 : memref<128x768xf32, #tpu.memory_space<hbm>>) target_semaphore(%run_scoped3A : memref<!tpu.dma_semaphore, #tpu.memory_space<semaphore_mem>>)
      %dma_wait3A_211 = arith.constant 0 : i32
      %dma_wait3A_212 = arith.constant 0 : i32
      %dma_wait3A_213 = tpu.memref_slice %arg6[%dma_wait3A_211, %dma_wait3A_212] : memref<128x768xf32, #tpu.memory_space<vmem>> -> memref<128x768xf32, #tpu.memory_space<vmem>>
      %dma_wait3A_214 = arith.constant 0 : i32
      %dma_wait3A_215 = tpu.memref_slice %arg4[%add3A_76, %dma_wait3A_214] : memref<161280x768xf32, #tpu.memory_space<hbm>> -> memref<128x768xf32, #tpu.memory_space<hbm>>
      %dma_wait3A_216 = arith.constant 0 : i32
      %dma_wait3A_217 = tpu.memref_slice %arg4[%add3A_76, %dma_wait3A_216] : memref<161280x768xf32, #tpu.memory_space<hbm>> -> memref<128x768xf32, #tpu.memory_space<hbm>>
      %dma_wait3A_218 = arith.constant 0 : i32
      %dma_wait3A_219 = arith.constant 0 : i32
      %dma_wait3A_220 = tpu.memref_slice %arg6[%dma_wait3A_218, %dma_wait3A_219] : memref<128x768xf32, #tpu.memory_space<vmem>> -> memref<128x768xf32, #tpu.memory_space<vmem>>
      tpu.wait_dma2 semaphore(%run_scoped3A : memref<!tpu.dma_semaphore, #tpu.memory_space<semaphore_mem>>) src(%dma_wait3A_220 : memref<128x768xf32, #tpu.memory_space<vmem>>) dst(%dma_wait3A_217 : memref<128x768xf32, #tpu.memory_space<hbm>>)
      tpu.yield
    }) : () -> ()
    %add3A_77 = arith.constant 2016 : i32
    %add3A_78 = arith.addi %mul3A_2, %add3A_77 : i32
    %add3A_79 = arith.constant 128 : i32
    %add3A_80 = arith.addi %add3A_78, %add3A_79 : i32
    "tpu.region"() ({
      %run_scoped3A = tpu.sem_alloc : memref<!tpu.dma_semaphore, #tpu.memory_space<semaphore_mem>>
      %dma_start3A_201 = arith.constant 0 : i32
      %dma_start3A_202 = arith.constant 0 : i32
      %dma_start3A_203 = tpu.memref_slice %arg6[%dma_start3A_201, %dma_start3A_202] : memref<128x768xf32, #tpu.memory_space<vmem>> -> memref<128x768xf32, #tpu.memory_space<vmem>>
      %dma_start3A_204 = arith.constant 0 : i32
      %dma_start3A_205 = tpu.memref_slice %arg4[%add3A_80, %dma_start3A_204] : memref<161280x768xf32, #tpu.memory_space<hbm>> -> memref<128x768xf32, #tpu.memory_space<hbm>>
      %dma_start3A_206 = arith.constant 0 : i32
      %dma_start3A_207 = tpu.memref_slice %arg4[%add3A_80, %dma_start3A_206] : memref<161280x768xf32, #tpu.memory_space<hbm>> -> memref<128x768xf32, #tpu.memory_space<hbm>>
      %dma_start3A_208 = arith.constant 0 : i32
      %dma_start3A_209 = arith.constant 0 : i32
      %dma_start3A_210 = tpu.memref_slice %arg6[%dma_start3A_208, %dma_start3A_209] : memref<128x768xf32, #tpu.memory_space<vmem>> -> memref<128x768xf32, #tpu.memory_space<vmem>>
      tpu.enqueue_dma source(%dma_start3A_210 : memref<128x768xf32, #tpu.memory_space<vmem>>) target(%dma_start3A_207 : memref<128x768xf32, #tpu.memory_space<hbm>>) target_semaphore(%run_scoped3A : memref<!tpu.dma_semaphore, #tpu.memory_space<semaphore_mem>>)
      %dma_wait3A_211 = arith.constant 0 : i32
      %dma_wait3A_212 = arith.constant 0 : i32
      %dma_wait3A_213 = tpu.memref_slice %arg6[%dma_wait3A_211, %dma_wait3A_212] : memref<128x768xf32, #tpu.memory_space<vmem>> -> memref<128x768xf32, #tpu.memory_space<vmem>>
      %dma_wait3A_214 = arith.constant 0 : i32
      %dma_wait3A_215 = tpu.memref_slice %arg4[%add3A_80, %dma_wait3A_214] : memref<161280x768xf32, #tpu.memory_space<hbm>> -> memref<128x768xf32, #tpu.memory_space<hbm>>
      %dma_wait3A_216 = arith.constant 0 : i32
      %dma_wait3A_217 = tpu.memref_slice %arg4[%add3A_80, %dma_wait3A_216] : memref<161280x768xf32, #tpu.memory_space<hbm>> -> memref<128x768xf32, #tpu.memory_space<hbm>>
      %dma_wait3A_218 = arith.constant 0 : i32
      %dma_wait3A_219 = arith.constant 0 : i32
      %dma_wait3A_220 = tpu.memref_slice %arg6[%dma_wait3A_218, %dma_wait3A_219] : memref<128x768xf32, #tpu.memory_space<vmem>> -> memref<128x768xf32, #tpu.memory_space<vmem>>
      tpu.wait_dma2 semaphore(%run_scoped3A : memref<!tpu.dma_semaphore, #tpu.memory_space<semaphore_mem>>) src(%dma_wait3A_220 : memref<128x768xf32, #tpu.memory_space<vmem>>) dst(%dma_wait3A_217 : memref<128x768xf32, #tpu.memory_space<hbm>>)
      tpu.yield
    }) : () -> ()
    %add3A_81 = arith.constant 2520 : i32
    %add3A_82 = arith.addi %mul3A_2, %add3A_81 : i32
    %add3A_83 = arith.constant 128 : i32
    %add3A_84 = arith.addi %add3A_82, %add3A_83 : i32
    "tpu.region"() ({
      %run_scoped3A = tpu.sem_alloc : memref<!tpu.dma_semaphore, #tpu.memory_space<semaphore_mem>>
      %dma_start3A_201 = arith.constant 0 : i32
      %dma_start3A_202 = arith.constant 0 : i32
      %dma_start3A_203 = tpu.memref_slice %arg6[%dma_start3A_201, %dma_start3A_202] : memref<128x768xf32, #tpu.memory_space<vmem>> -> memref<128x768xf32, #tpu.memory_space<vmem>>
      %dma_start3A_204 = arith.constant 0 : i32
      %dma_start3A_205 = tpu.memref_slice %arg4[%add3A_84, %dma_start3A_204] : memref<161280x768xf32, #tpu.memory_space<hbm>> -> memref<128x768xf32, #tpu.memory_space<hbm>>
      %dma_start3A_206 = arith.constant 0 : i32
      %dma_start3A_207 = tpu.memref_slice %arg4[%add3A_84, %dma_start3A_206] : memref<161280x768xf32, #tpu.memory_space<hbm>> -> memref<128x768xf32, #tpu.memory_space<hbm>>
      %dma_start3A_208 = arith.constant 0 : i32
      %dma_start3A_209 = arith.constant 0 : i32
      %dma_start3A_210 = tpu.memref_slice %arg6[%dma_start3A_208, %dma_start3A_209] : memref<128x768xf32, #tpu.memory_space<vmem>> -> memref<128x768xf32, #tpu.memory_space<vmem>>
      tpu.enqueue_dma source(%dma_start3A_210 : memref<128x768xf32, #tpu.memory_space<vmem>>) target(%dma_start3A_207 : memref<128x768xf32, #tpu.memory_space<hbm>>) target_semaphore(%run_scoped3A : memref<!tpu.dma_semaphore, #tpu.memory_space<semaphore_mem>>)
      %dma_wait3A_211 = arith.constant 0 : i32
      %dma_wait3A_212 = arith.constant 0 : i32
      %dma_wait3A_213 = tpu.memref_slice %arg6[%dma_wait3A_211, %dma_wait3A_212] : memref<128x768xf32, #tpu.memory_space<vmem>> -> memref<128x768xf32, #tpu.memory_space<vmem>>
      %dma_wait3A_214 = arith.constant 0 : i32
      %dma_wait3A_215 = tpu.memref_slice %arg4[%add3A_84, %dma_wait3A_214] : memref<161280x768xf32, #tpu.memory_space<hbm>> -> memref<128x768xf32, #tpu.memory_space<hbm>>
      %dma_wait3A_216 = arith.constant 0 : i32
      %dma_wait3A_217 = tpu.memref_slice %arg4[%add3A_84, %dma_wait3A_216] : memref<161280x768xf32, #tpu.memory_space<hbm>> -> memref<128x768xf32, #tpu.memory_space<hbm>>
      %dma_wait3A_218 = arith.constant 0 : i32
      %dma_wait3A_219 = arith.constant 0 : i32
      %dma_wait3A_220 = tpu.memref_slice %arg6[%dma_wait3A_218, %dma_wait3A_219] : memref<128x768xf32, #tpu.memory_space<vmem>> -> memref<128x768xf32, #tpu.memory_space<vmem>>
      tpu.wait_dma2 semaphore(%run_scoped3A : memref<!tpu.dma_semaphore, #tpu.memory_space<semaphore_mem>>) src(%dma_wait3A_220 : memref<128x768xf32, #tpu.memory_space<vmem>>) dst(%dma_wait3A_217 : memref<128x768xf32, #tpu.memory_space<hbm>>)
      tpu.yield
    }) : () -> ()
    %add3A_85 = arith.constant 3024 : i32
    %add3A_86 = arith.addi %mul3A_2, %add3A_85 : i32
    %add3A_87 = arith.constant 128 : i32
    %add3A_88 = arith.addi %add3A_86, %add3A_87 : i32
    "tpu.region"() ({
      %run_scoped3A = tpu.sem_alloc : memref<!tpu.dma_semaphore, #tpu.memory_space<semaphore_mem>>
      %dma_start3A_201 = arith.constant 0 : i32
      %dma_start3A_202 = arith.constant 0 : i32
      %dma_start3A_203 = tpu.memref_slice %arg6[%dma_start3A_201, %dma_start3A_202] : memref<128x768xf32, #tpu.memory_space<vmem>> -> memref<128x768xf32, #tpu.memory_space<vmem>>
      %dma_start3A_204 = arith.constant 0 : i32
      %dma_start3A_205 = tpu.memref_slice %arg4[%add3A_88, %dma_start3A_204] : memref<161280x768xf32, #tpu.memory_space<hbm>> -> memref<128x768xf32, #tpu.memory_space<hbm>>
      %dma_start3A_206 = arith.constant 0 : i32
      %dma_start3A_207 = tpu.memref_slice %arg4[%add3A_88, %dma_start3A_206] : memref<161280x768xf32, #tpu.memory_space<hbm>> -> memref<128x768xf32, #tpu.memory_space<hbm>>
      %dma_start3A_208 = arith.constant 0 : i32
      %dma_start3A_209 = arith.constant 0 : i32
      %dma_start3A_210 = tpu.memref_slice %arg6[%dma_start3A_208, %dma_start3A_209] : memref<128x768xf32, #tpu.memory_space<vmem>> -> memref<128x768xf32, #tpu.memory_space<vmem>>
      tpu.enqueue_dma source(%dma_start3A_210 : memref<128x768xf32, #tpu.memory_space<vmem>>) target(%dma_start3A_207 : memref<128x768xf32, #tpu.memory_space<hbm>>) target_semaphore(%run_scoped3A : memref<!tpu.dma_semaphore, #tpu.memory_space<semaphore_mem>>)
      %dma_wait3A_211 = arith.constant 0 : i32
      %dma_wait3A_212 = arith.constant 0 : i32
      %dma_wait3A_213 = tpu.memref_slice %arg6[%dma_wait3A_211, %dma_wait3A_212] : memref<128x768xf32, #tpu.memory_space<vmem>> -> memref<128x768xf32, #tpu.memory_space<vmem>>
      %dma_wait3A_214 = arith.constant 0 : i32
      %dma_wait3A_215 = tpu.memref_slice %arg4[%add3A_88, %dma_wait3A_214] : memref<161280x768xf32, #tpu.memory_space<hbm>> -> memref<128x768xf32, #tpu.memory_space<hbm>>
      %dma_wait3A_216 = arith.constant 0 : i32
      %dma_wait3A_217 = tpu.memref_slice %arg4[%add3A_88, %dma_wait3A_216] : memref<161280x768xf32, #tpu.memory_space<hbm>> -> memref<128x768xf32, #tpu.memory_space<hbm>>
      %dma_wait3A_218 = arith.constant 0 : i32
      %dma_wait3A_219 = arith.constant 0 : i32
      %dma_wait3A_220 = tpu.memref_slice %arg6[%dma_wait3A_218, %dma_wait3A_219] : memref<128x768xf32, #tpu.memory_space<vmem>> -> memref<128x768xf32, #tpu.memory_space<vmem>>
      tpu.wait_dma2 semaphore(%run_scoped3A : memref<!tpu.dma_semaphore, #tpu.memory_space<semaphore_mem>>) src(%dma_wait3A_220 : memref<128x768xf32, #tpu.memory_space<vmem>>) dst(%dma_wait3A_217 : memref<128x768xf32, #tpu.memory_space<hbm>>)
      tpu.yield
    }) : () -> ()
    %add3A_89 = arith.constant 3528 : i32
    %add3A_90 = arith.addi %mul3A_2, %add3A_89 : i32
    %add3A_91 = arith.constant 128 : i32
    %add3A_92 = arith.addi %add3A_90, %add3A_91 : i32
    "tpu.region"() ({
      %run_scoped3A = tpu.sem_alloc : memref<!tpu.dma_semaphore, #tpu.memory_space<semaphore_mem>>
      %dma_start3A_201 = arith.constant 0 : i32
      %dma_start3A_202 = arith.constant 0 : i32
      %dma_start3A_203 = tpu.memref_slice %arg6[%dma_start3A_201, %dma_start3A_202] : memref<128x768xf32, #tpu.memory_space<vmem>> -> memref<128x768xf32, #tpu.memory_space<vmem>>
      %dma_start3A_204 = arith.constant 0 : i32
      %dma_start3A_205 = tpu.memref_slice %arg4[%add3A_92, %dma_start3A_204] : memref<161280x768xf32, #tpu.memory_space<hbm>> -> memref<128x768xf32, #tpu.memory_space<hbm>>
      %dma_start3A_206 = arith.constant 0 : i32
      %dma_start3A_207 = tpu.memref_slice %arg4[%add3A_92, %dma_start3A_206] : memref<161280x768xf32, #tpu.memory_space<hbm>> -> memref<128x768xf32, #tpu.memory_space<hbm>>
      %dma_start3A_208 = arith.constant 0 : i32
      %dma_start3A_209 = arith.constant 0 : i32
      %dma_start3A_210 = tpu.memref_slice %arg6[%dma_start3A_208, %dma_start3A_209] : memref<128x768xf32, #tpu.memory_space<vmem>> -> memref<128x768xf32, #tpu.memory_space<vmem>>
      tpu.enqueue_dma source(%dma_start3A_210 : memref<128x768xf32, #tpu.memory_space<vmem>>) target(%dma_start3A_207 : memref<128x768xf32, #tpu.memory_space<hbm>>) target_semaphore(%run_scoped3A : memref<!tpu.dma_semaphore, #tpu.memory_space<semaphore_mem>>)
      %dma_wait3A_211 = arith.constant 0 : i32
      %dma_wait3A_212 = arith.constant 0 : i32
      %dma_wait3A_213 = tpu.memref_slice %arg6[%dma_wait3A_211, %dma_wait3A_212] : memref<128x768xf32, #tpu.memory_space<vmem>> -> memref<128x768xf32, #tpu.memory_space<vmem>>
      %dma_wait3A_214 = arith.constant 0 : i32
      %dma_wait3A_215 = tpu.memref_slice %arg4[%add3A_92, %dma_wait3A_214] : memref<161280x768xf32, #tpu.memory_space<hbm>> -> memref<128x768xf32, #tpu.memory_space<hbm>>
      %dma_wait3A_216 = arith.constant 0 : i32
      %dma_wait3A_217 = tpu.memref_slice %arg4[%add3A_92, %dma_wait3A_216] : memref<161280x768xf32, #tpu.memory_space<hbm>> -> memref<128x768xf32, #tpu.memory_space<hbm>>
      %dma_wait3A_218 = arith.constant 0 : i32
      %dma_wait3A_219 = arith.constant 0 : i32
      %dma_wait3A_220 = tpu.memref_slice %arg6[%dma_wait3A_218, %dma_wait3A_219] : memref<128x768xf32, #tpu.memory_space<vmem>> -> memref<128x768xf32, #tpu.memory_space<vmem>>
      tpu.wait_dma2 semaphore(%run_scoped3A : memref<!tpu.dma_semaphore, #tpu.memory_space<semaphore_mem>>) src(%dma_wait3A_220 : memref<128x768xf32, #tpu.memory_space<vmem>>) dst(%dma_wait3A_217 : memref<128x768xf32, #tpu.memory_space<hbm>>)
      tpu.yield
    }) : () -> ()
    %add3A_93 = arith.constant 4032 : i32
    %add3A_94 = arith.addi %mul3A_2, %add3A_93 : i32
    %add3A_95 = arith.constant 128 : i32
    %add3A_96 = arith.addi %add3A_94, %add3A_95 : i32
    "tpu.region"() ({
      %run_scoped3A = tpu.sem_alloc : memref<!tpu.dma_semaphore, #tpu.memory_space<semaphore_mem>>
      %dma_start3A_201 = arith.constant 0 : i32
      %dma_start3A_202 = arith.constant 0 : i32
      %dma_start3A_203 = tpu.memref_slice %arg6[%dma_start3A_201, %dma_start3A_202] : memref<128x768xf32, #tpu.memory_space<vmem>> -> memref<128x768xf32, #tpu.memory_space<vmem>>
      %dma_start3A_204 = arith.constant 0 : i32
      %dma_start3A_205 = tpu.memref_slice %arg4[%add3A_96, %dma_start3A_204] : memref<161280x768xf32, #tpu.memory_space<hbm>> -> memref<128x768xf32, #tpu.memory_space<hbm>>
      %dma_start3A_206 = arith.constant 0 : i32
      %dma_start3A_207 = tpu.memref_slice %arg4[%add3A_96, %dma_start3A_206] : memref<161280x768xf32, #tpu.memory_space<hbm>> -> memref<128x768xf32, #tpu.memory_space<hbm>>
      %dma_start3A_208 = arith.constant 0 : i32
      %dma_start3A_209 = arith.constant 0 : i32
      %dma_start3A_210 = tpu.memref_slice %arg6[%dma_start3A_208, %dma_start3A_209] : memref<128x768xf32, #tpu.memory_space<vmem>> -> memref<128x768xf32, #tpu.memory_space<vmem>>
      tpu.enqueue_dma source(%dma_start3A_210 : memref<128x768xf32, #tpu.memory_space<vmem>>) target(%dma_start3A_207 : memref<128x768xf32, #tpu.memory_space<hbm>>) target_semaphore(%run_scoped3A : memref<!tpu.dma_semaphore, #tpu.memory_space<semaphore_mem>>)
      %dma_wait3A_211 = arith.constant 0 : i32
      %dma_wait3A_212 = arith.constant 0 : i32
      %dma_wait3A_213 = tpu.memref_slice %arg6[%dma_wait3A_211, %dma_wait3A_212] : memref<128x768xf32, #tpu.memory_space<vmem>> -> memref<128x768xf32, #tpu.memory_space<vmem>>
      %dma_wait3A_214 = arith.constant 0 : i32
      %dma_wait3A_215 = tpu.memref_slice %arg4[%add3A_96, %dma_wait3A_214] : memref<161280x768xf32, #tpu.memory_space<hbm>> -> memref<128x768xf32, #tpu.memory_space<hbm>>
      %dma_wait3A_216 = arith.constant 0 : i32
      %dma_wait3A_217 = tpu.memref_slice %arg4[%add3A_96, %dma_wait3A_216] : memref<161280x768xf32, #tpu.memory_space<hbm>> -> memref<128x768xf32, #tpu.memory_space<hbm>>
      %dma_wait3A_218 = arith.constant 0 : i32
      %dma_wait3A_219 = arith.constant 0 : i32
      %dma_wait3A_220 = tpu.memref_slice %arg6[%dma_wait3A_218, %dma_wait3A_219] : memref<128x768xf32, #tpu.memory_space<vmem>> -> memref<128x768xf32, #tpu.memory_space<vmem>>
      tpu.wait_dma2 semaphore(%run_scoped3A : memref<!tpu.dma_semaphore, #tpu.memory_space<semaphore_mem>>) src(%dma_wait3A_220 : memref<128x768xf32, #tpu.memory_space<vmem>>) dst(%dma_wait3A_217 : memref<128x768xf32, #tpu.memory_space<hbm>>)
      tpu.yield
    }) : () -> ()
    %add3A_97 = arith.constant 4536 : i32
    %add3A_98 = arith.addi %mul3A_2, %add3A_97 : i32
    %add3A_99 = arith.constant 128 : i32
    %add3A_100 = arith.addi %add3A_98, %add3A_99 : i32
    "tpu.region"() ({
      %run_scoped3A = tpu.sem_alloc : memref<!tpu.dma_semaphore, #tpu.memory_space<semaphore_mem>>
      %dma_start3A_201 = arith.constant 0 : i32
      %dma_start3A_202 = arith.constant 0 : i32
      %dma_start3A_203 = tpu.memref_slice %arg6[%dma_start3A_201, %dma_start3A_202] : memref<128x768xf32, #tpu.memory_space<vmem>> -> memref<128x768xf32, #tpu.memory_space<vmem>>
      %dma_start3A_204 = arith.constant 0 : i32
      %dma_start3A_205 = tpu.memref_slice %arg4[%add3A_100, %dma_start3A_204] : memref<161280x768xf32, #tpu.memory_space<hbm>> -> memref<128x768xf32, #tpu.memory_space<hbm>>
      %dma_start3A_206 = arith.constant 0 : i32
      %dma_start3A_207 = tpu.memref_slice %arg4[%add3A_100, %dma_start3A_206] : memref<161280x768xf32, #tpu.memory_space<hbm>> -> memref<128x768xf32, #tpu.memory_space<hbm>>
      %dma_start3A_208 = arith.constant 0 : i32
      %dma_start3A_209 = arith.constant 0 : i32
      %dma_start3A_210 = tpu.memref_slice %arg6[%dma_start3A_208, %dma_start3A_209] : memref<128x768xf32, #tpu.memory_space<vmem>> -> memref<128x768xf32, #tpu.memory_space<vmem>>
      tpu.enqueue_dma source(%dma_start3A_210 : memref<128x768xf32, #tpu.memory_space<vmem>>) target(%dma_start3A_207 : memref<128x768xf32, #tpu.memory_space<hbm>>) target_semaphore(%run_scoped3A : memref<!tpu.dma_semaphore, #tpu.memory_space<semaphore_mem>>)
      %dma_wait3A_211 = arith.constant 0 : i32
      %dma_wait3A_212 = arith.constant 0 : i32
      %dma_wait3A_213 = tpu.memref_slice %arg6[%dma_wait3A_211, %dma_wait3A_212] : memref<128x768xf32, #tpu.memory_space<vmem>> -> memref<128x768xf32, #tpu.memory_space<vmem>>
      %dma_wait3A_214 = arith.constant 0 : i32
      %dma_wait3A_215 = tpu.memref_slice %arg4[%add3A_100, %dma_wait3A_214] : memref<161280x768xf32, #tpu.memory_space<hbm>> -> memref<128x768xf32, #tpu.memory_space<hbm>>
      %dma_wait3A_216 = arith.constant 0 : i32
      %dma_wait3A_217 = tpu.memref_slice %arg4[%add3A_100, %dma_wait3A_216] : memref<161280x768xf32, #tpu.memory_space<hbm>> -> memref<128x768xf32, #tpu.memory_space<hbm>>
      %dma_wait3A_218 = arith.constant 0 : i32
      %dma_wait3A_219 = arith.constant 0 : i32
      %dma_wait3A_220 = tpu.memref_slice %arg6[%dma_wait3A_218, %dma_wait3A_219] : memref<128x768xf32, #tpu.memory_space<vmem>> -> memref<128x768xf32, #tpu.memory_space<vmem>>
      tpu.wait_dma2 semaphore(%run_scoped3A : memref<!tpu.dma_semaphore, #tpu.memory_space<semaphore_mem>>) src(%dma_wait3A_220 : memref<128x768xf32, #tpu.memory_space<vmem>>) dst(%dma_wait3A_217 : memref<128x768xf32, #tpu.memory_space<hbm>>)
      tpu.yield
    }) : () -> ()
    %dma_start3A_101 = arith.constant 256 : i32
    %dma_start3A_102 = tpu.memref_slice %arg5[%dma_start3A_101] : memref<512xi32, #tpu.memory_space<vmem>> -> memref<128xi32, #tpu.memory_space<vmem>>
    %dma_start3A_103 = arith.constant 0 : i32
    %dma_start3A_104 = arith.constant 0 : i32
    %dma_start3A_105 = tpu.memref_slice %arg2[%dma_start3A_103, %dma_start3A_104] : memref<32768x768xf32, #tpu.memory_space<hbm>> -> memref<32768x768xf32, #tpu.memory_space<hbm>>
    tpu.enqueue_indirect_dma source(%dma_start3A_105 : memref<32768x768xf32, #tpu.memory_space<hbm>>) target(%arg6 : memref<128x768xf32, #tpu.memory_space<vmem>>) offsets(%dma_start3A_102 : memref<128xi32, #tpu.memory_space<vmem>>) semaphore(%arg7 : memref<!tpu.dma_semaphore, #tpu.memory_space<semaphore_mem>>)
    %dma_wait3A_106 = arith.constant 256 : i32
    %dma_wait3A_107 = tpu.memref_slice %arg5[%dma_wait3A_106] : memref<512xi32, #tpu.memory_space<vmem>> -> memref<128xi32, #tpu.memory_space<vmem>>
    %dma_wait3A_108 = arith.constant 0 : i32
    %dma_wait3A_109 = arith.constant 0 : i32
    %dma_wait3A_110 = tpu.memref_slice %arg2[%dma_wait3A_108, %dma_wait3A_109] : memref<32768x768xf32, #tpu.memory_space<hbm>> -> memref<32768x768xf32, #tpu.memory_space<hbm>>
    tpu.wait_indirect_dma semaphore(%arg7 : memref<!tpu.dma_semaphore, #tpu.memory_space<semaphore_mem>>) src(%dma_wait3A_110 : memref<32768x768xf32, #tpu.memory_space<hbm>>) dst(%arg6 : memref<128x768xf32, #tpu.memory_space<vmem>>)
    %add3A_111 = arith.constant 0 : i32
    %add3A_112 = arith.addi %mul3A_2, %add3A_111 : i32
    %add3A_113 = arith.constant 256 : i32
    %add3A_114 = arith.addi %add3A_112, %add3A_113 : i32
    "tpu.region"() ({
      %run_scoped3A = tpu.sem_alloc : memref<!tpu.dma_semaphore, #tpu.memory_space<semaphore_mem>>
      %dma_start3A_201 = arith.constant 0 : i32
      %dma_start3A_202 = arith.constant 0 : i32
      %dma_start3A_203 = tpu.memref_slice %arg6[%dma_start3A_201, %dma_start3A_202] : memref<128x768xf32, #tpu.memory_space<vmem>> -> memref<128x768xf32, #tpu.memory_space<vmem>>
      %dma_start3A_204 = arith.constant 0 : i32
      %dma_start3A_205 = tpu.memref_slice %arg4[%add3A_114, %dma_start3A_204] : memref<161280x768xf32, #tpu.memory_space<hbm>> -> memref<128x768xf32, #tpu.memory_space<hbm>>
      %dma_start3A_206 = arith.constant 0 : i32
      %dma_start3A_207 = tpu.memref_slice %arg4[%add3A_114, %dma_start3A_206] : memref<161280x768xf32, #tpu.memory_space<hbm>> -> memref<128x768xf32, #tpu.memory_space<hbm>>
      %dma_start3A_208 = arith.constant 0 : i32
      %dma_start3A_209 = arith.constant 0 : i32
      %dma_start3A_210 = tpu.memref_slice %arg6[%dma_start3A_208, %dma_start3A_209] : memref<128x768xf32, #tpu.memory_space<vmem>> -> memref<128x768xf32, #tpu.memory_space<vmem>>
      tpu.enqueue_dma source(%dma_start3A_210 : memref<128x768xf32, #tpu.memory_space<vmem>>) target(%dma_start3A_207 : memref<128x768xf32, #tpu.memory_space<hbm>>) target_semaphore(%run_scoped3A : memref<!tpu.dma_semaphore, #tpu.memory_space<semaphore_mem>>)
      %dma_wait3A_211 = arith.constant 0 : i32
      %dma_wait3A_212 = arith.constant 0 : i32
      %dma_wait3A_213 = tpu.memref_slice %arg6[%dma_wait3A_211, %dma_wait3A_212] : memref<128x768xf32, #tpu.memory_space<vmem>> -> memref<128x768xf32, #tpu.memory_space<vmem>>
      %dma_wait3A_214 = arith.constant 0 : i32
      %dma_wait3A_215 = tpu.memref_slice %arg4[%add3A_114, %dma_wait3A_214] : memref<161280x768xf32, #tpu.memory_space<hbm>> -> memref<128x768xf32, #tpu.memory_space<hbm>>
      %dma_wait3A_216 = arith.constant 0 : i32
      %dma_wait3A_217 = tpu.memref_slice %arg4[%add3A_114, %dma_wait3A_216] : memref<161280x768xf32, #tpu.memory_space<hbm>> -> memref<128x768xf32, #tpu.memory_space<hbm>>
      %dma_wait3A_218 = arith.constant 0 : i32
      %dma_wait3A_219 = arith.constant 0 : i32
      %dma_wait3A_220 = tpu.memref_slice %arg6[%dma_wait3A_218, %dma_wait3A_219] : memref<128x768xf32, #tpu.memory_space<vmem>> -> memref<128x768xf32, #tpu.memory_space<vmem>>
      tpu.wait_dma2 semaphore(%run_scoped3A : memref<!tpu.dma_semaphore, #tpu.memory_space<semaphore_mem>>) src(%dma_wait3A_220 : memref<128x768xf32, #tpu.memory_space<vmem>>) dst(%dma_wait3A_217 : memref<128x768xf32, #tpu.memory_space<hbm>>)
      tpu.yield
    }) : () -> ()
    %add3A_115 = arith.constant 504 : i32
    %add3A_116 = arith.addi %mul3A_2, %add3A_115 : i32
    %add3A_117 = arith.constant 256 : i32
    %add3A_118 = arith.addi %add3A_116, %add3A_117 : i32
    "tpu.region"() ({
      %run_scoped3A = tpu.sem_alloc : memref<!tpu.dma_semaphore, #tpu.memory_space<semaphore_mem>>
      %dma_start3A_201 = arith.constant 0 : i32
      %dma_start3A_202 = arith.constant 0 : i32
      %dma_start3A_203 = tpu.memref_slice %arg6[%dma_start3A_201, %dma_start3A_202] : memref<128x768xf32, #tpu.memory_space<vmem>> -> memref<128x768xf32, #tpu.memory_space<vmem>>
      %dma_start3A_204 = arith.constant 0 : i32
      %dma_start3A_205 = tpu.memref_slice %arg4[%add3A_118, %dma_start3A_204] : memref<161280x768xf32, #tpu.memory_space<hbm>> -> memref<128x768xf32, #tpu.memory_space<hbm>>
      %dma_start3A_206 = arith.constant 0 : i32
      %dma_start3A_207 = tpu.memref_slice %arg4[%add3A_118, %dma_start3A_206] : memref<161280x768xf32, #tpu.memory_space<hbm>> -> memref<128x768xf32, #tpu.memory_space<hbm>>
      %dma_start3A_208 = arith.constant 0 : i32
      %dma_start3A_209 = arith.constant 0 : i32
      %dma_start3A_210 = tpu.memref_slice %arg6[%dma_start3A_208, %dma_start3A_209] : memref<128x768xf32, #tpu.memory_space<vmem>> -> memref<128x768xf32, #tpu.memory_space<vmem>>
      tpu.enqueue_dma source(%dma_start3A_210 : memref<128x768xf32, #tpu.memory_space<vmem>>) target(%dma_start3A_207 : memref<128x768xf32, #tpu.memory_space<hbm>>) target_semaphore(%run_scoped3A : memref<!tpu.dma_semaphore, #tpu.memory_space<semaphore_mem>>)
      %dma_wait3A_211 = arith.constant 0 : i32
      %dma_wait3A_212 = arith.constant 0 : i32
      %dma_wait3A_213 = tpu.memref_slice %arg6[%dma_wait3A_211, %dma_wait3A_212] : memref<128x768xf32, #tpu.memory_space<vmem>> -> memref<128x768xf32, #tpu.memory_space<vmem>>
      %dma_wait3A_214 = arith.constant 0 : i32
      %dma_wait3A_215 = tpu.memref_slice %arg4[%add3A_118, %dma_wait3A_214] : memref<161280x768xf32, #tpu.memory_space<hbm>> -> memref<128x768xf32, #tpu.memory_space<hbm>>
      %dma_wait3A_216 = arith.constant 0 : i32
      %dma_wait3A_217 = tpu.memref_slice %arg4[%add3A_118, %dma_wait3A_216] : memref<161280x768xf32, #tpu.memory_space<hbm>> -> memref<128x768xf32, #tpu.memory_space<hbm>>
      %dma_wait3A_218 = arith.constant 0 : i32
      %dma_wait3A_219 = arith.constant 0 : i32
      %dma_wait3A_220 = tpu.memref_slice %arg6[%dma_wait3A_218, %dma_wait3A_219] : memref<128x768xf32, #tpu.memory_space<vmem>> -> memref<128x768xf32, #tpu.memory_space<vmem>>
      tpu.wait_dma2 semaphore(%run_scoped3A : memref<!tpu.dma_semaphore, #tpu.memory_space<semaphore_mem>>) src(%dma_wait3A_220 : memref<128x768xf32, #tpu.memory_space<vmem>>) dst(%dma_wait3A_217 : memref<128x768xf32, #tpu.memory_space<hbm>>)
      tpu.yield
    }) : () -> ()
    %add3A_119 = arith.constant 1008 : i32
    %add3A_120 = arith.addi %mul3A_2, %add3A_119 : i32
    %add3A_121 = arith.constant 256 : i32
    %add3A_122 = arith.addi %add3A_120, %add3A_121 : i32
    "tpu.region"() ({
      %run_scoped3A = tpu.sem_alloc : memref<!tpu.dma_semaphore, #tpu.memory_space<semaphore_mem>>
      %dma_start3A_201 = arith.constant 0 : i32
      %dma_start3A_202 = arith.constant 0 : i32
      %dma_start3A_203 = tpu.memref_slice %arg6[%dma_start3A_201, %dma_start3A_202] : memref<128x768xf32, #tpu.memory_space<vmem>> -> memref<128x768xf32, #tpu.memory_space<vmem>>
      %dma_start3A_204 = arith.constant 0 : i32
      %dma_start3A_205 = tpu.memref_slice %arg4[%add3A_122, %dma_start3A_204] : memref<161280x768xf32, #tpu.memory_space<hbm>> -> memref<128x768xf32, #tpu.memory_space<hbm>>
      %dma_start3A_206 = arith.constant 0 : i32
      %dma_start3A_207 = tpu.memref_slice %arg4[%add3A_122, %dma_start3A_206] : memref<161280x768xf32, #tpu.memory_space<hbm>> -> memref<128x768xf32, #tpu.memory_space<hbm>>
      %dma_start3A_208 = arith.constant 0 : i32
      %dma_start3A_209 = arith.constant 0 : i32
      %dma_start3A_210 = tpu.memref_slice %arg6[%dma_start3A_208, %dma_start3A_209] : memref<128x768xf32, #tpu.memory_space<vmem>> -> memref<128x768xf32, #tpu.memory_space<vmem>>
      tpu.enqueue_dma source(%dma_start3A_210 : memref<128x768xf32, #tpu.memory_space<vmem>>) target(%dma_start3A_207 : memref<128x768xf32, #tpu.memory_space<hbm>>) target_semaphore(%run_scoped3A : memref<!tpu.dma_semaphore, #tpu.memory_space<semaphore_mem>>)
      %dma_wait3A_211 = arith.constant 0 : i32
      %dma_wait3A_212 = arith.constant 0 : i32
      %dma_wait3A_213 = tpu.memref_slice %arg6[%dma_wait3A_211, %dma_wait3A_212] : memref<128x768xf32, #tpu.memory_space<vmem>> -> memref<128x768xf32, #tpu.memory_space<vmem>>
      %dma_wait3A_214 = arith.constant 0 : i32
      %dma_wait3A_215 = tpu.memref_slice %arg4[%add3A_122, %dma_wait3A_214] : memref<161280x768xf32, #tpu.memory_space<hbm>> -> memref<128x768xf32, #tpu.memory_space<hbm>>
      %dma_wait3A_216 = arith.constant 0 : i32
      %dma_wait3A_217 = tpu.memref_slice %arg4[%add3A_122, %dma_wait3A_216] : memref<161280x768xf32, #tpu.memory_space<hbm>> -> memref<128x768xf32, #tpu.memory_space<hbm>>
      %dma_wait3A_218 = arith.constant 0 : i32
      %dma_wait3A_219 = arith.constant 0 : i32
      %dma_wait3A_220 = tpu.memref_slice %arg6[%dma_wait3A_218, %dma_wait3A_219] : memref<128x768xf32, #tpu.memory_space<vmem>> -> memref<128x768xf32, #tpu.memory_space<vmem>>
      tpu.wait_dma2 semaphore(%run_scoped3A : memref<!tpu.dma_semaphore, #tpu.memory_space<semaphore_mem>>) src(%dma_wait3A_220 : memref<128x768xf32, #tpu.memory_space<vmem>>) dst(%dma_wait3A_217 : memref<128x768xf32, #tpu.memory_space<hbm>>)
      tpu.yield
    }) : () -> ()
    %add3A_123 = arith.constant 1512 : i32
    %add3A_124 = arith.addi %mul3A_2, %add3A_123 : i32
    %add3A_125 = arith.constant 256 : i32
    %add3A_126 = arith.addi %add3A_124, %add3A_125 : i32
    "tpu.region"() ({
      %run_scoped3A = tpu.sem_alloc : memref<!tpu.dma_semaphore, #tpu.memory_space<semaphore_mem>>
      %dma_start3A_201 = arith.constant 0 : i32
      %dma_start3A_202 = arith.constant 0 : i32
      %dma_start3A_203 = tpu.memref_slice %arg6[%dma_start3A_201, %dma_start3A_202] : memref<128x768xf32, #tpu.memory_space<vmem>> -> memref<128x768xf32, #tpu.memory_space<vmem>>
      %dma_start3A_204 = arith.constant 0 : i32
      %dma_start3A_205 = tpu.memref_slice %arg4[%add3A_126, %dma_start3A_204] : memref<161280x768xf32, #tpu.memory_space<hbm>> -> memref<128x768xf32, #tpu.memory_space<hbm>>
      %dma_start3A_206 = arith.constant 0 : i32
      %dma_start3A_207 = tpu.memref_slice %arg4[%add3A_126, %dma_start3A_206] : memref<161280x768xf32, #tpu.memory_space<hbm>> -> memref<128x768xf32, #tpu.memory_space<hbm>>
      %dma_start3A_208 = arith.constant 0 : i32
      %dma_start3A_209 = arith.constant 0 : i32
      %dma_start3A_210 = tpu.memref_slice %arg6[%dma_start3A_208, %dma_start3A_209] : memref<128x768xf32, #tpu.memory_space<vmem>> -> memref<128x768xf32, #tpu.memory_space<vmem>>
      tpu.enqueue_dma source(%dma_start3A_210 : memref<128x768xf32, #tpu.memory_space<vmem>>) target(%dma_start3A_207 : memref<128x768xf32, #tpu.memory_space<hbm>>) target_semaphore(%run_scoped3A : memref<!tpu.dma_semaphore, #tpu.memory_space<semaphore_mem>>)
      %dma_wait3A_211 = arith.constant 0 : i32
      %dma_wait3A_212 = arith.constant 0 : i32
      %dma_wait3A_213 = tpu.memref_slice %arg6[%dma_wait3A_211, %dma_wait3A_212] : memref<128x768xf32, #tpu.memory_space<vmem>> -> memref<128x768xf32, #tpu.memory_space<vmem>>
      %dma_wait3A_214 = arith.constant 0 : i32
      %dma_wait3A_215 = tpu.memref_slice %arg4[%add3A_126, %dma_wait3A_214] : memref<161280x768xf32, #tpu.memory_space<hbm>> -> memref<128x768xf32, #tpu.memory_space<hbm>>
      %dma_wait3A_216 = arith.constant 0 : i32
      %dma_wait3A_217 = tpu.memref_slice %arg4[%add3A_126, %dma_wait3A_216] : memref<161280x768xf32, #tpu.memory_space<hbm>> -> memref<128x768xf32, #tpu.memory_space<hbm>>
      %dma_wait3A_218 = arith.constant 0 : i32
      %dma_wait3A_219 = arith.constant 0 : i32
      %dma_wait3A_220 = tpu.memref_slice %arg6[%dma_wait3A_218, %dma_wait3A_219] : memref<128x768xf32, #tpu.memory_space<vmem>> -> memref<128x768xf32, #tpu.memory_space<vmem>>
      tpu.wait_dma2 semaphore(%run_scoped3A : memref<!tpu.dma_semaphore, #tpu.memory_space<semaphore_mem>>) src(%dma_wait3A_220 : memref<128x768xf32, #tpu.memory_space<vmem>>) dst(%dma_wait3A_217 : memref<128x768xf32, #tpu.memory_space<hbm>>)
      tpu.yield
    }) : () -> ()
    %add3A_127 = arith.constant 2016 : i32
    %add3A_128 = arith.addi %mul3A_2, %add3A_127 : i32
    %add3A_129 = arith.constant 256 : i32
    %add3A_130 = arith.addi %add3A_128, %add3A_129 : i32
    "tpu.region"() ({
      %run_scoped3A = tpu.sem_alloc : memref<!tpu.dma_semaphore, #tpu.memory_space<semaphore_mem>>
      %dma_start3A_201 = arith.constant 0 : i32
      %dma_start3A_202 = arith.constant 0 : i32
      %dma_start3A_203 = tpu.memref_slice %arg6[%dma_start3A_201, %dma_start3A_202] : memref<128x768xf32, #tpu.memory_space<vmem>> -> memref<128x768xf32, #tpu.memory_space<vmem>>
      %dma_start3A_204 = arith.constant 0 : i32
      %dma_start3A_205 = tpu.memref_slice %arg4[%add3A_130, %dma_start3A_204] : memref<161280x768xf32, #tpu.memory_space<hbm>> -> memref<128x768xf32, #tpu.memory_space<hbm>>
      %dma_start3A_206 = arith.constant 0 : i32
      %dma_start3A_207 = tpu.memref_slice %arg4[%add3A_130, %dma_start3A_206] : memref<161280x768xf32, #tpu.memory_space<hbm>> -> memref<128x768xf32, #tpu.memory_space<hbm>>
      %dma_start3A_208 = arith.constant 0 : i32
      %dma_start3A_209 = arith.constant 0 : i32
      %dma_start3A_210 = tpu.memref_slice %arg6[%dma_start3A_208, %dma_start3A_209] : memref<128x768xf32, #tpu.memory_space<vmem>> -> memref<128x768xf32, #tpu.memory_space<vmem>>
      tpu.enqueue_dma source(%dma_start3A_210 : memref<128x768xf32, #tpu.memory_space<vmem>>) target(%dma_start3A_207 : memref<128x768xf32, #tpu.memory_space<hbm>>) target_semaphore(%run_scoped3A : memref<!tpu.dma_semaphore, #tpu.memory_space<semaphore_mem>>)
      %dma_wait3A_211 = arith.constant 0 : i32
      %dma_wait3A_212 = arith.constant 0 : i32
      %dma_wait3A_213 = tpu.memref_slice %arg6[%dma_wait3A_211, %dma_wait3A_212] : memref<128x768xf32, #tpu.memory_space<vmem>> -> memref<128x768xf32, #tpu.memory_space<vmem>>
      %dma_wait3A_214 = arith.constant 0 : i32
      %dma_wait3A_215 = tpu.memref_slice %arg4[%add3A_130, %dma_wait3A_214] : memref<161280x768xf32, #tpu.memory_space<hbm>> -> memref<128x768xf32, #tpu.memory_space<hbm>>
      %dma_wait3A_216 = arith.constant 0 : i32
      %dma_wait3A_217 = tpu.memref_slice %arg4[%add3A_130, %dma_wait3A_216] : memref<161280x768xf32, #tpu.memory_space<hbm>> -> memref<128x768xf32, #tpu.memory_space<hbm>>
      %dma_wait3A_218 = arith.constant 0 : i32
      %dma_wait3A_219 = arith.constant 0 : i32
      %dma_wait3A_220 = tpu.memref_slice %arg6[%dma_wait3A_218, %dma_wait3A_219] : memref<128x768xf32, #tpu.memory_space<vmem>> -> memref<128x768xf32, #tpu.memory_space<vmem>>
      tpu.wait_dma2 semaphore(%run_scoped3A : memref<!tpu.dma_semaphore, #tpu.memory_space<semaphore_mem>>) src(%dma_wait3A_220 : memref<128x768xf32, #tpu.memory_space<vmem>>) dst(%dma_wait3A_217 : memref<128x768xf32, #tpu.memory_space<hbm>>)
      tpu.yield
    }) : () -> ()
    %add3A_131 = arith.constant 2520 : i32
    %add3A_132 = arith.addi %mul3A_2, %add3A_131 : i32
    %add3A_133 = arith.constant 256 : i32
    %add3A_134 = arith.addi %add3A_132, %add3A_133 : i32
    "tpu.region"() ({
      %run_scoped3A = tpu.sem_alloc : memref<!tpu.dma_semaphore, #tpu.memory_space<semaphore_mem>>
      %dma_start3A_201 = arith.constant 0 : i32
      %dma_start3A_202 = arith.constant 0 : i32
      %dma_start3A_203 = tpu.memref_slice %arg6[%dma_start3A_201, %dma_start3A_202] : memref<128x768xf32, #tpu.memory_space<vmem>> -> memref<128x768xf32, #tpu.memory_space<vmem>>
      %dma_start3A_204 = arith.constant 0 : i32
      %dma_start3A_205 = tpu.memref_slice %arg4[%add3A_134, %dma_start3A_204] : memref<161280x768xf32, #tpu.memory_space<hbm>> -> memref<128x768xf32, #tpu.memory_space<hbm>>
      %dma_start3A_206 = arith.constant 0 : i32
      %dma_start3A_207 = tpu.memref_slice %arg4[%add3A_134, %dma_start3A_206] : memref<161280x768xf32, #tpu.memory_space<hbm>> -> memref<128x768xf32, #tpu.memory_space<hbm>>
      %dma_start3A_208 = arith.constant 0 : i32
      %dma_start3A_209 = arith.constant 0 : i32
      %dma_start3A_210 = tpu.memref_slice %arg6[%dma_start3A_208, %dma_start3A_209] : memref<128x768xf32, #tpu.memory_space<vmem>> -> memref<128x768xf32, #tpu.memory_space<vmem>>
      tpu.enqueue_dma source(%dma_start3A_210 : memref<128x768xf32, #tpu.memory_space<vmem>>) target(%dma_start3A_207 : memref<128x768xf32, #tpu.memory_space<hbm>>) target_semaphore(%run_scoped3A : memref<!tpu.dma_semaphore, #tpu.memory_space<semaphore_mem>>)
      %dma_wait3A_211 = arith.constant 0 : i32
      %dma_wait3A_212 = arith.constant 0 : i32
      %dma_wait3A_213 = tpu.memref_slice %arg6[%dma_wait3A_211, %dma_wait3A_212] : memref<128x768xf32, #tpu.memory_space<vmem>> -> memref<128x768xf32, #tpu.memory_space<vmem>>
      %dma_wait3A_214 = arith.constant 0 : i32
      %dma_wait3A_215 = tpu.memref_slice %arg4[%add3A_134, %dma_wait3A_214] : memref<161280x768xf32, #tpu.memory_space<hbm>> -> memref<128x768xf32, #tpu.memory_space<hbm>>
      %dma_wait3A_216 = arith.constant 0 : i32
      %dma_wait3A_217 = tpu.memref_slice %arg4[%add3A_134, %dma_wait3A_216] : memref<161280x768xf32, #tpu.memory_space<hbm>> -> memref<128x768xf32, #tpu.memory_space<hbm>>
      %dma_wait3A_218 = arith.constant 0 : i32
      %dma_wait3A_219 = arith.constant 0 : i32
      %dma_wait3A_220 = tpu.memref_slice %arg6[%dma_wait3A_218, %dma_wait3A_219] : memref<128x768xf32, #tpu.memory_space<vmem>> -> memref<128x768xf32, #tpu.memory_space<vmem>>
      tpu.wait_dma2 semaphore(%run_scoped3A : memref<!tpu.dma_semaphore, #tpu.memory_space<semaphore_mem>>) src(%dma_wait3A_220 : memref<128x768xf32, #tpu.memory_space<vmem>>) dst(%dma_wait3A_217 : memref<128x768xf32, #tpu.memory_space<hbm>>)
      tpu.yield
    }) : () -> ()
    %add3A_135 = arith.constant 3024 : i32
    %add3A_136 = arith.addi %mul3A_2, %add3A_135 : i32
    %add3A_137 = arith.constant 256 : i32
    %add3A_138 = arith.addi %add3A_136, %add3A_137 : i32
    "tpu.region"() ({
      %run_scoped3A = tpu.sem_alloc : memref<!tpu.dma_semaphore, #tpu.memory_space<semaphore_mem>>
      %dma_start3A_201 = arith.constant 0 : i32
      %dma_start3A_202 = arith.constant 0 : i32
      %dma_start3A_203 = tpu.memref_slice %arg6[%dma_start3A_201, %dma_start3A_202] : memref<128x768xf32, #tpu.memory_space<vmem>> -> memref<128x768xf32, #tpu.memory_space<vmem>>
      %dma_start3A_204 = arith.constant 0 : i32
      %dma_start3A_205 = tpu.memref_slice %arg4[%add3A_138, %dma_start3A_204] : memref<161280x768xf32, #tpu.memory_space<hbm>> -> memref<128x768xf32, #tpu.memory_space<hbm>>
      %dma_start3A_206 = arith.constant 0 : i32
      %dma_start3A_207 = tpu.memref_slice %arg4[%add3A_138, %dma_start3A_206] : memref<161280x768xf32, #tpu.memory_space<hbm>> -> memref<128x768xf32, #tpu.memory_space<hbm>>
      %dma_start3A_208 = arith.constant 0 : i32
      %dma_start3A_209 = arith.constant 0 : i32
      %dma_start3A_210 = tpu.memref_slice %arg6[%dma_start3A_208, %dma_start3A_209] : memref<128x768xf32, #tpu.memory_space<vmem>> -> memref<128x768xf32, #tpu.memory_space<vmem>>
      tpu.enqueue_dma source(%dma_start3A_210 : memref<128x768xf32, #tpu.memory_space<vmem>>) target(%dma_start3A_207 : memref<128x768xf32, #tpu.memory_space<hbm>>) target_semaphore(%run_scoped3A : memref<!tpu.dma_semaphore, #tpu.memory_space<semaphore_mem>>)
      %dma_wait3A_211 = arith.constant 0 : i32
      %dma_wait3A_212 = arith.constant 0 : i32
      %dma_wait3A_213 = tpu.memref_slice %arg6[%dma_wait3A_211, %dma_wait3A_212] : memref<128x768xf32, #tpu.memory_space<vmem>> -> memref<128x768xf32, #tpu.memory_space<vmem>>
      %dma_wait3A_214 = arith.constant 0 : i32
      %dma_wait3A_215 = tpu.memref_slice %arg4[%add3A_138, %dma_wait3A_214] : memref<161280x768xf32, #tpu.memory_space<hbm>> -> memref<128x768xf32, #tpu.memory_space<hbm>>
      %dma_wait3A_216 = arith.constant 0 : i32
      %dma_wait3A_217 = tpu.memref_slice %arg4[%add3A_138, %dma_wait3A_216] : memref<161280x768xf32, #tpu.memory_space<hbm>> -> memref<128x768xf32, #tpu.memory_space<hbm>>
      %dma_wait3A_218 = arith.constant 0 : i32
      %dma_wait3A_219 = arith.constant 0 : i32
      %dma_wait3A_220 = tpu.memref_slice %arg6[%dma_wait3A_218, %dma_wait3A_219] : memref<128x768xf32, #tpu.memory_space<vmem>> -> memref<128x768xf32, #tpu.memory_space<vmem>>
      tpu.wait_dma2 semaphore(%run_scoped3A : memref<!tpu.dma_semaphore, #tpu.memory_space<semaphore_mem>>) src(%dma_wait3A_220 : memref<128x768xf32, #tpu.memory_space<vmem>>) dst(%dma_wait3A_217 : memref<128x768xf32, #tpu.memory_space<hbm>>)
      tpu.yield
    }) : () -> ()
    %add3A_139 = arith.constant 3528 : i32
    %add3A_140 = arith.addi %mul3A_2, %add3A_139 : i32
    %add3A_141 = arith.constant 256 : i32
    %add3A_142 = arith.addi %add3A_140, %add3A_141 : i32
    "tpu.region"() ({
      %run_scoped3A = tpu.sem_alloc : memref<!tpu.dma_semaphore, #tpu.memory_space<semaphore_mem>>
      %dma_start3A_201 = arith.constant 0 : i32
      %dma_start3A_202 = arith.constant 0 : i32
      %dma_start3A_203 = tpu.memref_slice %arg6[%dma_start3A_201, %dma_start3A_202] : memref<128x768xf32, #tpu.memory_space<vmem>> -> memref<128x768xf32, #tpu.memory_space<vmem>>
      %dma_start3A_204 = arith.constant 0 : i32
      %dma_start3A_205 = tpu.memref_slice %arg4[%add3A_142, %dma_start3A_204] : memref<161280x768xf32, #tpu.memory_space<hbm>> -> memref<128x768xf32, #tpu.memory_space<hbm>>
      %dma_start3A_206 = arith.constant 0 : i32
      %dma_start3A_207 = tpu.memref_slice %arg4[%add3A_142, %dma_start3A_206] : memref<161280x768xf32, #tpu.memory_space<hbm>> -> memref<128x768xf32, #tpu.memory_space<hbm>>
      %dma_start3A_208 = arith.constant 0 : i32
      %dma_start3A_209 = arith.constant 0 : i32
      %dma_start3A_210 = tpu.memref_slice %arg6[%dma_start3A_208, %dma_start3A_209] : memref<128x768xf32, #tpu.memory_space<vmem>> -> memref<128x768xf32, #tpu.memory_space<vmem>>
      tpu.enqueue_dma source(%dma_start3A_210 : memref<128x768xf32, #tpu.memory_space<vmem>>) target(%dma_start3A_207 : memref<128x768xf32, #tpu.memory_space<hbm>>) target_semaphore(%run_scoped3A : memref<!tpu.dma_semaphore, #tpu.memory_space<semaphore_mem>>)
      %dma_wait3A_211 = arith.constant 0 : i32
      %dma_wait3A_212 = arith.constant 0 : i32
      %dma_wait3A_213 = tpu.memref_slice %arg6[%dma_wait3A_211, %dma_wait3A_212] : memref<128x768xf32, #tpu.memory_space<vmem>> -> memref<128x768xf32, #tpu.memory_space<vmem>>
      %dma_wait3A_214 = arith.constant 0 : i32
      %dma_wait3A_215 = tpu.memref_slice %arg4[%add3A_142, %dma_wait3A_214] : memref<161280x768xf32, #tpu.memory_space<hbm>> -> memref<128x768xf32, #tpu.memory_space<hbm>>
      %dma_wait3A_216 = arith.constant 0 : i32
      %dma_wait3A_217 = tpu.memref_slice %arg4[%add3A_142, %dma_wait3A_216] : memref<161280x768xf32, #tpu.memory_space<hbm>> -> memref<128x768xf32, #tpu.memory_space<hbm>>
      %dma_wait3A_218 = arith.constant 0 : i32
      %dma_wait3A_219 = arith.constant 0 : i32
      %dma_wait3A_220 = tpu.memref_slice %arg6[%dma_wait3A_218, %dma_wait3A_219] : memref<128x768xf32, #tpu.memory_space<vmem>> -> memref<128x768xf32, #tpu.memory_space<vmem>>
      tpu.wait_dma2 semaphore(%run_scoped3A : memref<!tpu.dma_semaphore, #tpu.memory_space<semaphore_mem>>) src(%dma_wait3A_220 : memref<128x768xf32, #tpu.memory_space<vmem>>) dst(%dma_wait3A_217 : memref<128x768xf32, #tpu.memory_space<hbm>>)
      tpu.yield
    }) : () -> ()
    %add3A_143 = arith.constant 4032 : i32
    %add3A_144 = arith.addi %mul3A_2, %add3A_143 : i32
    %add3A_145 = arith.constant 256 : i32
    %add3A_146 = arith.addi %add3A_144, %add3A_145 : i32
    "tpu.region"() ({
      %run_scoped3A = tpu.sem_alloc : memref<!tpu.dma_semaphore, #tpu.memory_space<semaphore_mem>>
      %dma_start3A_201 = arith.constant 0 : i32
      %dma_start3A_202 = arith.constant 0 : i32
      %dma_start3A_203 = tpu.memref_slice %arg6[%dma_start3A_201, %dma_start3A_202] : memref<128x768xf32, #tpu.memory_space<vmem>> -> memref<128x768xf32, #tpu.memory_space<vmem>>
      %dma_start3A_204 = arith.constant 0 : i32
      %dma_start3A_205 = tpu.memref_slice %arg4[%add3A_146, %dma_start3A_204] : memref<161280x768xf32, #tpu.memory_space<hbm>> -> memref<128x768xf32, #tpu.memory_space<hbm>>
      %dma_start3A_206 = arith.constant 0 : i32
      %dma_start3A_207 = tpu.memref_slice %arg4[%add3A_146, %dma_start3A_206] : memref<161280x768xf32, #tpu.memory_space<hbm>> -> memref<128x768xf32, #tpu.memory_space<hbm>>
      %dma_start3A_208 = arith.constant 0 : i32
      %dma_start3A_209 = arith.constant 0 : i32
      %dma_start3A_210 = tpu.memref_slice %arg6[%dma_start3A_208, %dma_start3A_209] : memref<128x768xf32, #tpu.memory_space<vmem>> -> memref<128x768xf32, #tpu.memory_space<vmem>>
      tpu.enqueue_dma source(%dma_start3A_210 : memref<128x768xf32, #tpu.memory_space<vmem>>) target(%dma_start3A_207 : memref<128x768xf32, #tpu.memory_space<hbm>>) target_semaphore(%run_scoped3A : memref<!tpu.dma_semaphore, #tpu.memory_space<semaphore_mem>>)
      %dma_wait3A_211 = arith.constant 0 : i32
      %dma_wait3A_212 = arith.constant 0 : i32
      %dma_wait3A_213 = tpu.memref_slice %arg6[%dma_wait3A_211, %dma_wait3A_212] : memref<128x768xf32, #tpu.memory_space<vmem>> -> memref<128x768xf32, #tpu.memory_space<vmem>>
      %dma_wait3A_214 = arith.constant 0 : i32
      %dma_wait3A_215 = tpu.memref_slice %arg4[%add3A_146, %dma_wait3A_214] : memref<161280x768xf32, #tpu.memory_space<hbm>> -> memref<128x768xf32, #tpu.memory_space<hbm>>
      %dma_wait3A_216 = arith.constant 0 : i32
      %dma_wait3A_217 = tpu.memref_slice %arg4[%add3A_146, %dma_wait3A_216] : memref<161280x768xf32, #tpu.memory_space<hbm>> -> memref<128x768xf32, #tpu.memory_space<hbm>>
      %dma_wait3A_218 = arith.constant 0 : i32
      %dma_wait3A_219 = arith.constant 0 : i32
      %dma_wait3A_220 = tpu.memref_slice %arg6[%dma_wait3A_218, %dma_wait3A_219] : memref<128x768xf32, #tpu.memory_space<vmem>> -> memref<128x768xf32, #tpu.memory_space<vmem>>
      tpu.wait_dma2 semaphore(%run_scoped3A : memref<!tpu.dma_semaphore, #tpu.memory_space<semaphore_mem>>) src(%dma_wait3A_220 : memref<128x768xf32, #tpu.memory_space<vmem>>) dst(%dma_wait3A_217 : memref<128x768xf32, #tpu.memory_space<hbm>>)
      tpu.yield
    }) : () -> ()
    %add3A_147 = arith.constant 4536 : i32
    %add3A_148 = arith.addi %mul3A_2, %add3A_147 : i32
    %add3A_149 = arith.constant 256 : i32
    %add3A_150 = arith.addi %add3A_148, %add3A_149 : i32
    "tpu.region"() ({
      %run_scoped3A = tpu.sem_alloc : memref<!tpu.dma_semaphore, #tpu.memory_space<semaphore_mem>>
      %dma_start3A_201 = arith.constant 0 : i32
      %dma_start3A_202 = arith.constant 0 : i32
      %dma_start3A_203 = tpu.memref_slice %arg6[%dma_start3A_201, %dma_start3A_202] : memref<128x768xf32, #tpu.memory_space<vmem>> -> memref<128x768xf32, #tpu.memory_space<vmem>>
      %dma_start3A_204 = arith.constant 0 : i32
      %dma_start3A_205 = tpu.memref_slice %arg4[%add3A_150, %dma_start3A_204] : memref<161280x768xf32, #tpu.memory_space<hbm>> -> memref<128x768xf32, #tpu.memory_space<hbm>>
      %dma_start3A_206 = arith.constant 0 : i32
      %dma_start3A_207 = tpu.memref_slice %arg4[%add3A_150, %dma_start3A_206] : memref<161280x768xf32, #tpu.memory_space<hbm>> -> memref<128x768xf32, #tpu.memory_space<hbm>>
      %dma_start3A_208 = arith.constant 0 : i32
      %dma_start3A_209 = arith.constant 0 : i32
      %dma_start3A_210 = tpu.memref_slice %arg6[%dma_start3A_208, %dma_start3A_209] : memref<128x768xf32, #tpu.memory_space<vmem>> -> memref<128x768xf32, #tpu.memory_space<vmem>>
      tpu.enqueue_dma source(%dma_start3A_210 : memref<128x768xf32, #tpu.memory_space<vmem>>) target(%dma_start3A_207 : memref<128x768xf32, #tpu.memory_space<hbm>>) target_semaphore(%run_scoped3A : memref<!tpu.dma_semaphore, #tpu.memory_space<semaphore_mem>>)
      %dma_wait3A_211 = arith.constant 0 : i32
      %dma_wait3A_212 = arith.constant 0 : i32
      %dma_wait3A_213 = tpu.memref_slice %arg6[%dma_wait3A_211, %dma_wait3A_212] : memref<128x768xf32, #tpu.memory_space<vmem>> -> memref<128x768xf32, #tpu.memory_space<vmem>>
      %dma_wait3A_214 = arith.constant 0 : i32
      %dma_wait3A_215 = tpu.memref_slice %arg4[%add3A_150, %dma_wait3A_214] : memref<161280x768xf32, #tpu.memory_space<hbm>> -> memref<128x768xf32, #tpu.memory_space<hbm>>
      %dma_wait3A_216 = arith.constant 0 : i32
      %dma_wait3A_217 = tpu.memref_slice %arg4[%add3A_150, %dma_wait3A_216] : memref<161280x768xf32, #tpu.memory_space<hbm>> -> memref<128x768xf32, #tpu.memory_space<hbm>>
      %dma_wait3A_218 = arith.constant 0 : i32
      %dma_wait3A_219 = arith.constant 0 : i32
      %dma_wait3A_220 = tpu.memref_slice %arg6[%dma_wait3A_218, %dma_wait3A_219] : memref<128x768xf32, #tpu.memory_space<vmem>> -> memref<128x768xf32, #tpu.memory_space<vmem>>
      tpu.wait_dma2 semaphore(%run_scoped3A : memref<!tpu.dma_semaphore, #tpu.memory_space<semaphore_mem>>) src(%dma_wait3A_220 : memref<128x768xf32, #tpu.memory_space<vmem>>) dst(%dma_wait3A_217 : memref<128x768xf32, #tpu.memory_space<hbm>>)
      tpu.yield
    }) : () -> ()
    %dma_start3A_151 = arith.constant 384 : i32
    %dma_start3A_152 = tpu.memref_slice %arg5[%dma_start3A_151] : memref<512xi32, #tpu.memory_space<vmem>> -> memref<128xi32, #tpu.memory_space<vmem>>
    %dma_start3A_153 = arith.constant 0 : i32
    %dma_start3A_154 = arith.constant 0 : i32
    %dma_start3A_155 = tpu.memref_slice %arg2[%dma_start3A_153, %dma_start3A_154] : memref<32768x768xf32, #tpu.memory_space<hbm>> -> memref<32768x768xf32, #tpu.memory_space<hbm>>
    tpu.enqueue_indirect_dma source(%dma_start3A_155 : memref<32768x768xf32, #tpu.memory_space<hbm>>) target(%arg6 : memref<128x768xf32, #tpu.memory_space<vmem>>) offsets(%dma_start3A_152 : memref<128xi32, #tpu.memory_space<vmem>>) semaphore(%arg7 : memref<!tpu.dma_semaphore, #tpu.memory_space<semaphore_mem>>)
    %dma_wait3A_156 = arith.constant 384 : i32
    %dma_wait3A_157 = tpu.memref_slice %arg5[%dma_wait3A_156] : memref<512xi32, #tpu.memory_space<vmem>> -> memref<128xi32, #tpu.memory_space<vmem>>
    %dma_wait3A_158 = arith.constant 0 : i32
    %dma_wait3A_159 = arith.constant 0 : i32
    %dma_wait3A_160 = tpu.memref_slice %arg2[%dma_wait3A_158, %dma_wait3A_159] : memref<32768x768xf32, #tpu.memory_space<hbm>> -> memref<32768x768xf32, #tpu.memory_space<hbm>>
    tpu.wait_indirect_dma semaphore(%arg7 : memref<!tpu.dma_semaphore, #tpu.memory_space<semaphore_mem>>) src(%dma_wait3A_160 : memref<32768x768xf32, #tpu.memory_space<hbm>>) dst(%arg6 : memref<128x768xf32, #tpu.memory_space<vmem>>)
    %add3A_161 = arith.constant 0 : i32
    %add3A_162 = arith.addi %mul3A_2, %add3A_161 : i32
    %add3A_163 = arith.constant 384 : i32
    %add3A_164 = arith.addi %add3A_162, %add3A_163 : i32
    "tpu.region"() ({
      %run_scoped3A = tpu.sem_alloc : memref<!tpu.dma_semaphore, #tpu.memory_space<semaphore_mem>>
      %dma_start3A_201 = arith.constant 0 : i32
      %dma_start3A_202 = arith.constant 0 : i32
      %dma_start3A_203 = tpu.memref_slice %arg6[%dma_start3A_201, %dma_start3A_202] : memref<128x768xf32, #tpu.memory_space<vmem>> -> memref<120x768xf32, #tpu.memory_space<vmem>>
      %dma_start3A_204 = arith.constant 0 : i32
      %dma_start3A_205 = tpu.memref_slice %arg4[%add3A_164, %dma_start3A_204] : memref<161280x768xf32, #tpu.memory_space<hbm>> -> memref<120x768xf32, #tpu.memory_space<hbm>>
      %dma_start3A_206 = arith.constant 0 : i32
      %dma_start3A_207 = tpu.memref_slice %arg4[%add3A_164, %dma_start3A_206] : memref<161280x768xf32, #tpu.memory_space<hbm>> -> memref<120x768xf32, #tpu.memory_space<hbm>>
      %dma_start3A_208 = arith.constant 0 : i32
      %dma_start3A_209 = arith.constant 0 : i32
      %dma_start3A_210 = tpu.memref_slice %arg6[%dma_start3A_208, %dma_start3A_209] : memref<128x768xf32, #tpu.memory_space<vmem>> -> memref<120x768xf32, #tpu.memory_space<vmem>>
      tpu.enqueue_dma source(%dma_start3A_210 : memref<120x768xf32, #tpu.memory_space<vmem>>) target(%dma_start3A_207 : memref<120x768xf32, #tpu.memory_space<hbm>>) target_semaphore(%run_scoped3A : memref<!tpu.dma_semaphore, #tpu.memory_space<semaphore_mem>>)
      %dma_wait3A_211 = arith.constant 0 : i32
      %dma_wait3A_212 = arith.constant 0 : i32
      %dma_wait3A_213 = tpu.memref_slice %arg6[%dma_wait3A_211, %dma_wait3A_212] : memref<128x768xf32, #tpu.memory_space<vmem>> -> memref<120x768xf32, #tpu.memory_space<vmem>>
      %dma_wait3A_214 = arith.constant 0 : i32
      %dma_wait3A_215 = tpu.memref_slice %arg4[%add3A_164, %dma_wait3A_214] : memref<161280x768xf32, #tpu.memory_space<hbm>> -> memref<120x768xf32, #tpu.memory_space<hbm>>
      %dma_wait3A_216 = arith.constant 0 : i32
      %dma_wait3A_217 = tpu.memref_slice %arg4[%add3A_164, %dma_wait3A_216] : memref<161280x768xf32, #tpu.memory_space<hbm>> -> memref<120x768xf32, #tpu.memory_space<hbm>>
      %dma_wait3A_218 = arith.constant 0 : i32
      %dma_wait3A_219 = arith.constant 0 : i32
      %dma_wait3A_220 = tpu.memref_slice %arg6[%dma_wait3A_218, %dma_wait3A_219] : memref<128x768xf32, #tpu.memory_space<vmem>> -> memref<120x768xf32, #tpu.memory_space<vmem>>
      tpu.wait_dma2 semaphore(%run_scoped3A : memref<!tpu.dma_semaphore, #tpu.memory_space<semaphore_mem>>) src(%dma_wait3A_220 : memref<120x768xf32, #tpu.memory_space<vmem>>) dst(%dma_wait3A_217 : memref<120x768xf32, #tpu.memory_space<hbm>>)
      tpu.yield
    }) : () -> ()
    %add3A_165 = arith.constant 504 : i32
    %add3A_166 = arith.addi %mul3A_2, %add3A_165 : i32
    %add3A_167 = arith.constant 384 : i32
    %add3A_168 = arith.addi %add3A_166, %add3A_167 : i32
    "tpu.region"() ({
      %run_scoped3A = tpu.sem_alloc : memref<!tpu.dma_semaphore, #tpu.memory_space<semaphore_mem>>
      %dma_start3A_201 = arith.constant 0 : i32
      %dma_start3A_202 = arith.constant 0 : i32
      %dma_start3A_203 = tpu.memref_slice %arg6[%dma_start3A_201, %dma_start3A_202] : memref<128x768xf32, #tpu.memory_space<vmem>> -> memref<120x768xf32, #tpu.memory_space<vmem>>
      %dma_start3A_204 = arith.constant 0 : i32
      %dma_start3A_205 = tpu.memref_slice %arg4[%add3A_168, %dma_start3A_204] : memref<161280x768xf32, #tpu.memory_space<hbm>> -> memref<120x768xf32, #tpu.memory_space<hbm>>
      %dma_start3A_206 = arith.constant 0 : i32
      %dma_start3A_207 = tpu.memref_slice %arg4[%add3A_168, %dma_start3A_206] : memref<161280x768xf32, #tpu.memory_space<hbm>> -> memref<120x768xf32, #tpu.memory_space<hbm>>
      %dma_start3A_208 = arith.constant 0 : i32
      %dma_start3A_209 = arith.constant 0 : i32
      %dma_start3A_210 = tpu.memref_slice %arg6[%dma_start3A_208, %dma_start3A_209] : memref<128x768xf32, #tpu.memory_space<vmem>> -> memref<120x768xf32, #tpu.memory_space<vmem>>
      tpu.enqueue_dma source(%dma_start3A_210 : memref<120x768xf32, #tpu.memory_space<vmem>>) target(%dma_start3A_207 : memref<120x768xf32, #tpu.memory_space<hbm>>) target_semaphore(%run_scoped3A : memref<!tpu.dma_semaphore, #tpu.memory_space<semaphore_mem>>)
      %dma_wait3A_211 = arith.constant 0 : i32
      %dma_wait3A_212 = arith.constant 0 : i32
      %dma_wait3A_213 = tpu.memref_slice %arg6[%dma_wait3A_211, %dma_wait3A_212] : memref<128x768xf32, #tpu.memory_space<vmem>> -> memref<120x768xf32, #tpu.memory_space<vmem>>
      %dma_wait3A_214 = arith.constant 0 : i32
      %dma_wait3A_215 = tpu.memref_slice %arg4[%add3A_168, %dma_wait3A_214] : memref<161280x768xf32, #tpu.memory_space<hbm>> -> memref<120x768xf32, #tpu.memory_space<hbm>>
      %dma_wait3A_216 = arith.constant 0 : i32
      %dma_wait3A_217 = tpu.memref_slice %arg4[%add3A_168, %dma_wait3A_216] : memref<161280x768xf32, #tpu.memory_space<hbm>> -> memref<120x768xf32, #tpu.memory_space<hbm>>
      %dma_wait3A_218 = arith.constant 0 : i32
      %dma_wait3A_219 = arith.constant 0 : i32
      %dma_wait3A_220 = tpu.memref_slice %arg6[%dma_wait3A_218, %dma_wait3A_219] : memref<128x768xf32, #tpu.memory_space<vmem>> -> memref<120x768xf32, #tpu.memory_space<vmem>>
      tpu.wait_dma2 semaphore(%run_scoped3A : memref<!tpu.dma_semaphore, #tpu.memory_space<semaphore_mem>>) src(%dma_wait3A_220 : memref<120x768xf32, #tpu.memory_space<vmem>>) dst(%dma_wait3A_217 : memref<120x768xf32, #tpu.memory_space<hbm>>)
      tpu.yield
    }) : () -> ()
    %add3A_169 = arith.constant 1008 : i32
    %add3A_170 = arith.addi %mul3A_2, %add3A_169 : i32
    %add3A_171 = arith.constant 384 : i32
    %add3A_172 = arith.addi %add3A_170, %add3A_171 : i32
    "tpu.region"() ({
      %run_scoped3A = tpu.sem_alloc : memref<!tpu.dma_semaphore, #tpu.memory_space<semaphore_mem>>
      %dma_start3A_201 = arith.constant 0 : i32
      %dma_start3A_202 = arith.constant 0 : i32
      %dma_start3A_203 = tpu.memref_slice %arg6[%dma_start3A_201, %dma_start3A_202] : memref<128x768xf32, #tpu.memory_space<vmem>> -> memref<120x768xf32, #tpu.memory_space<vmem>>
      %dma_start3A_204 = arith.constant 0 : i32
      %dma_start3A_205 = tpu.memref_slice %arg4[%add3A_172, %dma_start3A_204] : memref<161280x768xf32, #tpu.memory_space<hbm>> -> memref<120x768xf32, #tpu.memory_space<hbm>>
      %dma_start3A_206 = arith.constant 0 : i32
      %dma_start3A_207 = tpu.memref_slice %arg4[%add3A_172, %dma_start3A_206] : memref<161280x768xf32, #tpu.memory_space<hbm>> -> memref<120x768xf32, #tpu.memory_space<hbm>>
      %dma_start3A_208 = arith.constant 0 : i32
      %dma_start3A_209 = arith.constant 0 : i32
      %dma_start3A_210 = tpu.memref_slice %arg6[%dma_start3A_208, %dma_start3A_209] : memref<128x768xf32, #tpu.memory_space<vmem>> -> memref<120x768xf32, #tpu.memory_space<vmem>>
      tpu.enqueue_dma source(%dma_start3A_210 : memref<120x768xf32, #tpu.memory_space<vmem>>) target(%dma_start3A_207 : memref<120x768xf32, #tpu.memory_space<hbm>>) target_semaphore(%run_scoped3A : memref<!tpu.dma_semaphore, #tpu.memory_space<semaphore_mem>>)
      %dma_wait3A_211 = arith.constant 0 : i32
      %dma_wait3A_212 = arith.constant 0 : i32
      %dma_wait3A_213 = tpu.memref_slice %arg6[%dma_wait3A_211, %dma_wait3A_212] : memref<128x768xf32, #tpu.memory_space<vmem>> -> memref<120x768xf32, #tpu.memory_space<vmem>>
      %dma_wait3A_214 = arith.constant 0 : i32
      %dma_wait3A_215 = tpu.memref_slice %arg4[%add3A_172, %dma_wait3A_214] : memref<161280x768xf32, #tpu.memory_space<hbm>> -> memref<120x768xf32, #tpu.memory_space<hbm>>
      %dma_wait3A_216 = arith.constant 0 : i32
      %dma_wait3A_217 = tpu.memref_slice %arg4[%add3A_172, %dma_wait3A_216] : memref<161280x768xf32, #tpu.memory_space<hbm>> -> memref<120x768xf32, #tpu.memory_space<hbm>>
      %dma_wait3A_218 = arith.constant 0 : i32
      %dma_wait3A_219 = arith.constant 0 : i32
      %dma_wait3A_220 = tpu.memref_slice %arg6[%dma_wait3A_218, %dma_wait3A_219] : memref<128x768xf32, #tpu.memory_space<vmem>> -> memref<120x768xf32, #tpu.memory_space<vmem>>
      tpu.wait_dma2 semaphore(%run_scoped3A : memref<!tpu.dma_semaphore, #tpu.memory_space<semaphore_mem>>) src(%dma_wait3A_220 : memref<120x768xf32, #tpu.memory_space<vmem>>) dst(%dma_wait3A_217 : memref<120x768xf32, #tpu.memory_space<hbm>>)
      tpu.yield
    }) : () -> ()
    %add3A_173 = arith.constant 1512 : i32
    %add3A_174 = arith.addi %mul3A_2, %add3A_173 : i32
    %add3A_175 = arith.constant 384 : i32
    %add3A_176 = arith.addi %add3A_174, %add3A_175 : i32
    "tpu.region"() ({
      %run_scoped3A = tpu.sem_alloc : memref<!tpu.dma_semaphore, #tpu.memory_space<semaphore_mem>>
      %dma_start3A_201 = arith.constant 0 : i32
      %dma_start3A_202 = arith.constant 0 : i32
      %dma_start3A_203 = tpu.memref_slice %arg6[%dma_start3A_201, %dma_start3A_202] : memref<128x768xf32, #tpu.memory_space<vmem>> -> memref<120x768xf32, #tpu.memory_space<vmem>>
      %dma_start3A_204 = arith.constant 0 : i32
      %dma_start3A_205 = tpu.memref_slice %arg4[%add3A_176, %dma_start3A_204] : memref<161280x768xf32, #tpu.memory_space<hbm>> -> memref<120x768xf32, #tpu.memory_space<hbm>>
      %dma_start3A_206 = arith.constant 0 : i32
      %dma_start3A_207 = tpu.memref_slice %arg4[%add3A_176, %dma_start3A_206] : memref<161280x768xf32, #tpu.memory_space<hbm>> -> memref<120x768xf32, #tpu.memory_space<hbm>>
      %dma_start3A_208 = arith.constant 0 : i32
      %dma_start3A_209 = arith.constant 0 : i32
      %dma_start3A_210 = tpu.memref_slice %arg6[%dma_start3A_208, %dma_start3A_209] : memref<128x768xf32, #tpu.memory_space<vmem>> -> memref<120x768xf32, #tpu.memory_space<vmem>>
      tpu.enqueue_dma source(%dma_start3A_210 : memref<120x768xf32, #tpu.memory_space<vmem>>) target(%dma_start3A_207 : memref<120x768xf32, #tpu.memory_space<hbm>>) target_semaphore(%run_scoped3A : memref<!tpu.dma_semaphore, #tpu.memory_space<semaphore_mem>>)
      %dma_wait3A_211 = arith.constant 0 : i32
      %dma_wait3A_212 = arith.constant 0 : i32
      %dma_wait3A_213 = tpu.memref_slice %arg6[%dma_wait3A_211, %dma_wait3A_212] : memref<128x768xf32, #tpu.memory_space<vmem>> -> memref<120x768xf32, #tpu.memory_space<vmem>>
      %dma_wait3A_214 = arith.constant 0 : i32
      %dma_wait3A_215 = tpu.memref_slice %arg4[%add3A_176, %dma_wait3A_214] : memref<161280x768xf32, #tpu.memory_space<hbm>> -> memref<120x768xf32, #tpu.memory_space<hbm>>
      %dma_wait3A_216 = arith.constant 0 : i32
      %dma_wait3A_217 = tpu.memref_slice %arg4[%add3A_176, %dma_wait3A_216] : memref<161280x768xf32, #tpu.memory_space<hbm>> -> memref<120x768xf32, #tpu.memory_space<hbm>>
      %dma_wait3A_218 = arith.constant 0 : i32
      %dma_wait3A_219 = arith.constant 0 : i32
      %dma_wait3A_220 = tpu.memref_slice %arg6[%dma_wait3A_218, %dma_wait3A_219] : memref<128x768xf32, #tpu.memory_space<vmem>> -> memref<120x768xf32, #tpu.memory_space<vmem>>
      tpu.wait_dma2 semaphore(%run_scoped3A : memref<!tpu.dma_semaphore, #tpu.memory_space<semaphore_mem>>) src(%dma_wait3A_220 : memref<120x768xf32, #tpu.memory_space<vmem>>) dst(%dma_wait3A_217 : memref<120x768xf32, #tpu.memory_space<hbm>>)
      tpu.yield
    }) : () -> ()
    %add3A_177 = arith.constant 2016 : i32
    %add3A_178 = arith.addi %mul3A_2, %add3A_177 : i32
    %add3A_179 = arith.constant 384 : i32
    %add3A_180 = arith.addi %add3A_178, %add3A_179 : i32
    "tpu.region"() ({
      %run_scoped3A = tpu.sem_alloc : memref<!tpu.dma_semaphore, #tpu.memory_space<semaphore_mem>>
      %dma_start3A_201 = arith.constant 0 : i32
      %dma_start3A_202 = arith.constant 0 : i32
      %dma_start3A_203 = tpu.memref_slice %arg6[%dma_start3A_201, %dma_start3A_202] : memref<128x768xf32, #tpu.memory_space<vmem>> -> memref<120x768xf32, #tpu.memory_space<vmem>>
      %dma_start3A_204 = arith.constant 0 : i32
      %dma_start3A_205 = tpu.memref_slice %arg4[%add3A_180, %dma_start3A_204] : memref<161280x768xf32, #tpu.memory_space<hbm>> -> memref<120x768xf32, #tpu.memory_space<hbm>>
      %dma_start3A_206 = arith.constant 0 : i32
      %dma_start3A_207 = tpu.memref_slice %arg4[%add3A_180, %dma_start3A_206] : memref<161280x768xf32, #tpu.memory_space<hbm>> -> memref<120x768xf32, #tpu.memory_space<hbm>>
      %dma_start3A_208 = arith.constant 0 : i32
      %dma_start3A_209 = arith.constant 0 : i32
      %dma_start3A_210 = tpu.memref_slice %arg6[%dma_start3A_208, %dma_start3A_209] : memref<128x768xf32, #tpu.memory_space<vmem>> -> memref<120x768xf32, #tpu.memory_space<vmem>>
      tpu.enqueue_dma source(%dma_start3A_210 : memref<120x768xf32, #tpu.memory_space<vmem>>) target(%dma_start3A_207 : memref<120x768xf32, #tpu.memory_space<hbm>>) target_semaphore(%run_scoped3A : memref<!tpu.dma_semaphore, #tpu.memory_space<semaphore_mem>>)
      %dma_wait3A_211 = arith.constant 0 : i32
      %dma_wait3A_212 = arith.constant 0 : i32
      %dma_wait3A_213 = tpu.memref_slice %arg6[%dma_wait3A_211, %dma_wait3A_212] : memref<128x768xf32, #tpu.memory_space<vmem>> -> memref<120x768xf32, #tpu.memory_space<vmem>>
      %dma_wait3A_214 = arith.constant 0 : i32
      %dma_wait3A_215 = tpu.memref_slice %arg4[%add3A_180, %dma_wait3A_214] : memref<161280x768xf32, #tpu.memory_space<hbm>> -> memref<120x768xf32, #tpu.memory_space<hbm>>
      %dma_wait3A_216 = arith.constant 0 : i32
      %dma_wait3A_217 = tpu.memref_slice %arg4[%add3A_180, %dma_wait3A_216] : memref<161280x768xf32, #tpu.memory_space<hbm>> -> memref<120x768xf32, #tpu.memory_space<hbm>>
      %dma_wait3A_218 = arith.constant 0 : i32
      %dma_wait3A_219 = arith.constant 0 : i32
      %dma_wait3A_220 = tpu.memref_slice %arg6[%dma_wait3A_218, %dma_wait3A_219] : memref<128x768xf32, #tpu.memory_space<vmem>> -> memref<120x768xf32, #tpu.memory_space<vmem>>
      tpu.wait_dma2 semaphore(%run_scoped3A : memref<!tpu.dma_semaphore, #tpu.memory_space<semaphore_mem>>) src(%dma_wait3A_220 : memref<120x768xf32, #tpu.memory_space<vmem>>) dst(%dma_wait3A_217 : memref<120x768xf32, #tpu.memory_space<hbm>>)
      tpu.yield
    }) : () -> ()
    %add3A_181 = arith.constant 2520 : i32
    %add3A_182 = arith.addi %mul3A_2, %add3A_181 : i32
    %add3A_183 = arith.constant 384 : i32
    %add3A_184 = arith.addi %add3A_182, %add3A_183 : i32
    "tpu.region"() ({
      %run_scoped3A = tpu.sem_alloc : memref<!tpu.dma_semaphore, #tpu.memory_space<semaphore_mem>>
      %dma_start3A_201 = arith.constant 0 : i32
      %dma_start3A_202 = arith.constant 0 : i32
      %dma_start3A_203 = tpu.memref_slice %arg6[%dma_start3A_201, %dma_start3A_202] : memref<128x768xf32, #tpu.memory_space<vmem>> -> memref<120x768xf32, #tpu.memory_space<vmem>>
      %dma_start3A_204 = arith.constant 0 : i32
      %dma_start3A_205 = tpu.memref_slice %arg4[%add3A_184, %dma_start3A_204] : memref<161280x768xf32, #tpu.memory_space<hbm>> -> memref<120x768xf32, #tpu.memory_space<hbm>>
      %dma_start3A_206 = arith.constant 0 : i32
      %dma_start3A_207 = tpu.memref_slice %arg4[%add3A_184, %dma_start3A_206] : memref<161280x768xf32, #tpu.memory_space<hbm>> -> memref<120x768xf32, #tpu.memory_space<hbm>>
      %dma_start3A_208 = arith.constant 0 : i32
      %dma_start3A_209 = arith.constant 0 : i32
      %dma_start3A_210 = tpu.memref_slice %arg6[%dma_start3A_208, %dma_start3A_209] : memref<128x768xf32, #tpu.memory_space<vmem>> -> memref<120x768xf32, #tpu.memory_space<vmem>>
      tpu.enqueue_dma source(%dma_start3A_210 : memref<120x768xf32, #tpu.memory_space<vmem>>) target(%dma_start3A_207 : memref<120x768xf32, #tpu.memory_space<hbm>>) target_semaphore(%run_scoped3A : memref<!tpu.dma_semaphore, #tpu.memory_space<semaphore_mem>>)
      %dma_wait3A_211 = arith.constant 0 : i32
      %dma_wait3A_212 = arith.constant 0 : i32
      %dma_wait3A_213 = tpu.memref_slice %arg6[%dma_wait3A_211, %dma_wait3A_212] : memref<128x768xf32, #tpu.memory_space<vmem>> -> memref<120x768xf32, #tpu.memory_space<vmem>>
      %dma_wait3A_214 = arith.constant 0 : i32
      %dma_wait3A_215 = tpu.memref_slice %arg4[%add3A_184, %dma_wait3A_214] : memref<161280x768xf32, #tpu.memory_space<hbm>> -> memref<120x768xf32, #tpu.memory_space<hbm>>
      %dma_wait3A_216 = arith.constant 0 : i32
      %dma_wait3A_217 = tpu.memref_slice %arg4[%add3A_184, %dma_wait3A_216] : memref<161280x768xf32, #tpu.memory_space<hbm>> -> memref<120x768xf32, #tpu.memory_space<hbm>>
      %dma_wait3A_218 = arith.constant 0 : i32
      %dma_wait3A_219 = arith.constant 0 : i32
      %dma_wait3A_220 = tpu.memref_slice %arg6[%dma_wait3A_218, %dma_wait3A_219] : memref<128x768xf32, #tpu.memory_space<vmem>> -> memref<120x768xf32, #tpu.memory_space<vmem>>
      tpu.wait_dma2 semaphore(%run_scoped3A : memref<!tpu.dma_semaphore, #tpu.memory_space<semaphore_mem>>) src(%dma_wait3A_220 : memref<120x768xf32, #tpu.memory_space<vmem>>) dst(%dma_wait3A_217 : memref<120x768xf32, #tpu.memory_space<hbm>>)
      tpu.yield
    }) : () -> ()
    %add3A_185 = arith.constant 3024 : i32
    %add3A_186 = arith.addi %mul3A_2, %add3A_185 : i32
    %add3A_187 = arith.constant 384 : i32
    %add3A_188 = arith.addi %add3A_186, %add3A_187 : i32
    "tpu.region"() ({
      %run_scoped3A = tpu.sem_alloc : memref<!tpu.dma_semaphore, #tpu.memory_space<semaphore_mem>>
      %dma_start3A_201 = arith.constant 0 : i32
      %dma_start3A_202 = arith.constant 0 : i32
      %dma_start3A_203 = tpu.memref_slice %arg6[%dma_start3A_201, %dma_start3A_202] : memref<128x768xf32, #tpu.memory_space<vmem>> -> memref<120x768xf32, #tpu.memory_space<vmem>>
      %dma_start3A_204 = arith.constant 0 : i32
      %dma_start3A_205 = tpu.memref_slice %arg4[%add3A_188, %dma_start3A_204] : memref<161280x768xf32, #tpu.memory_space<hbm>> -> memref<120x768xf32, #tpu.memory_space<hbm>>
      %dma_start3A_206 = arith.constant 0 : i32
      %dma_start3A_207 = tpu.memref_slice %arg4[%add3A_188, %dma_start3A_206] : memref<161280x768xf32, #tpu.memory_space<hbm>> -> memref<120x768xf32, #tpu.memory_space<hbm>>
      %dma_start3A_208 = arith.constant 0 : i32
      %dma_start3A_209 = arith.constant 0 : i32
      %dma_start3A_210 = tpu.memref_slice %arg6[%dma_start3A_208, %dma_start3A_209] : memref<128x768xf32, #tpu.memory_space<vmem>> -> memref<120x768xf32, #tpu.memory_space<vmem>>
      tpu.enqueue_dma source(%dma_start3A_210 : memref<120x768xf32, #tpu.memory_space<vmem>>) target(%dma_start3A_207 : memref<120x768xf32, #tpu.memory_space<hbm>>) target_semaphore(%run_scoped3A : memref<!tpu.dma_semaphore, #tpu.memory_space<semaphore_mem>>)
      %dma_wait3A_211 = arith.constant 0 : i32
      %dma_wait3A_212 = arith.constant 0 : i32
      %dma_wait3A_213 = tpu.memref_slice %arg6[%dma_wait3A_211, %dma_wait3A_212] : memref<128x768xf32, #tpu.memory_space<vmem>> -> memref<120x768xf32, #tpu.memory_space<vmem>>
      %dma_wait3A_214 = arith.constant 0 : i32
      %dma_wait3A_215 = tpu.memref_slice %arg4[%add3A_188, %dma_wait3A_214] : memref<161280x768xf32, #tpu.memory_space<hbm>> -> memref<120x768xf32, #tpu.memory_space<hbm>>
      %dma_wait3A_216 = arith.constant 0 : i32
      %dma_wait3A_217 = tpu.memref_slice %arg4[%add3A_188, %dma_wait3A_216] : memref<161280x768xf32, #tpu.memory_space<hbm>> -> memref<120x768xf32, #tpu.memory_space<hbm>>
      %dma_wait3A_218 = arith.constant 0 : i32
      %dma_wait3A_219 = arith.constant 0 : i32
      %dma_wait3A_220 = tpu.memref_slice %arg6[%dma_wait3A_218, %dma_wait3A_219] : memref<128x768xf32, #tpu.memory_space<vmem>> -> memref<120x768xf32, #tpu.memory_space<vmem>>
      tpu.wait_dma2 semaphore(%run_scoped3A : memref<!tpu.dma_semaphore, #tpu.memory_space<semaphore_mem>>) src(%dma_wait3A_220 : memref<120x768xf32, #tpu.memory_space<vmem>>) dst(%dma_wait3A_217 : memref<120x768xf32, #tpu.memory_space<hbm>>)
      tpu.yield
    }) : () -> ()
    %add3A_189 = arith.constant 3528 : i32
    %add3A_190 = arith.addi %mul3A_2, %add3A_189 : i32
    %add3A_191 = arith.constant 384 : i32
    %add3A_192 = arith.addi %add3A_190, %add3A_191 : i32
    "tpu.region"() ({
      %run_scoped3A = tpu.sem_alloc : memref<!tpu.dma_semaphore, #tpu.memory_space<semaphore_mem>>
      %dma_start3A_201 = arith.constant 0 : i32
      %dma_start3A_202 = arith.constant 0 : i32
      %dma_start3A_203 = tpu.memref_slice %arg6[%dma_start3A_201, %dma_start3A_202] : memref<128x768xf32, #tpu.memory_space<vmem>> -> memref<120x768xf32, #tpu.memory_space<vmem>>
      %dma_start3A_204 = arith.constant 0 : i32
      %dma_start3A_205 = tpu.memref_slice %arg4[%add3A_192, %dma_start3A_204] : memref<161280x768xf32, #tpu.memory_space<hbm>> -> memref<120x768xf32, #tpu.memory_space<hbm>>
      %dma_start3A_206 = arith.constant 0 : i32
      %dma_start3A_207 = tpu.memref_slice %arg4[%add3A_192, %dma_start3A_206] : memref<161280x768xf32, #tpu.memory_space<hbm>> -> memref<120x768xf32, #tpu.memory_space<hbm>>
      %dma_start3A_208 = arith.constant 0 : i32
      %dma_start3A_209 = arith.constant 0 : i32
      %dma_start3A_210 = tpu.memref_slice %arg6[%dma_start3A_208, %dma_start3A_209] : memref<128x768xf32, #tpu.memory_space<vmem>> -> memref<120x768xf32, #tpu.memory_space<vmem>>
      tpu.enqueue_dma source(%dma_start3A_210 : memref<120x768xf32, #tpu.memory_space<vmem>>) target(%dma_start3A_207 : memref<120x768xf32, #tpu.memory_space<hbm>>) target_semaphore(%run_scoped3A : memref<!tpu.dma_semaphore, #tpu.memory_space<semaphore_mem>>)
      %dma_wait3A_211 = arith.constant 0 : i32
      %dma_wait3A_212 = arith.constant 0 : i32
      %dma_wait3A_213 = tpu.memref_slice %arg6[%dma_wait3A_211, %dma_wait3A_212] : memref<128x768xf32, #tpu.memory_space<vmem>> -> memref<120x768xf32, #tpu.memory_space<vmem>>
      %dma_wait3A_214 = arith.constant 0 : i32
      %dma_wait3A_215 = tpu.memref_slice %arg4[%add3A_192, %dma_wait3A_214] : memref<161280x768xf32, #tpu.memory_space<hbm>> -> memref<120x768xf32, #tpu.memory_space<hbm>>
      %dma_wait3A_216 = arith.constant 0 : i32
      %dma_wait3A_217 = tpu.memref_slice %arg4[%add3A_192, %dma_wait3A_216] : memref<161280x768xf32, #tpu.memory_space<hbm>> -> memref<120x768xf32, #tpu.memory_space<hbm>>
      %dma_wait3A_218 = arith.constant 0 : i32
      %dma_wait3A_219 = arith.constant 0 : i32
      %dma_wait3A_220 = tpu.memref_slice %arg6[%dma_wait3A_218, %dma_wait3A_219] : memref<128x768xf32, #tpu.memory_space<vmem>> -> memref<120x768xf32, #tpu.memory_space<vmem>>
      tpu.wait_dma2 semaphore(%run_scoped3A : memref<!tpu.dma_semaphore, #tpu.memory_space<semaphore_mem>>) src(%dma_wait3A_220 : memref<120x768xf32, #tpu.memory_space<vmem>>) dst(%dma_wait3A_217 : memref<120x768xf32, #tpu.memory_space<hbm>>)
      tpu.yield
    }) : () -> ()
    %add3A_193 = arith.constant 4032 : i32
    %add3A_194 = arith.addi %mul3A_2, %add3A_193 : i32
    %add3A_195 = arith.constant 384 : i32
    %add3A_196 = arith.addi %add3A_194, %add3A_195 : i32
    "tpu.region"() ({
      %run_scoped3A = tpu.sem_alloc : memref<!tpu.dma_semaphore, #tpu.memory_space<semaphore_mem>>
      %dma_start3A_201 = arith.constant 0 : i32
      %dma_start3A_202 = arith.constant 0 : i32
      %dma_start3A_203 = tpu.memref_slice %arg6[%dma_start3A_201, %dma_start3A_202] : memref<128x768xf32, #tpu.memory_space<vmem>> -> memref<120x768xf32, #tpu.memory_space<vmem>>
      %dma_start3A_204 = arith.constant 0 : i32
      %dma_start3A_205 = tpu.memref_slice %arg4[%add3A_196, %dma_start3A_204] : memref<161280x768xf32, #tpu.memory_space<hbm>> -> memref<120x768xf32, #tpu.memory_space<hbm>>
      %dma_start3A_206 = arith.constant 0 : i32
      %dma_start3A_207 = tpu.memref_slice %arg4[%add3A_196, %dma_start3A_206] : memref<161280x768xf32, #tpu.memory_space<hbm>> -> memref<120x768xf32, #tpu.memory_space<hbm>>
      %dma_start3A_208 = arith.constant 0 : i32
      %dma_start3A_209 = arith.constant 0 : i32
      %dma_start3A_210 = tpu.memref_slice %arg6[%dma_start3A_208, %dma_start3A_209] : memref<128x768xf32, #tpu.memory_space<vmem>> -> memref<120x768xf32, #tpu.memory_space<vmem>>
      tpu.enqueue_dma source(%dma_start3A_210 : memref<120x768xf32, #tpu.memory_space<vmem>>) target(%dma_start3A_207 : memref<120x768xf32, #tpu.memory_space<hbm>>) target_semaphore(%run_scoped3A : memref<!tpu.dma_semaphore, #tpu.memory_space<semaphore_mem>>)
      %dma_wait3A_211 = arith.constant 0 : i32
      %dma_wait3A_212 = arith.constant 0 : i32
      %dma_wait3A_213 = tpu.memref_slice %arg6[%dma_wait3A_211, %dma_wait3A_212] : memref<128x768xf32, #tpu.memory_space<vmem>> -> memref<120x768xf32, #tpu.memory_space<vmem>>
      %dma_wait3A_214 = arith.constant 0 : i32
      %dma_wait3A_215 = tpu.memref_slice %arg4[%add3A_196, %dma_wait3A_214] : memref<161280x768xf32, #tpu.memory_space<hbm>> -> memref<120x768xf32, #tpu.memory_space<hbm>>
      %dma_wait3A_216 = arith.constant 0 : i32
      %dma_wait3A_217 = tpu.memref_slice %arg4[%add3A_196, %dma_wait3A_216] : memref<161280x768xf32, #tpu.memory_space<hbm>> -> memref<120x768xf32, #tpu.memory_space<hbm>>
      %dma_wait3A_218 = arith.constant 0 : i32
      %dma_wait3A_219 = arith.constant 0 : i32
      %dma_wait3A_220 = tpu.memref_slice %arg6[%dma_wait3A_218, %dma_wait3A_219] : memref<128x768xf32, #tpu.memory_space<vmem>> -> memref<120x768xf32, #tpu.memory_space<vmem>>
      tpu.wait_dma2 semaphore(%run_scoped3A : memref<!tpu.dma_semaphore, #tpu.memory_space<semaphore_mem>>) src(%dma_wait3A_220 : memref<120x768xf32, #tpu.memory_space<vmem>>) dst(%dma_wait3A_217 : memref<120x768xf32, #tpu.memory_space<hbm>>)
      tpu.yield
    }) : () -> ()
    %add3A_197 = arith.constant 4536 : i32
    %add3A_198 = arith.addi %mul3A_2, %add3A_197 : i32
    %add3A_199 = arith.constant 384 : i32
    %add3A_200 = arith.addi %add3A_198, %add3A_199 : i32
    "tpu.region"() ({
      %run_scoped3A = tpu.sem_alloc : memref<!tpu.dma_semaphore, #tpu.memory_space<semaphore_mem>>
      %dma_start3A_201 = arith.constant 0 : i32
      %dma_start3A_202 = arith.constant 0 : i32
      %dma_start3A_203 = tpu.memref_slice %arg6[%dma_start3A_201, %dma_start3A_202] : memref<128x768xf32, #tpu.memory_space<vmem>> -> memref<120x768xf32, #tpu.memory_space<vmem>>
      %dma_start3A_204 = arith.constant 0 : i32
      %dma_start3A_205 = tpu.memref_slice %arg4[%add3A_200, %dma_start3A_204] : memref<161280x768xf32, #tpu.memory_space<hbm>> -> memref<120x768xf32, #tpu.memory_space<hbm>>
      %dma_start3A_206 = arith.constant 0 : i32
      %dma_start3A_207 = tpu.memref_slice %arg4[%add3A_200, %dma_start3A_206] : memref<161280x768xf32, #tpu.memory_space<hbm>> -> memref<120x768xf32, #tpu.memory_space<hbm>>
      %dma_start3A_208 = arith.constant 0 : i32
      %dma_start3A_209 = arith.constant 0 : i32
      %dma_start3A_210 = tpu.memref_slice %arg6[%dma_start3A_208, %dma_start3A_209] : memref<128x768xf32, #tpu.memory_space<vmem>> -> memref<120x768xf32, #tpu.memory_space<vmem>>
      tpu.enqueue_dma source(%dma_start3A_210 : memref<120x768xf32, #tpu.memory_space<vmem>>) target(%dma_start3A_207 : memref<120x768xf32, #tpu.memory_space<hbm>>) target_semaphore(%run_scoped3A : memref<!tpu.dma_semaphore, #tpu.memory_space<semaphore_mem>>)
      %dma_wait3A_211 = arith.constant 0 : i32
      %dma_wait3A_212 = arith.constant 0 : i32
      %dma_wait3A_213 = tpu.memref_slice %arg6[%dma_wait3A_211, %dma_wait3A_212] : memref<128x768xf32, #tpu.memory_space<vmem>> -> memref<120x768xf32, #tpu.memory_space<vmem>>
      %dma_wait3A_214 = arith.constant 0 : i32
      %dma_wait3A_215 = tpu.memref_slice %arg4[%add3A_200, %dma_wait3A_214] : memref<161280x768xf32, #tpu.memory_space<hbm>> -> memref<120x768xf32, #tpu.memory_space<hbm>>
      %dma_wait3A_216 = arith.constant 0 : i32
      %dma_wait3A_217 = tpu.memref_slice %arg4[%add3A_200, %dma_wait3A_216] : memref<161280x768xf32, #tpu.memory_space<hbm>> -> memref<120x768xf32, #tpu.memory_space<hbm>>
      %dma_wait3A_218 = arith.constant 0 : i32
      %dma_wait3A_219 = arith.constant 0 : i32
      %dma_wait3A_220 = tpu.memref_slice %arg6[%dma_wait3A_218, %dma_wait3A_219] : memref<128x768xf32, #tpu.memory_space<vmem>> -> memref<120x768xf32, #tpu.memory_space<vmem>>
      tpu.wait_dma2 semaphore(%run_scoped3A : memref<!tpu.dma_semaphore, #tpu.memory_space<semaphore_mem>>) src(%dma_wait3A_220 : memref<120x768xf32, #tpu.memory_space<vmem>>) dst(%dma_wait3A_217 : memref<120x768xf32, #tpu.memory_space<hbm>>)
      tpu.yield
    }) : () -> ()
    return
  }
}

</mosaic_0001>

<sc_bundles>
// kernel: kernel.3.cloned.1.call-start
scs
__scs_entry_jumppad:
0x0: {  	(pc) =	sbr.rel $0x88, $3  }
0x1: {  	(tag) =	ssettag $0x0;
	lr =	simm.s32 $0x1  }
0x2: {  	[smem:$0x3FA0] =	sst lr;
	_ =	strace $0xD0000000  }
0x3: {  	_ = 	snop  }
0x4: {  	_ = 	snop  }
0x5: {  	_ = 	snop  }
0x6: {  	_ = 	snop  }
0x7: {  	_ = 	snop  }
__scs_overlays_trampoline_lowered:
0x8: {  	[smem:$0x3FAF] =	sst s0  }
0x9: {  	[smem:$0x3FB0] =	sst s1  }
0xa: {  	[smem:$0x3FB1] =	sst s2  }
0xb: {  	[smem:$0x3FB2] =	sst s3  }
0xc: {  	[smem:$0x3FB3] =	sst s4  }
0xd: {  	[smem:$0x3FB4] =	sst s5  }
0xe: {  	[smem:$0x3FB5] =	sst s6  }
0xf: {  	[smem:$0x3FB6] =	sst s7  }
0x10: {  	[smem:$0x3FB7] =	sst s8  }
0x11: {  	[smem:$0x3FB8] =	sst s9;
	s0 =	simm.s32 @!p0 $0x0  }
0x12: {  	s1 =	sld [smem:$0x3F9E];
	s0 =	simm.s32 @p0 $0x1  }
0x13: {  	[smem:$0x3FB9] =	sst s0;
	s0 =	simm.s32 @!p1 $0x0  }
0x14: {  	s2 =	sld [smem:$0x3F9D];
	s0 =	simm.s32 @p1 $0x1  }
0x15: {  	[smem:$0x3FBA] =	sst s0;
	s0 =	simm.s32 @!p2 $0x0  }
0x16: {  	s3 =	sld [smem:$0x3FDB];
	s0 =	simm.s32 @p2 $0x1  }
0x17: {  	s4 =	simm.s32 $0x1BF5;
	[smem:$0x3FBC] =	sst s0  }
0x18: {  	s0 =	sld [smem:$0x3F9F];
	_ =	swait.ge [sflag:s4], $0x0  }
0x19: {  	s7 =	sld [smem:$0x3FA0]  }
0x1a: {  	s8 =	sadd.s32 $0xFFFFE003, lr  }
0x1b: {  	s9 =	sadd.s32 $0xFFFFFEF7, lr;
	s5 =	simm.s32 $0xFFFFFFFF;
	p2 =	slt.u32 s8, $0xFFFFF086  }
0x1c: {  	p1 =	slt.u32 s9, $0xF7A;
	s5 =	simm.s32 @!p2 $0x0  }
0x1d: {  	s5 =	simm.s32 @p1 $0x1;
	p0 =	seq.s32 s7, s2  }
0x1e: {  	s7 =	smul.u32 @!p0 $0xF7A, s2;
	p2 =	seq.s32 @!p0 s5, $0x0  }
0x1f: {  	s9 =	smul.u32 $0xF7A, s1;
	s8 =	simm.s32 @!p0 $0x1BF5;
	p2 =	por !p2, p0  }
0x20: {  	[sflag:s8] =	ssyncset.s32 @!p0 $0xFFFFF086;
	s6 =	sadd.s32 @!p0 s3, s7;
	s7 =	simm.s32 @!p0 $0x108  }
0x21: {  	s3 =	sadd.s32 s3, s9;
	s6 =	sadd.s32 @!p0 $0x88, s6;
	s7 =	simm.s32 @p2 $0x1082  }
0x22: {  	[simem:s7], [sflag:s8] =	dma.local @!p0 [hbm:s6], $0xF7A  }
0x23: {  	s9 =	sor.u32 $0xD0000000, s2;
	s6 =	simm.s32 $0x108;
	_ =	swait.ge @!p0 [sflag:s8], $0x0  }
0x24: {  	s3 =	sadd.s32 $0x88, s3;
	s6 =	simm.s32 @!p1 $0x1082;
	[sflag:s4] =	ssyncset.s32 $0xFFFFF086  }
0x25: {  	[simem:s6], [sflag:s4] =	dma.local [hbm:s3], $0xF7A  }
0x26: {  	[smem:$0x3FA0] =	sst s1;
	(tag) =	ssettag s2;
	_ =	strace s9  }
0x27: {  	s1 =	sld [smem:$0x3FB0]  }
0x28: {  	s2 =	sld [smem:$0x3FB1]  }
0x29: {  	s4 =	sld [smem:$0x3FB3]  }
0x2a: {  	p0 =	seq.s32 s5, $0x0;
	s5 =	sld [smem:$0x3FB4]  }
0x2b: {  	s6 =	sld [smem:$0x3FB5]  }
0x2c: {  	s7 =	sld [smem:$0x3FB6]  }
0x2d: {  	s3 =	simm.s32 $0x108;
	s8 =	sld [smem:$0x3FB7]  }
0x2e: {  	s3 =	simm.s32 @!p0 $0x1082;
	s9 =	sld [smem:$0x3FB8]  }
0x2f: {  	lr =	sadd.s32 s0, s3;
	s0 =	sld [smem:$0x3FAF]  }
0x30: {  	s3 =	sld [smem:$0x3FB2]  }
0x31: {  	[smem:$0x3FBB] =	sst s10  }
0x32: {  	s10 =	sld [smem:$0x3FB9];
	_ =	sdelay $0x3  }
0x33: {  	p0 =	seq.s32 s10, $0x1;
	s10 =	sld [smem:$0x3FBB];
	_ =	sdelay $0x3  }
0x34: {  	[smem:$0x3FBB] =	sst s10  }
0x35: {  	s10 =	sld [smem:$0x3FBA];
	_ =	sdelay $0x3  }
0x36: {  	p1 =	seq.s32 s10, $0x1;
	s10 =	sld [smem:$0x3FBB];
	_ =	sdelay $0x3  }
0x37: {  	[smem:$0x3FBB] =	sst s10  }
0x38: {  	s10 =	sld [smem:$0x3FBC]  }
0x39: {  	_ = 	snop;
	(pc) =	sbr.ind lr, $3  }
0x3a: {  	_ = 	snop  }
0x3b: {  	_ = 	snop  }
0x3c: {  	p2 =	seq.s32 s10, $0x1;
	s10 =	sld [smem:$0x3FBB]  }
0x3d: {  	_ =	shalt  }
0x3e: {  	_ =	shalt  }
0x3f: {  	_ =	shalt  }
0x40: {  	_ =	shalt  }
0x41: {  	_ =	shalt  }
0x42: {  	_ =	shalt  }
0x43: {  	_ =	shalt  }
0x44: {  	_ =	shalt  }
0x45: {  	_ =	shalt  }
0x46: {  	_ =	shalt  }
0x47: {  	_ =	shalt  }
0x48: {  	_ =	shalt  }
0x49: {  	_ =	shalt  }
0x4a: {  	_ =	shalt  }
0x4b: {  	_ =	shalt  }
0x4c: {  	_ =	shalt  }
0x4d: {  	_ =	shalt  }
0x4e: {  	_ =	shalt  }
0x4f: {  	_ =	shalt  }
0x50: {  	_ =	shalt  }
0x51: {  	_ =	shalt  }
0x52: {  	_ =	shalt  }
0x53: {  	_ =	shalt  }
0x54: {  	_ =	shalt  }
0x55: {  	_ =	shalt  }
0x56: {  	_ =	shalt  }
0x57: {  	_ =	shalt  }
0x58: {  	_ =	shalt  }
0x59: {  	_ =	shalt  }
0x5a: {  	_ =	shalt  }
0x5b: {  	_ =	shalt  }
0x5c: {  	_ =	shalt  }
0x5d: {  	_ =	shalt  }
0x5e: {  	_ =	shalt  }
0x5f: {  	_ =	shalt  }
0x60: {  	_ =	shalt  }
0x61: {  	_ =	shalt  }
0x62: {  	_ =	shalt  }
0x63: {  	_ =	shalt  }
0x64: {  	_ =	shalt  }
0x65: {  	_ =	shalt  }
0x66: {  	_ =	shalt  }
0x67: {  	_ =	shalt  }
0x68: {  	_ =	shalt  }
0x69: {  	_ =	shalt  }
0x6a: {  	_ =	shalt  }
0x6b: {  	_ =	shalt  }
0x6c: {  	_ =	shalt  }
0x6d: {  	_ =	shalt  }
0x6e: {  	_ =	shalt  }
0x6f: {  	_ =	shalt  }
0x70: {  	_ =	shalt  }
0x71: {  	_ =	shalt  }
0x72: {  	_ =	shalt  }
0x73: {  	_ =	shalt  }
0x74: {  	_ =	shalt  }
0x75: {  	_ =	shalt  }
0x76: {  	_ =	shalt  }
0x77: {  	_ =	shalt  }
0x78: {  	_ =	shalt  }
0x79: {  	_ =	shalt  }
0x7a: {  	_ =	shalt  }
0x7b: {  	_ =	shalt  }
0x7c: {  	_ =	shalt  }
0x7d: {  	_ =	shalt  }
0x7e: {  	_ =	shalt  }
0x7f: {  	_ =	shalt  }
0x80: {  	_ =	shalt  }
0x81: {  	_ =	shalt  }
0x82: {  	_ =	shalt  }
0x83: {  	_ =	shalt  }
0x84: {  	_ =	shalt  }
0x85: {  	_ =	shalt  }
0x86: {  	_ =	shalt  }
0x87: {  	_ =	shalt  }
.Lfunc_end0:
.L_simem_size_0:
called_computation_lowered:
.L_overlay_start_0:
0x88: {  	s2 =	sld [smem:$0x3FD9]  }
0x89: {  	s3 =	sld [smem:$0x3FFE];
	_ =	sdelay $0x1  }
0x8a: {  	s1 =	srdreg.scid  }
0x8b: {  	s0 =	sand.u32 $0x1, s1  }
0x8c: {  	s17 =	sshll.u32 s0, $0xA;
	s2 =	sadd.s32 s3, s2  }
0x8d: {  	s2 =	sadd.s32 s2, s17  }
0x8e: {  	[smem:$0x3FC7] =	sst s2  }
0x8f: {  	_ = 	snop  }
0x90: {  	s2 =	sld [smem:$0x3FC9]  }
0x91: {  	s18 =	sld [smem:$0x3FD0];
	(tm) =	ssettm $0x1  }
0x92: {  	s4 =	sld [smem:$0x3FFB];
	_ =	sdelay $0x3  }
0x93: {  	_ =	strace s4  }
0x94: {  	s4 =	sld [smem:$0x3FFC];
	_ =	sdelay $0x3  }
0x95: {  	_ =	strace s4  }
0x96: {  	s4 =	sld [smem:$0x3FFD];
	_ =	sdelay $0x3  }
0x97: {  	_ =	strace s4  }
0x98: {  	_ =	strace $0x8FFFFFFF  }
0x99: {  	s19 =	sld [smem:$0x3FDB];
	_ =	sdelay $0x1  }
0x9a: {  	s5 =	simm.s32 $_scs_section_size  }
0x9b: {  	s6 =	simm.s32 $_size__tile_overlayer_lowered;
	s7 =	simm.s32 $_tile_overlayer_lowered  }
0x9c: {  	s22 =	simm.s32 $0x1BFF;
	s21 =	sshll.u32 s7, $0x1;
	s4 =	sadd.s32 s5, s19  }
0x9d: {  	s8 =	simm.s32 $0x0;
	s20 =	sshll.u32 s6, $0x1;
	s6 =	sadd.s32 s21, s4  }
0x9e: {  	[timem:s8], [sflag:s22] =	dma.local [hbm:s6], s20  }
0x9f: {  	_ =	swait.ge [sflag:s22], s20  }
0xa0: {  	s5 =	ssub.s32 $0x0, s20;
	[sflag:s22] =	ssyncset.done $0x0  }
0xa1: {  	[sflag:s22] =	ssyncadd.s32 s5;
	_ =	sdelay $0x1  }
0xa2: {  	s23 =	simm.s32 $0x1B8B  }
0xa3: {  	_ =	swait.ge [sflag:s23], $0x1  }
0xa4: {  	[sflag:s23] =	ssyncset.done $0x0  }
0xa5: {  	s25 =	simm.s32 $0x1B8E;
	s24 =	sld [smem:$0x3FFE];
	[sflag:s23] =	ssyncadd.s32 $0xFFFFFFFF  }
0xa6: {  	s26 =	simm.s32 $execute0_lowered;
	[smem:$0x3FD2] =	sst s25  }
0xa7: {  	s6 =	sshll.u32 s26, $0x1;
	_ =	strace $0x80000046;
	[dreg:$0x1] =	wrdreg $0xFFFFFFFF  }
0xa8: {  	s28 =	simm.s32 $_size_execute0_lowered;
	s4 =	sadd.s32 s4, s6;
	[dreg:$0x0] =	wrdreg $0x0  }
0xa9: {  	s6 =	sshll.u32 s28, $0x1;
	[dreg:$0x2] =	wrdreg s4  }
0xaa: {  	[dreg:$0x3] =	wrdreg s6  }
0xab: {  	[dreg:$0x4] =	wrdreg $0xC0  }
0xac: {  	_ =	task [dreg:s8], $0x5FFFF  }
0xad: {  	[dreg:$0x1] =	wrdreg $0xFFFFFFFF  }
0xae: {  	[dreg:$0x0] =	wrdreg $0x60  }
0xaf: {  	[dreg:$0x2] =	wrdreg s2  }
0xb0: {  	[dreg:$0x3] =	wrdreg s24  }
0xb1: {  	[dreg:$0x4] =	wrdreg s18  }
0xb2: {  	[dreg:$0x5] =	wrdreg $0x9  }
0xb3: {  	_ =	task.clear_ibuf [dreg:s8], $0x6FFFF;
	_ =	strace $0x90000046  }
0xb4: {  	s29 =	simm.s32 $0x9;
	_ =	strace $0x80000048  }
0xb5: {  	_ =	swait.ge [sflag:s29], $0x1  }
0xb6: {  	[sflag:s29] =	ssyncadd.s32 $0xFFFFFFFF  }
0xb7: {  	_ =	strace $0x90000048  }
0xb8: {  	_ =	sfence  }
0xb9: {  	s30 =	sld [smem:$0x0];
	_ =	sdelay $0x2  }
0xba: {  	s31 =	sshll.u32 s1, $0xD;
	s1 =	sshrl.u32 s1, $0x2  }
0xbb: {  	s3 =	sand.u32 $0x4000, s31;
	s1 =	sadd.s32 s1, s30  }
0xbc: {  	s0 =	sor.u32 s3, s0;
	s1 =	sshll.u32 s1, $0x11  }
0xbd: {  	s0 =	sor.u32 s1, s0  }
0xbe: {  	s0 =	sadd.s32 $0x8F2B, s0  }
0xbf: {  	[sflag:s0] =	ssyncadd.remote.s32 $0x1  }
0xc0: {  	_ =	sfence.sel $0xFFFF  }
0xc1: {  	[dreg:$0x0] =	wrdreg $0xFFFFFFFF;
	(pc) =	sbr.abs _section_cstart, $3  }
0xc2: {  	[dreg:$0x1] =	wrdreg $0xFFFFFFFF  }
0xc3: {  	_ =	task.clear_ibuf [dreg:s8], $0x2FFFF;
	_ =	strace $0x9FFFFFFF  }
0xc4: {  	(tm) =	ssettm $0x7FFFFFFF  }
0xc5: {  	_ =	shalt  }
tec
execute0_lowered:
.L_overlay_start_1:
0x0: {  	(tag) =	ssettag $0x1  }
0x1: {  	s2 =	rddreg [dreg:$0x0]  }
0x2: {  	s5 =	rddreg [dreg:$0x1]  }
0x3: {  	s6 =	stileid.u32;
	s1 =	srdreg.scid  }
0x4: {  	s0 =	rddreg [dreg:$0x2];
	s4 =	sand.u32 $0x1, s1;
	s24 =	sshll.u32 s6, $0x1  }
0x5: {  	s3 =	simm.s32 $0x0;
	s6 =	sshll.u32 s6, $0x7;
	s7 =	sor.u32 s4, s24  }
0x6: {  	[smem:$0x7FF] =	sst s3;
	s6 =	sand.u32 $0x600, s6;
	s1 =	smul.u32 $0x13B0, s7  }
0x7: {  	_ =	strace $0x80000047;
	s4 =	ssub.s32 $0x2, s4;
	s25 =	sshll.u32 s7, $0x4  }
0x8: {  	s5 =	sadd.s32 s6, s5;
	s6 =	sand.u32 $0x70, s25;
	s26 =	sshrl.u32 s1, $0x3  }
0x9: {  	s8 =	sadd.s32 $0x1F8, s1;
	s5 =	sadd.s32 s6, s5;
	s30 =	sadd.s32 $0x5E8, s1  }
0xa: {  	s11 =	sadd.s32 $0x9D8, s1;
	s14 =	sadd.s32 $0xDC8, s1;
	s16 =	sadd.s32 $0x11B8, s1  }
0xb: {  	s22 =	sadd.s32 $0x278, s1;
	s25 =	sadd.s32 $0x668, s1;
	s28 =	smul.u32 $0x300, s26  }
0xc: {  	s29 =	sshrl.u32 s8, $0x3;
	s5 =	sadd.s32 $0x400, s5;
	s31 =	sshrl.u32 s30, $0x3  }
0xd: {  	s12 =	sshrl.u32 s11, $0x3;
	s15 =	sshrl.u32 s14, $0x3;
	s7 =	smul.u32 $0x300, s29  }
0xe: {  	s23 =	sshrl.u32 s22, $0x3;
	[dreg:$0x4] =	wrdreg s5;
	s5 =	smul.u32 $0x300, s31  }
0xf: {  	s26 =	sshrl.u32 s25, $0x3;
	s6 =	smul.u32 $0x300, s15;
	s9 =	sadd.s32 s0, s28  }
0x10: {  	s15 =	sadd.s32 $0x2F8, s1;
	s8 =	sadd.s32 s0, s7;
	[smem:$0x7F9] =	sst s9  }
0x11: {  	s28 =	sadd.s32 $0xA58, s1;
	s10 =	sadd.s32 $0x17A00, s9;
	[dreg:$0x5] =	wrdreg s8  }
0x12: {  	s5 =	sadd.s32 s0, s5;
	s13 =	sadd.s32 $0x2F400, s9;
	[dreg:$0x6] =	wrdreg s10  }
0x13: {  	s17 =	sadd.s32 $0x46E00, s9;
	s7 =	sshrl.u32 s16, $0x3;
	[dreg:$0x7] =	wrdreg s5  }
0x14: {  	s18 =	sadd.s32 s0, s6;
	s20 =	sadd.s32 $0x5E800, s9;
	[dreg:$0x8] =	wrdreg s13  }
0x15: {  	s24 =	sadd.s32 $0x3000, s9;
	s6 =	smul.u32 $0x300, s26;
	[dreg:$0xa] =	wrdreg s17  }
0x16: {  	s29 =	sadd.s32 $0x1AA00, s9;
	s16 =	sadd.s32 $0x61800, s9;
	[dreg:$0xb] =	wrdreg s18  }
0x17: {  	s26 =	sadd.s32 $0xEC8, s1;
	s5 =	smul.u32 $0x300, s12;
	[dreg:$0xc] =	wrdreg s20  }
0x18: {  	s19 =	smul.u32 $0x300, s7;
	[dreg:$0xe] =	wrdreg s24;
	s7 =	sshrl.u32 s28, $0x3  }
0x19: {  	[dreg:$0x10] =	wrdreg s29;
	s10 =	sadd.s32 $0xE48, s1;
	s12 =	sadd.s32 $0x49E00, s9  }
0x1a: {  	s13 =	sadd.s32 $0x1238, s1;
	[dreg:$0x16] =	wrdreg s16;
	s24 =	sadd.s32 $0xAD8, s1  }
0x1b: {  	s28 =	sadd.s32 $0x35400, s9;
	s30 =	sadd.s32 s0, s6;
	s31 =	smul.u32 $0x300, s7  }
0x1c: {  	s7 =	sadd.s32 $0x32400, s9;
	s11 =	sshrl.u32 s10, $0x3;
	[dreg:$0x14] =	wrdreg s12  }
0x1d: {  	s14 =	sshrl.u32 s13, $0x3;
	s25 =	sshrl.u32 s24, $0x3;
	[dreg:$0x1c] =	wrdreg s28  }
0x1e: {  	s12 =	sadd.s32 $0x378, s1;
	s24 =	sshrl.u32 s4, $0x1;
	[dreg:$0x11] =	wrdreg s30  }
0x1f: {  	s5 =	sadd.s32 s0, s5;
	s21 =	sadd.s32 s0, s19;
	[dreg:$0x12] =	wrdreg s7  }
0x20: {  	s6 =	smul.u32 $0x300, s14;
	s7 =	sshrl.u32 s15, $0x3;
	s19 =	sadd.s32 $0x6000, s9  }
0x21: {  	s13 =	sshrl.u32 s12, $0x3;
	s14 =	sadd.s32 $0x768, s1;
	s15 =	sadd.s32 $0x9000, s9  }
0x22: {  	s4 =	ssub.s32 s4, s24;
	[dreg:$0x9] =	wrdreg s5;
	s5 =	smul.u32 $0x300, s23  }
0x23: {  	[dreg:$0xd] =	wrdreg s21;
	s8 =	sadd.s32 s0, s31;
	s18 =	smul.u32 $0x300, s7  }
0x24: {  	[dreg:$0x18] =	wrdreg s19;
	s21 =	sadd.s32 $0x6E8, s1;
	s23 =	sadd.s32 $0x1DA00, s9  }
0x25: {  	s7 =	sshrl.u32 s26, $0x3;
	s31 =	sadd.s32 $0x4CE00, s9;
	[smem:$0x7F1] =	sst s15  }
0x26: {  	s26 =	sadd.s32 $0x4FE00, s9;
	[dreg:$0x13] =	wrdreg s8;
	s17 =	sadd.s32 s0, s6  }
0x27: {  	s22 =	sshrl.u32 s21, $0x3;
	[dreg:$0x1a] =	wrdreg s23;
	s6 =	smul.u32 $0x300, s25  }
0x28: {  	s30 =	smul.u32 $0x300, s7;
	[dreg:$0x1e] =	wrdreg s31;
	s8 =	sadd.s32 $0x12B8, s1  }
0x29: {  	s23 =	sadd.s32 $0xF48, s1;
	[smem:$0x7F7] =	sst s26;
	s31 =	simm.s32 $0x400  }
0x2a: {  	s5 =	sadd.s32 s0, s5;
	[dreg:$0x17] =	wrdreg s17;
	s20 =	sadd.s32 s0, s18  }
0x2b: {  	s10 =	sshrl.u32 s8, $0x3;
	s18 =	sadd.s32 $0x20A00, s9;
	[smem:$0x7FD] =	sst s31  }
0x2c: {  	s25 =	sshrl.u32 s23, $0x3;
	s8 =	simm.s32 $0x2;
	[dreg:$0xf] =	wrdreg s5  }
0x2d: {  	s5 =	smul.u32 $0x300, s11;
	[dreg:$0x19] =	wrdreg s20;
	s29 =	sadd.s32 s0, s6  }
0x2e: {  	s7 =	sadd.s32 s0, s30;
	s11 =	sadd.s32 $0x64800, s9;
	[smem:$0x7F3] =	sst s18  }
0x2f: {  	s6 =	smul.u32 $0x300, s13;
	s20 =	sadd.s32 $0xB58, s1;
	[dreg:$0x1d] =	wrdreg s29  }
0x30: {  	s1 =	sadd.s32 $0x1338, s1;
	s30 =	simm.s32 $0x80;
	[dreg:$0x1f] =	wrdreg s7  }
0x31: {  	[smem:$0x7EF] =	sst s11;
	s7 =	sshrl.u32 s14, $0x3;
	s5 =	sadd.s32 s0, s5  }
0x32: {  	s21 =	sshrl.u32 s20, $0x3;
	[dreg:$0x15] =	wrdreg s5;
	s5 =	smul.u32 $0x300, s22  }
0x33: {  	s1 =	sshrl.u32 s1, $0x3;
	s29 =	sadd.s32 $0x67800, s9;
	[smem:$0x7FC] =	sst s30  }
0x34: {  	s17 =	smul.u32 $0x300, s7;
	[smem:$0x7FA] =	sst s29;
	s5 =	sadd.s32 s0, s5  }
0x35: {  	s16 =	sadd.s32 s0, s6;
	[dreg:$0x1b] =	wrdreg s5;
	s5 =	smul.u32 $0x300, s10  }
0x36: {  	s6 =	smul.u32 $0x300, s25;
	[smem:$0x7F2] =	sst s16;
	s22 =	sadd.s32 $0x38400, s9  }
0x37: {  	s1 =	smul.u32 $0x300, s1;
	[smem:$0x7F5] =	sst s22;
	s5 =	sadd.s32 s0, s5  }
0x38: {  	s19 =	sadd.s32 s0, s17;
	[smem:$0x7F0] =	sst s5;
	s5 =	smul.u32 $0x300, s21  }
0x39: {  	s7 =	smax.u32 s4, $0x1;
	s28 =	sadd.s32 s0, s6;
	[smem:$0x7F4] =	sst s19  }
0x3a: {  	v2 =	vlaneseq.u32;
	s4 =	simm.s32 $0x1;
	[smem:$0x7F8] =	sst s28;
	s5 =	sadd.s32 s0, s5  }
0x3b: {  	vm0 =	vmmov $0xffff;
	v1 =	vshrl.u32 v2, $0x3;
	s9 =	simm.s32 $0x200;
	s0 =	sadd.s32 s0, s1;
	[smem:$0x7F6] =	sst s5  }
0x3c: {  	v0 =	vand.u32 $0x7, v2;
	v2 =	vor.u32 $0x8, v2;
	v1 =	vmul.u32 $0x8, v1;
	s6 =	sadd.s32 $0x200, s2;
	s5 =	sadd.s32 $0x100, s2;
	[smem:$0x7FB] =	sst s0  }
.LBB2_1:
0x3d: {  	s11 =	sld [smem:$0x7FC]  }
0x3e: {  	s12 =	sld [smem:$0x7FD];
	_ =	sdelay $0x1  }
0x3f: {  	s10 =	rddreg [dreg:$0x4]  }
0x40: {  	[tilespmem:s3], [sflag:$0x2] =	stream.strided.gather [hbm4b:s10+s11], $0x200, s12, s11, $0x38;
	[tilespmem:$0x18200] =	vst v63  }
0x41: {  	_ =	swait.ge [sflag:s8], $0x200  }
0x42: {  	[sflag:s8] =	ssyncset.done $0x0  }
0x43: {  	[sflag:s8] =	ssyncadd.s32 $0xFFFFFE00  }
0x44: {  	v3 =	vld [tilespmem:$0x0];
	_ =	sdelay $0x4  }
0x45: {  	v4 =	vshrl.u32 v3, $0x3  }
0x46: {  	v4 =	vmul.u32 $0x30, v4  }
0x47: {  	v3 =	vand.u32 $0x7, v3  }
0x48: {  	v3 =	vor.u32 v3, v4  }
0x49: {  	v4 =	vperm.xlane v3, v0;
	_ =	sdelay $0x1  }
0x4a: {  	v4 =	vadd.s32 v1, v4;
	_ =	sdelay $0x3  }
0x4b: {  	v3 =	vperm.xlane v3, v2  }
0x4c: {  	[tilespmem:s9], [sflag:$0x1] =	stream.indirect_vreg.gather [hbm4b:s2+s3], $0x80, v4, vm0, $0xb8;
	[tilespmem:$0x18200] =	vst v63  }
0x4d: {  	s0 =	simm.s32 $0xA00;
	v3 =	vadd.s32 v1, v3  }
0x4e: {  	[tilespmem:s0], [sflag:$0x1] =	stream.indirect_vreg.gather [hbm4b:s5+s3], $0x80, v4, vm0, $0xb8;
	[tilespmem:$0x18200] =	vst v63  }
0x4f: {  	s19 =	simm.s32 $0x1200  }
0x50: {  	[tilespmem:s19], [sflag:$0x1] =	stream.indirect_vreg.gather [hbm4b:s6+s3], $0x80, v4, vm0, $0xb8;
	[tilespmem:$0x18200] =	vst v63  }
0x51: {  	s20 =	simm.s32 $0x1A00  }
0x52: {  	[tilespmem:s20], [sflag:$0x1] =	stream.indirect_vreg.gather [hbm4b:s2+s3], $0x80, v3, vm0, $0xb8;
	[tilespmem:$0x18200] =	vst v63  }
0x53: {  	s21 =	simm.s32 $0x2200  }
0x54: {  	[tilespmem:s21], [sflag:$0x1] =	stream.indirect_vreg.gather [hbm4b:s5+s3], $0x80, v3, vm0, $0xb8;
	[tilespmem:$0x18200] =	vst v63  }
0x55: {  	s22 =	simm.s32 $0x2A00  }
0x56: {  	[tilespmem:s22], [sflag:$0x1] =	stream.indirect_vreg.gather [hbm4b:s6+s3], $0x80, v3, vm0, $0xb8;
	[tilespmem:$0x18200] =	vst v63  }
0x57: {  	v3 =	vld [tilespmem:$0x10];
	_ =	sdelay $0x4  }
0x58: {  	v33 =	vshrl.u32 v3, $0x3  }
0x59: {  	v4 =	vmul.u32 $0x30, v33  }
0x5a: {  	v3 =	vand.u32 $0x7, v3  }
0x5b: {  	v3 =	vor.u32 v3, v4  }
0x5c: {  	v4 =	vperm.xlane v3, v0;
	_ =	sdelay $0x1  }
0x5d: {  	v4 =	vadd.s32 v1, v4;
	_ =	sdelay $0x3  }
0x5e: {  	s23 =	simm.s32 $0x3200;
	v3 =	vperm.xlane v3, v2  }
0x5f: {  	[tilespmem:s23], [sflag:$0x1] =	stream.indirect_vreg.gather [hbm4b:s2+s3], $0x80, v4, vm0, $0xb8;
	[tilespmem:$0x18200] =	vst v63  }
0x60: {  	s24 =	simm.s32 $0x3A00;
	v3 =	vadd.s32 v1, v3  }
0x61: {  	[tilespmem:s24], [sflag:$0x1] =	stream.indirect_vreg.gather [hbm4b:s5+s3], $0x80, v4, vm0, $0xb8;
	[tilespmem:$0x18200] =	vst v63  }
0x62: {  	s25 =	simm.s32 $0x4200  }
0x63: {  	[tilespmem:s25], [sflag:$0x1] =	stream.indirect_vreg.gather [hbm4b:s6+s3], $0x80, v4, vm0, $0xb8;
	[tilespmem:$0x18200] =	vst v63  }
0x64: {  	s26 =	simm.s32 $0x4A00  }
0x65: {  	[tilespmem:s26], [sflag:$0x1] =	stream.indirect_vreg.gather [hbm4b:s2+s3], $0x80, v3, vm0, $0xb8;
	[tilespmem:$0x18200] =	vst v63  }
0x66: {  	s28 =	simm.s32 $0x5200  }
0x67: {  	[tilespmem:s28], [sflag:$0x1] =	stream.indirect_vreg.gather [hbm4b:s5+s3], $0x80, v3, vm0, $0xb8;
	[tilespmem:$0x18200] =	vst v63  }
0x68: {  	s29 =	simm.s32 $0x5A00  }
0x69: {  	[tilespmem:s29], [sflag:$0x1] =	stream.indirect_vreg.gather [hbm4b:s6+s3], $0x80, v3, vm0, $0xb8;
	[tilespmem:$0x18200] =	vst v63  }
0x6a: {  	v3 =	vld [tilespmem:$0x20];
	_ =	sdelay $0x4  }
0x6b: {  	v34 =	vshrl.u32 v3, $0x3  }
0x6c: {  	v4 =	vmul.u32 $0x30, v34  }
0x6d: {  	v3 =	vand.u32 $0x7, v3  }
0x6e: {  	v3 =	vor.u32 v3, v4  }
0x6f: {  	v4 =	vperm.xlane v3, v0;
	_ =	sdelay $0x1  }
0x70: {  	v4 =	vadd.s32 v1, v4;
	_ =	sdelay $0x3  }
0x71: {  	s30 =	simm.s32 $0x6200;
	v3 =	vperm.xlane v3, v2  }
0x72: {  	[tilespmem:s30], [sflag:$0x1] =	stream.indirect_vreg.gather [hbm4b:s2+s3], $0x80, v4, vm0, $0xb8;
	[tilespmem:$0x18200] =	vst v63  }
0x73: {  	s31 =	simm.s32 $0x6A00;
	v3 =	vadd.s32 v1, v3  }
0x74: {  	[tilespmem:s31], [sflag:$0x1] =	stream.indirect_vreg.gather [hbm4b:s5+s3], $0x80, v4, vm0, $0xb8;
	[tilespmem:$0x18200] =	vst v63  }
0x75: {  	s1 =	simm.s32 $0x7200  }
0x76: {  	[tilespmem:s1], [sflag:$0x1] =	stream.indirect_vreg.gather [hbm4b:s6+s3], $0x80, v4, vm0, $0xb8;
	[tilespmem:$0x18200] =	vst v63  }
0x77: {  	s10 =	simm.s32 $0x7A00  }
0x78: {  	[tilespmem:s10], [sflag:$0x1] =	stream.indirect_vreg.gather [hbm4b:s2+s3], $0x80, v3, vm0, $0xb8;
	[tilespmem:$0x18200] =	vst v63  }
0x79: {  	s11 =	simm.s32 $0x8200  }
0x7a: {  	[tilespmem:s11], [sflag:$0x1] =	stream.indirect_vreg.gather [hbm4b:s5+s3], $0x80, v3, vm0, $0xb8;
	[tilespmem:$0x18200] =	vst v63  }
0x7b: {  	s12 =	simm.s32 $0x8A00  }
0x7c: {  	[tilespmem:s12], [sflag:$0x1] =	stream.indirect_vreg.gather [hbm4b:s6+s3], $0x80, v3, vm0, $0xb8;
	[tilespmem:$0x18200] =	vst v63  }
0x7d: {  	v3 =	vld [tilespmem:$0x30];
	_ =	sdelay $0x4  }
0x7e: {  	v35 =	vshrl.u32 v3, $0x3  }
0x7f: {  	v4 =	vmul.u32 $0x30, v35  }
0x80: {  	v3 =	vand.u32 $0x7, v3  }
0x81: {  	v3 =	vor.u32 v3, v4  }
0x82: {  	v4 =	vperm.xlane v3, v0;
	_ =	sdelay $0x1  }
0x83: {  	v4 =	vadd.s32 v1, v4;
	_ =	sdelay $0x3  }
0x84: {  	s13 =	simm.s32 $0x9200;
	v3 =	vperm.xlane v3, v2  }
0x85: {  	[tilespmem:s13], [sflag:$0x1] =	stream.indirect_vreg.gather [hbm4b:s2+s3], $0x80, v4, vm0, $0xb8;
	[tilespmem:$0x18200] =	vst v63  }
0x86: {  	s16 =	simm.s32 $0x9A00;
	v3 =	vadd.s32 v1, v3  }
0x87: {  	[tilespmem:s16], [sflag:$0x1] =	stream.indirect_vreg.gather [hbm4b:s5+s3], $0x80, v4, vm0, $0xb8;
	[tilespmem:$0x18200] =	vst v63  }
0x88: {  	s17 =	simm.s32 $0xA200  }
0x89: {  	[tilespmem:s17], [sflag:$0x1] =	stream.indirect_vreg.gather [hbm4b:s6+s3], $0x80, v4, vm0, $0xb8;
	[tilespmem:$0x18200] =	vst v63  }
0x8a: {  	s20 =	simm.s32 $0xAA00  }
0x8b: {  	[tilespmem:s20], [sflag:$0x1] =	stream.indirect_vreg.gather [hbm4b:s2+s3], $0x80, v3, vm0, $0xb8;
	[tilespmem:$0x18200] =	vst v63  }
0x8c: {  	s21 =	simm.s32 $0xB200  }
0x8d: {  	[tilespmem:s21], [sflag:$0x1] =	stream.indirect_vreg.gather [hbm4b:s5+s3], $0x80, v3, vm0, $0xb8;
	[tilespmem:$0x18200] =	vst v63  }
0x8e: {  	s24 =	simm.s32 $0xBA00  }
0x8f: {  	[tilespmem:s24], [sflag:$0x1] =	stream.indirect_vreg.gather [hbm4b:s6+s3], $0x80, v3, vm0, $0xb8;
	[tilespmem:$0x18200] =	vst v63  }
0x90: {  	v3 =	vld [tilespmem:$0x40];
	_ =	sdelay $0x4  }
0x91: {  	v36 =	vshrl.u32 v3, $0x3  }
0x92: {  	v4 =	vmul.u32 $0x30, v36  }
0x93: {  	v3 =	vand.u32 $0x7, v3  }
0x94: {  	v3 =	vor.u32 v3, v4  }
0x95: {  	v4 =	vperm.xlane v3, v0;
	_ =	sdelay $0x1  }
0x96: {  	v4 =	vadd.s32 v1, v4;
	_ =	sdelay $0x3  }
0x97: {  	s25 =	simm.s32 $0xC200;
	v3 =	vperm.xlane v3, v2  }
0x98: {  	[tilespmem:s25], [sflag:$0x1] =	stream.indirect_vreg.gather [hbm4b:s2+s3], $0x80, v4, vm0, $0xb8;
	[tilespmem:$0x18200] =	vst v63  }
0x99: {  	s26 =	simm.s32 $0xCA00;
	v3 =	vadd.s32 v1, v3  }
0x9a: {  	[tilespmem:s26], [sflag:$0x1] =	stream.indirect_vreg.gather [hbm4b:s5+s3], $0x80, v4, vm0, $0xb8;
	[tilespmem:$0x18200] =	vst v63  }
0x9b: {  	s28 =	simm.s32 $0xD200  }
0x9c: {  	[tilespmem:s28], [sflag:$0x1] =	stream.indirect_vreg.gather [hbm4b:s6+s3], $0x80, v4, vm0, $0xb8;
	[tilespmem:$0x18200] =	vst v63  }
0x9d: {  	s29 =	simm.s32 $0xDA00  }
0x9e: {  	[tilespmem:s29], [sflag:$0x1] =	stream.indirect_vreg.gather [hbm4b:s2+s3], $0x80, v3, vm0, $0xb8;
	[tilespmem:$0x18200] =	vst v63  }
0x9f: {  	s30 =	simm.s32 $0xE200  }
0xa0: {  	[tilespmem:s30], [sflag:$0x1] =	stream.indirect_vreg.gather [hbm4b:s5+s3], $0x80, v3, vm0, $0xb8;
	[tilespmem:$0x18200] =	vst v63  }
0xa1: {  	s31 =	simm.s32 $0xEA00  }
0xa2: {  	[tilespmem:s31], [sflag:$0x1] =	stream.indirect_vreg.gather [hbm4b:s6+s3], $0x80, v3, vm0, $0xb8;
	[tilespmem:$0x18200] =	vst v63  }
0xa3: {  	v3 =	vld [tilespmem:$0x50];
	_ =	sdelay $0x4  }
0xa4: {  	v37 =	vshrl.u32 v3, $0x3  }
0xa5: {  	v4 =	vmul.u32 $0x30, v37  }
0xa6: {  	v3 =	vand.u32 $0x7, v3  }
0xa7: {  	v3 =	vor.u32 v3, v4  }
0xa8: {  	v4 =	vperm.xlane v3, v0;
	_ =	sdelay $0x1  }
0xa9: {  	v4 =	vadd.s32 v1, v4;
	_ =	sdelay $0x3  }
0xaa: {  	s0 =	simm.s32 $0xF200;
	v3 =	vperm.xlane v3, v2  }
0xab: {  	[tilespmem:s0], [sflag:$0x1] =	stream.indirect_vreg.gather [hbm4b:s2+s3], $0x80, v4, vm0, $0xb8;
	[tilespmem:$0x18200] =	vst v63  }
0xac: {  	s1 =	simm.s32 $0xFA00;
	v3 =	vadd.s32 v1, v3  }
0xad: {  	[tilespmem:s1], [sflag:$0x1] =	stream.indirect_vreg.gather [hbm4b:s5+s3], $0x80, v4, vm0, $0xb8;
	[tilespmem:$0x18200] =	vst v63  }
0xae: {  	s11 =	simm.s32 $0x10200  }
0xaf: {  	[tilespmem:s11], [sflag:$0x1] =	stream.indirect_vreg.gather [hbm4b:s6+s3], $0x80, v4, vm0, $0xb8;
	[tilespmem:$0x18200] =	vst v63  }
0xb0: {  	s12 =	simm.s32 $0x10A00  }
0xb1: {  	[tilespmem:s12], [sflag:$0x1] =	stream.indirect_vreg.gather [hbm4b:s2+s3], $0x80, v3, vm0, $0xb8;
	[tilespmem:$0x18200] =	vst v63  }
0xb2: {  	s13 =	simm.s32 $0x11200  }
0xb3: {  	[tilespmem:s13], [sflag:$0x1] =	stream.indirect_vreg.gather [hbm4b:s5+s3], $0x80, v3, vm0, $0xb8;
	[tilespmem:$0x18200] =	vst v63  }
0xb4: {  	s16 =	simm.s32 $0x11A00  }
0xb5: {  	[tilespmem:s16], [sflag:$0x1] =	stream.indirect_vreg.gather [hbm4b:s6+s3], $0x80, v3, vm0, $0xb8;
	[tilespmem:$0x18200] =	vst v63  }
0xb6: {  	v3 =	vld [tilespmem:$0x60];
	_ =	sdelay $0x4  }
0xb7: {  	v38 =	vshrl.u32 v3, $0x3  }
0xb8: {  	v4 =	vmul.u32 $0x30, v38  }
0xb9: {  	v3 =	vand.u32 $0x7, v3  }
0xba: {  	v3 =	vor.u32 v3, v4  }
0xbb: {  	v4 =	vperm.xlane v3, v0;
	_ =	sdelay $0x1  }
0xbc: {  	v4 =	vadd.s32 v1, v4;
	_ =	sdelay $0x3  }
0xbd: {  	s17 =	simm.s32 $0x12200;
	v3 =	vperm.xlane v3, v2  }
0xbe: {  	[tilespmem:s17], [sflag:$0x1] =	stream.indirect_vreg.gather [hbm4b:s2+s3], $0x80, v4, vm0, $0xb8;
	[tilespmem:$0x18200] =	vst v63  }
0xbf: {  	s20 =	simm.s32 $0x12A00;
	v3 =	vadd.s32 v1, v3  }
0xc0: {  	[tilespmem:s20], [sflag:$0x1] =	stream.indirect_vreg.gather [hbm4b:s5+s3], $0x80, v4, vm0, $0xb8;
	[tilespmem:$0x18200] =	vst v63  }
0xc1: {  	s21 =	simm.s32 $0x13200  }
0xc2: {  	[tilespmem:s21], [sflag:$0x1] =	stream.indirect_vreg.gather [hbm4b:s6+s3], $0x80, v4, vm0, $0xb8;
	[tilespmem:$0x18200] =	vst v63  }
0xc3: {  	s31 =	simm.s32 $0x13A00  }
0xc4: {  	[tilespmem:s31], [sflag:$0x1] =	stream.indirect_vreg.gather [hbm4b:s2+s3], $0x80, v3, vm0, $0xb8;
	[tilespmem:$0x18200] =	vst v63  }
0xc5: {  	s0 =	simm.s32 $0x14200  }
0xc6: {  	[tilespmem:s0], [sflag:$0x1] =	stream.indirect_vreg.gather [hbm4b:s5+s3], $0x80, v3, vm0, $0xb8;
	[tilespmem:$0x18200] =	vst v63  }
0xc7: {  	s1 =	simm.s32 $0x14A00  }
0xc8: {  	[tilespmem:s1], [sflag:$0x1] =	stream.indirect_vreg.gather [hbm4b:s6+s3], $0x80, v3, vm0, $0xb8;
	[tilespmem:$0x18200] =	vst v63  }
0xc9: {  	v3 =	vld [tilespmem:$0x70];
	_ =	sdelay $0x4  }
0xca: {  	v39 =	vshrl.u32 v3, $0x3  }
0xcb: {  	v4 =	vmul.u32 $0x30, v39  }
0xcc: {  	v3 =	vand.u32 $0x7, v3  }
0xcd: {  	v3 =	vor.u32 v3, v4  }
0xce: {  	v4 =	vperm.xlane v3, v0;
	_ =	sdelay $0x1  }
0xcf: {  	v4 =	vadd.s32 v1, v4;
	_ =	sdelay $0x3  }
0xd0: {  	s11 =	simm.s32 $0x15200;
	v3 =	vperm.xlane v3, v2  }
0xd1: {  	[tilespmem:s11], [sflag:$0x1] =	stream.indirect_vreg.gather [hbm4b:s2+s3], $0x80, v4, vm0, $0xb8;
	[tilespmem:$0x18200] =	vst v63  }
0xd2: {  	s12 =	simm.s32 $0x15A00;
	v3 =	vadd.s32 v1, v3  }
0xd3: {  	[tilespmem:s12], [sflag:$0x1] =	stream.indirect_vreg.gather [hbm4b:s5+s3], $0x80, v4, vm0, $0xb8;
	[tilespmem:$0x18200] =	vst v63  }
0xd4: {  	s13 =	simm.s32 $0x16200  }
0xd5: {  	[tilespmem:s13], [sflag:$0x1] =	stream.indirect_vreg.gather [hbm4b:s6+s3], $0x80, v4, vm0, $0xb8;
	[tilespmem:$0x18200] =	vst v63  }
0xd6: {  	s16 =	simm.s32 $0x16A00  }
0xd7: {  	[tilespmem:s16], [sflag:$0x1] =	stream.indirect_vreg.gather [hbm4b:s2+s3], $0x80, v3, vm0, $0xb8;
	[tilespmem:$0x18200] =	vst v63  }
0xd8: {  	s17 =	simm.s32 $0x17200  }
0xd9: {  	[tilespmem:s17], [sflag:$0x1] =	stream.indirect_vreg.gather [hbm4b:s5+s3], $0x80, v3, vm0, $0xb8;
	[tilespmem:$0x18200] =	vst v63  }
0xda: {  	s20 =	simm.s32 $0x17A00  }
0xdb: {  	[tilespmem:s20], [sflag:$0x1] =	stream.indirect_vreg.gather [hbm4b:s6+s3], $0x80, v3, vm0, $0xb8;
	[tilespmem:$0x18200] =	vst v63  }
0xdc: {  	_ =	swait.ge [sflag:s4], $0x18000  }
0xdd: {  	s21 =	sld [smem:$0x7F9]  }
0xde: {  	[sflag:s4] =	ssyncset.done $0x0  }
0xdf: {  	[sflag:s4] =	ssyncadd.s32 $0xFFFE8000  }
0xe0: {  	[hbm4b:s21+s3] =	stream.linear.scatter [tilespmem:s9], [sflag:$0x2], $0x18000, $0x38;
	[tilespmem:$0x18200] =	vst v63  }
0xe1: {  	_ =	swait.ge [sflag:s8], $0x18000  }
0xe2: {  	[sflag:s8] =	ssyncset.done $0x0  }
0xe3: {  	s0 =	rddreg [dreg:$0x5];
	[sflag:s8] =	ssyncadd.s32 $0xFFFE8000  }
0xe4: {  	[hbm4b:s0+s3] =	stream.linear.scatter [tilespmem:s9], [sflag:$0x2], $0x18000, $0x38;
	[tilespmem:$0x18200] =	vst v63  }
0xe5: {  	_ =	swait.ge [sflag:s8], $0x18000  }
0xe6: {  	[sflag:s8] =	ssyncset.done $0x0  }
0xe7: {  	s1 =	rddreg [dreg:$0x6];
	[sflag:s8] =	ssyncadd.s32 $0xFFFE8000  }
0xe8: {  	[hbm4b:s1+s3] =	stream.linear.scatter [tilespmem:s9], [sflag:$0x2], $0x18000, $0x38;
	[tilespmem:$0x18200] =	vst v63  }
0xe9: {  	_ =	swait.ge [sflag:s8], $0x18000  }
0xea: {  	[sflag:s8] =	ssyncset.done $0x0  }
0xeb: {  	s11 =	rddreg [dreg:$0x7];
	[sflag:s8] =	ssyncadd.s32 $0xFFFE8000  }
0xec: {  	[hbm4b:s11+s3] =	stream.linear.scatter [tilespmem:s9], [sflag:$0x2], $0x18000, $0x38;
	[tilespmem:$0x18200] =	vst v63  }
0xed: {  	_ =	swait.ge [sflag:s8], $0x18000  }
0xee: {  	[sflag:s8] =	ssyncset.done $0x0  }
0xef: {  	s12 =	rddreg [dreg:$0x8];
	[sflag:s8] =	ssyncadd.s32 $0xFFFE8000  }
0xf0: {  	[hbm4b:s12+s3] =	stream.linear.scatter [tilespmem:s9], [sflag:$0x2], $0x18000, $0x38;
	[tilespmem:$0x18200] =	vst v63  }
0xf1: {  	_ =	swait.ge [sflag:s8], $0x18000  }
0xf2: {  	[sflag:s8] =	ssyncset.done $0x0  }
0xf3: {  	s13 =	rddreg [dreg:$0x9];
	[sflag:s8] =	ssyncadd.s32 $0xFFFE8000  }
0xf4: {  	[hbm4b:s13+s3] =	stream.linear.scatter [tilespmem:s9], [sflag:$0x2], $0x18000, $0x38;
	[tilespmem:$0x18200] =	vst v63  }
0xf5: {  	_ =	swait.ge [sflag:s8], $0x18000  }
0xf6: {  	[sflag:s8] =	ssyncset.done $0x0  }
0xf7: {  	s16 =	rddreg [dreg:$0xa];
	[sflag:s8] =	ssyncadd.s32 $0xFFFE8000  }
0xf8: {  	[hbm4b:s16+s3] =	stream.linear.scatter [tilespmem:s9], [sflag:$0x2], $0x18000, $0x38;
	[tilespmem:$0x18200] =	vst v63  }
0xf9: {  	_ =	swait.ge [sflag:s8], $0x18000  }
0xfa: {  	[sflag:s8] =	ssyncset.done $0x0  }
0xfb: {  	s17 =	rddreg [dreg:$0xb];
	[sflag:s8] =	ssyncadd.s32 $0xFFFE8000  }
0xfc: {  	[hbm4b:s17+s3] =	stream.linear.scatter [tilespmem:s9], [sflag:$0x2], $0x18000, $0x38;
	[tilespmem:$0x18200] =	vst v63  }
0xfd: {  	_ =	swait.ge [sflag:s8], $0x18000  }
0xfe: {  	[sflag:s8] =	ssyncset.done $0x0  }
0xff: {  	s20 =	rddreg [dreg:$0xc];
	[sflag:s8] =	ssyncadd.s32 $0xFFFE8000  }
0x100: {  	[hbm4b:s20+s3] =	stream.linear.scatter [tilespmem:s9], [sflag:$0x2], $0x18000, $0x38;
	[tilespmem:$0x18200] =	vst v63  }
0x101: {  	_ =	swait.ge [sflag:s8], $0x18000  }
0x102: {  	[sflag:s8] =	ssyncset.done $0x0  }
0x103: {  	s21 =	rddreg [dreg:$0xd];
	[sflag:s8] =	ssyncadd.s32 $0xFFFE8000  }
0x104: {  	[hbm4b:s21+s3] =	stream.linear.scatter [tilespmem:s9], [sflag:$0x2], $0x18000, $0x38;
	[tilespmem:$0x18200] =	vst v63  }
0x105: {  	_ =	swait.ge [sflag:s8], $0x18000  }
0x106: {  	[sflag:s8] =	ssyncset.done $0x0  }
0x107: {  	[sflag:s8] =	ssyncadd.s32 $0xFFFE8000  }
0x108: {  	v3 =	vld [tilespmem:$0x80];
	_ =	sdelay $0x4  }
0x109: {  	v40 =	vshrl.u32 v3, $0x3  }
0x10a: {  	v4 =	vmul.u32 $0x30, v40  }
0x10b: {  	v3 =	vand.u32 $0x7, v3  }
0x10c: {  	v3 =	vor.u32 v3, v4  }
0x10d: {  	v4 =	vperm.xlane v3, v0;
	_ =	sdelay $0x1  }
0x10e: {  	v4 =	vadd.s32 v1, v4;
	_ =	sdelay $0x3  }
0x10f: {  	v3 =	vperm.xlane v3, v2  }
0x110: {  	[tilespmem:s9], [sflag:$0x1] =	stream.indirect_vreg.gather [hbm4b:s2+s3], $0x80, v4, vm0, $0xb8;
	[tilespmem:$0x18200] =	vst v63  }
0x111: {  	s1 =	simm.s32 $0xA00;
	v3 =	vadd.s32 v1, v3  }
0x112: {  	[tilespmem:s1], [sflag:$0x1] =	stream.indirect_vreg.gather [hbm4b:s5+s3], $0x80, v4, vm0, $0xb8;
	[tilespmem:$0x18200] =	vst v63  }
0x113: {  	s11 =	simm.s32 $0x1200  }
0x114: {  	[tilespmem:s11], [sflag:$0x1] =	stream.indirect_vreg.gather [hbm4b:s6+s3], $0x80, v4, vm0, $0xb8;
	[tilespmem:$0x18200] =	vst v63  }
0x115: {  	s12 =	simm.s32 $0x1A00  }
0x116: {  	[tilespmem:s12], [sflag:$0x1] =	stream.indirect_vreg.gather [hbm4b:s2+s3], $0x80, v3, vm0, $0xb8;
	[tilespmem:$0x18200] =	vst v63  }
0x117: {  	s13 =	simm.s32 $0x2200  }
0x118: {  	[tilespmem:s13], [sflag:$0x1] =	stream.indirect_vreg.gather [hbm4b:s5+s3], $0x80, v3, vm0, $0xb8;
	[tilespmem:$0x18200] =	vst v63  }
0x119: {  	s14 =	simm.s32 $0x2A00  }
0x11a: {  	[tilespmem:s14], [sflag:$0x1] =	stream.indirect_vreg.gather [hbm4b:s6+s3], $0x80, v3, vm0, $0xb8;
	[tilespmem:$0x18200] =	vst v63  }
0x11b: {  	v3 =	vld [tilespmem:$0x90];
	_ =	sdelay $0x4  }
0x11c: {  	v41 =	vshrl.u32 v3, $0x3  }
0x11d: {  	v4 =	vmul.u32 $0x30, v41  }
0x11e: {  	v3 =	vand.u32 $0x7, v3  }
0x11f: {  	v3 =	vor.u32 v3, v4  }
0x120: {  	v4 =	vperm.xlane v3, v0;
	_ =	sdelay $0x1  }
0x121: {  	v4 =	vadd.s32 v1, v4;
	_ =	sdelay $0x3  }
0x122: {  	s15 =	simm.s32 $0x3200;
	v3 =	vperm.xlane v3, v2  }
0x123: {  	[tilespmem:s15], [sflag:$0x1] =	stream.indirect_vreg.gather [hbm4b:s2+s3], $0x80, v4, vm0, $0xb8;
	[tilespmem:$0x18200] =	vst v63  }
0x124: {  	s14 =	simm.s32 $0x3A00;
	v3 =	vadd.s32 v1, v3  }
0x125: {  	[tilespmem:s14], [sflag:$0x1] =	stream.indirect_vreg.gather [hbm4b:s5+s3], $0x80, v4, vm0, $0xb8;
	[tilespmem:$0x18200] =	vst v63  }
0x126: {  	s15 =	simm.s32 $0x4200  }
0x127: {  	[tilespmem:s15], [sflag:$0x1] =	stream.indirect_vreg.gather [hbm4b:s6+s3], $0x80, v4, vm0, $0xb8;
	[tilespmem:$0x18200] =	vst v63  }
0x128: {  	s16 =	simm.s32 $0x4A00  }
0x129: {  	[tilespmem:s16], [sflag:$0x1] =	stream.indirect_vreg.gather [hbm4b:s2+s3], $0x80, v3, vm0, $0xb8;
	[tilespmem:$0x18200] =	vst v63  }
0x12a: {  	s17 =	simm.s32 $0x5200  }
0x12b: {  	[tilespmem:s17], [sflag:$0x1] =	stream.indirect_vreg.gather [hbm4b:s5+s3], $0x80, v3, vm0, $0xb8;
	[tilespmem:$0x18200] =	vst v63  }
0x12c: {  	s18 =	simm.s32 $0x5A00  }
0x12d: {  	[tilespmem:s18], [sflag:$0x1] =	stream.indirect_vreg.gather [hbm4b:s6+s3], $0x80, v3, vm0, $0xb8;
	[tilespmem:$0x18200] =	vst v63  }
0x12e: {  	v3 =	vld [tilespmem:$0xA0];
	_ =	sdelay $0x4  }
0x12f: {  	v42 =	vshrl.u32 v3, $0x3  }
0x130: {  	v4 =	vmul.u32 $0x30, v42  }
0x131: {  	v3 =	vand.u32 $0x7, v3  }
0x132: {  	v3 =	vor.u32 v3, v4  }
0x133: {  	v4 =	vperm.xlane v3, v0;
	_ =	sdelay $0x1  }
0x134: {  	v4 =	vadd.s32 v1, v4;
	_ =	sdelay $0x3  }
0x135: {  	s19 =	simm.s32 $0x6200;
	v3 =	vperm.xlane v3, v2  }
0x136: {  	[tilespmem:s19], [sflag:$0x1] =	stream.indirect_vreg.gather [hbm4b:s2+s3], $0x80, v4, vm0, $0xb8;
	[tilespmem:$0x18200] =	vst v63  }
0x137: {  	s18 =	simm.s32 $0x6A00;
	v3 =	vadd.s32 v1, v3  }
0x138: {  	[tilespmem:s18], [sflag:$0x1] =	stream.indirect_vreg.gather [hbm4b:s5+s3], $0x80, v4, vm0, $0xb8;
	[tilespmem:$0x18200] =	vst v63  }
0x139: {  	s19 =	simm.s32 $0x7200  }
0x13a: {  	[tilespmem:s19], [sflag:$0x1] =	stream.indirect_vreg.gather [hbm4b:s6+s3], $0x80, v4, vm0, $0xb8;
	[tilespmem:$0x18200] =	vst v63  }
0x13b: {  	s20 =	simm.s32 $0x7A00  }
0x13c: {  	[tilespmem:s20], [sflag:$0x1] =	stream.indirect_vreg.gather [hbm4b:s2+s3], $0x80, v3, vm0, $0xb8;
	[tilespmem:$0x18200] =	vst v63  }
0x13d: {  	s21 =	simm.s32 $0x8200  }
0x13e: {  	[tilespmem:s21], [sflag:$0x1] =	stream.indirect_vreg.gather [hbm4b:s5+s3], $0x80, v3, vm0, $0xb8;
	[tilespmem:$0x18200] =	vst v63  }
0x13f: {  	s22 =	simm.s32 $0x8A00  }
0x140: {  	[tilespmem:s22], [sflag:$0x1] =	stream.indirect_vreg.gather [hbm4b:s6+s3], $0x80, v3, vm0, $0xb8;
	[tilespmem:$0x18200] =	vst v63  }
0x141: {  	v3 =	vld [tilespmem:$0xB0];
	_ =	sdelay $0x4  }
0x142: {  	v43 =	vshrl.u32 v3, $0x3  }
0x143: {  	v4 =	vmul.u32 $0x30, v43  }
0x144: {  	v3 =	vand.u32 $0x7, v3  }
0x145: {  	v3 =	vor.u32 v3, v4  }
0x146: {  	v4 =	vperm.xlane v3, v0;
	_ =	sdelay $0x1  }
0x147: {  	v4 =	vadd.s32 v1, v4;
	_ =	sdelay $0x3  }
0x148: {  	s23 =	simm.s32 $0x9200;
	v3 =	vperm.xlane v3, v2  }
0x149: {  	[tilespmem:s23], [sflag:$0x1] =	stream.indirect_vreg.gather [hbm4b:s2+s3], $0x80, v4, vm0, $0xb8;
	[tilespmem:$0x18200] =	vst v63  }
0x14a: {  	s22 =	simm.s32 $0x9A00;
	v3 =	vadd.s32 v1, v3  }
0x14b: {  	[tilespmem:s22], [sflag:$0x1] =	stream.indirect_vreg.gather [hbm4b:s5+s3], $0x80, v4, vm0, $0xb8;
	[tilespmem:$0x18200] =	vst v63  }
0x14c: {  	s23 =	simm.s32 $0xA200  }
0x14d: {  	[tilespmem:s23], [sflag:$0x1] =	stream.indirect_vreg.gather [hbm4b:s6+s3], $0x80, v4, vm0, $0xb8;
	[tilespmem:$0x18200] =	vst v63  }
0x14e: {  	s0 =	simm.s32 $0xAA00  }
0x14f: {  	[tilespmem:s0], [sflag:$0x1] =	stream.indirect_vreg.gather [hbm4b:s2+s3], $0x80, v3, vm0, $0xb8;
	[tilespmem:$0x18200] =	vst v63  }
0x150: {  	s10 =	simm.s32 $0xB200  }
0x151: {  	[tilespmem:s10], [sflag:$0x1] =	stream.indirect_vreg.gather [hbm4b:s5+s3], $0x80, v3, vm0, $0xb8;
	[tilespmem:$0x18200] =	vst v63  }
0x152: {  	s24 =	simm.s32 $0xBA00  }
0x153: {  	[tilespmem:s24], [sflag:$0x1] =	stream.indirect_vreg.gather [hbm4b:s6+s3], $0x80, v3, vm0, $0xb8;
	[tilespmem:$0x18200] =	vst v63  }
0x154: {  	v3 =	vld [tilespmem:$0xC0];
	_ =	sdelay $0x4  }
0x155: {  	v44 =	vshrl.u32 v3, $0x3  }
0x156: {  	v4 =	vmul.u32 $0x30, v44  }
0x157: {  	v3 =	vand.u32 $0x7, v3  }
0x158: {  	v3 =	vor.u32 v3, v4  }
0x159: {  	v4 =	vperm.xlane v3, v0;
	_ =	sdelay $0x1  }
0x15a: {  	v4 =	vadd.s32 v1, v4;
	_ =	sdelay $0x3  }
0x15b: {  	s25 =	simm.s32 $0xC200;
	v3 =	vperm.xlane v3, v2  }
0x15c: {  	[tilespmem:s25], [sflag:$0x1] =	stream.indirect_vreg.gather [hbm4b:s2+s3], $0x80, v4, vm0, $0xb8;
	[tilespmem:$0x18200] =	vst v63  }
0x15d: {  	s24 =	simm.s32 $0xCA00;
	v3 =	vadd.s32 v1, v3  }
0x15e: {  	[tilespmem:s24], [sflag:$0x1] =	stream.indirect_vreg.gather [hbm4b:s5+s3], $0x80, v4, vm0, $0xb8;
	[tilespmem:$0x18200] =	vst v63  }
0x15f: {  	s25 =	simm.s32 $0xD200  }
0x160: {  	[tilespmem:s25], [sflag:$0x1] =	stream.indirect_vreg.gather [hbm4b:s6+s3], $0x80, v4, vm0, $0xb8;
	[tilespmem:$0x18200] =	vst v63  }
0x161: {  	s10 =	simm.s32 $0xDA00  }
0x162: {  	[tilespmem:s10], [sflag:$0x1] =	stream.indirect_vreg.gather [hbm4b:s2+s3], $0x80, v3, vm0, $0xb8;
	[tilespmem:$0x18200] =	vst v63  }
0x163: {  	s10 =	simm.s32 $0xE200  }
0x164: {  	[tilespmem:s10], [sflag:$0x1] =	stream.indirect_vreg.gather [hbm4b:s5+s3], $0x80, v3, vm0, $0xb8;
	[tilespmem:$0x18200] =	vst v63  }
0x165: {  	s26 =	simm.s32 $0xEA00  }
0x166: {  	[tilespmem:s26], [sflag:$0x1] =	stream.indirect_vreg.gather [hbm4b:s6+s3], $0x80, v3, vm0, $0xb8;
	[tilespmem:$0x18200] =	vst v63  }
0x167: {  	v3 =	vld [tilespmem:$0xD0];
	_ =	sdelay $0x4  }
0x168: {  	v45 =	vshrl.u32 v3, $0x3  }
0x169: {  	v4 =	vmul.u32 $0x30, v45  }
0x16a: {  	v3 =	vand.u32 $0x7, v3  }
0x16b: {  	v3 =	vor.u32 v3, v4  }
0x16c: {  	v4 =	vperm.xlane v3, v0;
	_ =	sdelay $0x1  }
0x16d: {  	v4 =	vadd.s32 v1, v4;
	_ =	sdelay $0x3  }
0x16e: {  	s28 =	simm.s32 $0xF200;
	v3 =	vperm.xlane v3, v2  }
0x16f: {  	[tilespmem:s28], [sflag:$0x1] =	stream.indirect_vreg.gather [hbm4b:s2+s3], $0x80, v4, vm0, $0xb8;
	[tilespmem:$0x18200] =	vst v63  }
0x170: {  	v3 =	vadd.s32 v1, v3;
	s28 =	simm.s32 $0xFA00  }
0x171: {  	[tilespmem:s28], [sflag:$0x1] =	stream.indirect_vreg.gather [hbm4b:s5+s3], $0x80, v4, vm0, $0xb8;
	[tilespmem:$0x18200] =	vst v63  }
0x172: {  	s26 =	simm.s32 $0x10200  }
0x173: {  	[tilespmem:s26], [sflag:$0x1] =	stream.indirect_vreg.gather [hbm4b:s6+s3], $0x80, v4, vm0, $0xb8;
	[tilespmem:$0x18200] =	vst v63  }
0x174: {  	s28 =	simm.s32 $0x10A00  }
0x175: {  	[tilespmem:s28], [sflag:$0x1] =	stream.indirect_vreg.gather [hbm4b:s2+s3], $0x80, v3, vm0, $0xb8;
	[tilespmem:$0x18200] =	vst v63  }
0x176: {  	s26 =	simm.s32 $0x11200  }
0x177: {  	[tilespmem:s26], [sflag:$0x1] =	stream.indirect_vreg.gather [hbm4b:s5+s3], $0x80, v3, vm0, $0xb8;
	[tilespmem:$0x18200] =	vst v63  }
0x178: {  	s29 =	simm.s32 $0x11A00  }
0x179: {  	[tilespmem:s29], [sflag:$0x1] =	stream.indirect_vreg.gather [hbm4b:s6+s3], $0x80, v3, vm0, $0xb8;
	[tilespmem:$0x18200] =	vst v63  }
0x17a: {  	v3 =	vld [tilespmem:$0xE0];
	_ =	sdelay $0x4  }
0x17b: {  	v46 =	vshrl.u32 v3, $0x3  }
0x17c: {  	v4 =	vmul.u32 $0x30, v46  }
0x17d: {  	v3 =	vand.u32 $0x7, v3  }
0x17e: {  	v3 =	vor.u32 v3, v4  }
0x17f: {  	v4 =	vperm.xlane v3, v0;
	_ =	sdelay $0x1  }
0x180: {  	v4 =	vadd.s32 v1, v4;
	_ =	sdelay $0x3  }
0x181: {  	s30 =	simm.s32 $0x12200;
	v3 =	vperm.xlane v3, v2  }
0x182: {  	[tilespmem:s30], [sflag:$0x1] =	stream.indirect_vreg.gather [hbm4b:s2+s3], $0x80, v4, vm0, $0xb8;
	[tilespmem:$0x18200] =	vst v63  }
0x183: {  	s28 =	simm.s32 $0x12A00;
	v3 =	vadd.s32 v1, v3  }
0x184: {  	[tilespmem:s28], [sflag:$0x1] =	stream.indirect_vreg.gather [hbm4b:s5+s3], $0x80, v4, vm0, $0xb8;
	[tilespmem:$0x18200] =	vst v63  }
0x185: {  	s29 =	simm.s32 $0x13200  }
0x186: {  	[tilespmem:s29], [sflag:$0x1] =	stream.indirect_vreg.gather [hbm4b:s6+s3], $0x80, v4, vm0, $0xb8;
	[tilespmem:$0x18200] =	vst v63  }
0x187: {  	s30 =	simm.s32 $0x13A00  }
0x188: {  	[tilespmem:s30], [sflag:$0x1] =	stream.indirect_vreg.gather [hbm4b:s2+s3], $0x80, v3, vm0, $0xb8;
	[tilespmem:$0x18200] =	vst v63  }
0x189: {  	s26 =	simm.s32 $0x14200  }
0x18a: {  	[tilespmem:s26], [sflag:$0x1] =	stream.indirect_vreg.gather [hbm4b:s5+s3], $0x80, v3, vm0, $0xb8;
	[tilespmem:$0x18200] =	vst v63  }
0x18b: {  	s31 =	simm.s32 $0x14A00  }
0x18c: {  	[tilespmem:s31], [sflag:$0x1] =	stream.indirect_vreg.gather [hbm4b:s6+s3], $0x80, v3, vm0, $0xb8;
	[tilespmem:$0x18200] =	vst v63  }
0x18d: {  	v3 =	vld [tilespmem:$0xF0];
	_ =	sdelay $0x4  }
0x18e: {  	v47 =	vshrl.u32 v3, $0x3  }
0x18f: {  	v4 =	vmul.u32 $0x30, v47  }
0x190: {  	v3 =	vand.u32 $0x7, v3  }
0x191: {  	v3 =	vor.u32 v3, v4  }
0x192: {  	v4 =	vperm.xlane v3, v0;
	_ =	sdelay $0x1  }
0x193: {  	v4 =	vadd.s32 v1, v4;
	_ =	sdelay $0x3  }
0x194: {  	s28 =	simm.s32 $0x15200;
	v3 =	vperm.xlane v3, v2  }
0x195: {  	[tilespmem:s28], [sflag:$0x1] =	stream.indirect_vreg.gather [hbm4b:s2+s3], $0x80, v4, vm0, $0xb8;
	[tilespmem:$0x18200] =	vst v63  }
0x196: {  	s29 =	simm.s32 $0x15A00;
	v3 =	vadd.s32 v1, v3  }
0x197: {  	[tilespmem:s29], [sflag:$0x1] =	stream.indirect_vreg.gather [hbm4b:s5+s3], $0x80, v4, vm0, $0xb8;
	[tilespmem:$0x18200] =	vst v63  }
0x198: {  	s30 =	simm.s32 $0x16200  }
0x199: {  	[tilespmem:s30], [sflag:$0x1] =	stream.indirect_vreg.gather [hbm4b:s6+s3], $0x80, v4, vm0, $0xb8;
	[tilespmem:$0x18200] =	vst v63  }
0x19a: {  	s31 =	simm.s32 $0x16A00  }
0x19b: {  	[tilespmem:s31], [sflag:$0x1] =	stream.indirect_vreg.gather [hbm4b:s2+s3], $0x80, v3, vm0, $0xb8;
	[tilespmem:$0x18200] =	vst v63  }
0x19c: {  	s26 =	simm.s32 $0x17200  }
0x19d: {  	[tilespmem:s26], [sflag:$0x1] =	stream.indirect_vreg.gather [hbm4b:s5+s3], $0x80, v3, vm0, $0xb8;
	[tilespmem:$0x18200] =	vst v63  }
0x19e: {  	s28 =	simm.s32 $0x17A00  }
0x19f: {  	[tilespmem:s28], [sflag:$0x1] =	stream.indirect_vreg.gather [hbm4b:s6+s3], $0x80, v3, vm0, $0xb8;
	[tilespmem:$0x18200] =	vst v63  }
0x1a0: {  	_ =	swait.ge [sflag:s4], $0x18000  }
0x1a1: {  	[sflag:s4] =	ssyncset.done $0x0  }
0x1a2: {  	s29 =	rddreg [dreg:$0xe];
	[sflag:s4] =	ssyncadd.s32 $0xFFFE8000  }
0x1a3: {  	[hbm4b:s29+s3] =	stream.linear.scatter [tilespmem:s9], [sflag:$0x2], $0x18000, $0x38;
	[tilespmem:$0x18200] =	vst v63  }
0x1a4: {  	_ =	swait.ge [sflag:s8], $0x18000  }
0x1a5: {  	[sflag:s8] =	ssyncset.done $0x0  }
0x1a6: {  	s30 =	rddreg [dreg:$0xf];
	[sflag:s8] =	ssyncadd.s32 $0xFFFE8000  }
0x1a7: {  	[hbm4b:s30+s3] =	stream.linear.scatter [tilespmem:s9], [sflag:$0x2], $0x18000, $0x38;
	[tilespmem:$0x18200] =	vst v63  }
0x1a8: {  	_ =	swait.ge [sflag:s8], $0x18000  }
0x1a9: {  	[sflag:s8] =	ssyncset.done $0x0  }
0x1aa: {  	s31 =	rddreg [dreg:$0x10];
	[sflag:s8] =	ssyncadd.s32 $0xFFFE8000  }
0x1ab: {  	[hbm4b:s31+s3] =	stream.linear.scatter [tilespmem:s9], [sflag:$0x2], $0x18000, $0x38;
	[tilespmem:$0x18200] =	vst v63  }
0x1ac: {  	_ =	swait.ge [sflag:s8], $0x18000  }
0x1ad: {  	[sflag:s8] =	ssyncset.done $0x0  }
0x1ae: {  	s26 =	rddreg [dreg:$0x11];
	[sflag:s8] =	ssyncadd.s32 $0xFFFE8000  }
0x1af: {  	[hbm4b:s26+s3] =	stream.linear.scatter [tilespmem:s9], [sflag:$0x2], $0x18000, $0x38;
	[tilespmem:$0x18200] =	vst v63  }
0x1b0: {  	_ =	swait.ge [sflag:s8], $0x18000  }
0x1b1: {  	[sflag:s8] =	ssyncset.done $0x0  }
0x1b2: {  	s28 =	rddreg [dreg:$0x12];
	[sflag:s8] =	ssyncadd.s32 $0xFFFE8000  }
0x1b3: {  	[hbm4b:s28+s3] =	stream.linear.scatter [tilespmem:s9], [sflag:$0x2], $0x18000, $0x38;
	[tilespmem:$0x18200] =	vst v63  }
0x1b4: {  	_ =	swait.ge [sflag:s8], $0x18000  }
0x1b5: {  	[sflag:s8] =	ssyncset.done $0x0  }
0x1b6: {  	s29 =	rddreg [dreg:$0x13];
	[sflag:s8] =	ssyncadd.s32 $0xFFFE8000  }
0x1b7: {  	[hbm4b:s29+s3] =	stream.linear.scatter [tilespmem:s9], [sflag:$0x2], $0x18000, $0x38;
	[tilespmem:$0x18200] =	vst v63  }
0x1b8: {  	_ =	swait.ge [sflag:s8], $0x18000  }
0x1b9: {  	[sflag:s8] =	ssyncset.done $0x0  }
0x1ba: {  	s30 =	rddreg [dreg:$0x14];
	[sflag:s8] =	ssyncadd.s32 $0xFFFE8000  }
0x1bb: {  	[hbm4b:s30+s3] =	stream.linear.scatter [tilespmem:s9], [sflag:$0x2], $0x18000, $0x38;
	[tilespmem:$0x18200] =	vst v63  }
0x1bc: {  	_ =	swait.ge [sflag:s8], $0x18000  }
0x1bd: {  	[sflag:s8] =	ssyncset.done $0x0  }
0x1be: {  	s31 =	rddreg [dreg:$0x15];
	[sflag:s8] =	ssyncadd.s32 $0xFFFE8000  }
0x1bf: {  	[hbm4b:s31+s3] =	stream.linear.scatter [tilespmem:s9], [sflag:$0x2], $0x18000, $0x38;
	[tilespmem:$0x18200] =	vst v63  }
0x1c0: {  	_ =	swait.ge [sflag:s8], $0x18000  }
0x1c1: {  	[sflag:s8] =	ssyncset.done $0x0  }
0x1c2: {  	s26 =	rddreg [dreg:$0x16];
	[sflag:s8] =	ssyncadd.s32 $0xFFFE8000  }
0x1c3: {  	[hbm4b:s26+s3] =	stream.linear.scatter [tilespmem:s9], [sflag:$0x2], $0x18000, $0x38;
	[tilespmem:$0x18200] =	vst v63  }
0x1c4: {  	_ =	swait.ge [sflag:s8], $0x18000  }
0x1c5: {  	[sflag:s8] =	ssyncset.done $0x0  }
0x1c6: {  	s28 =	rddreg [dreg:$0x17];
	[sflag:s8] =	ssyncadd.s32 $0xFFFE8000  }
0x1c7: {  	[hbm4b:s28+s3] =	stream.linear.scatter [tilespmem:s9], [sflag:$0x2], $0x18000, $0x38;
	[tilespmem:$0x18200] =	vst v63  }
0x1c8: {  	_ =	swait.ge [sflag:s8], $0x18000  }
0x1c9: {  	[sflag:s8] =	ssyncset.done $0x0  }
0x1ca: {  	[sflag:s8] =	ssyncadd.s32 $0xFFFE8000  }
0x1cb: {  	v3 =	vld [tilespmem:$0x100];
	_ =	sdelay $0x4  }
0x1cc: {  	v48 =	vshrl.u32 v3, $0x3  }
0x1cd: {  	v4 =	vmul.u32 $0x30, v48  }
0x1ce: {  	v3 =	vand.u32 $0x7, v3  }
0x1cf: {  	v3 =	vor.u32 v3, v4  }
0x1d0: {  	v4 =	vperm.xlane v3, v0;
	_ =	sdelay $0x1  }
0x1d1: {  	v4 =	vadd.s32 v1, v4;
	_ =	sdelay $0x3  }
0x1d2: {  	v3 =	vperm.xlane v3, v2  }
0x1d3: {  	[tilespmem:s9], [sflag:$0x1] =	stream.indirect_vreg.gather [hbm4b:s2+s3], $0x80, v4, vm0, $0xb8;
	[tilespmem:$0x18200] =	vst v63  }
0x1d4: {  	v3 =	vadd.s32 v1, v3  }
0x1d5: {  	[tilespmem:s1], [sflag:$0x1] =	stream.indirect_vreg.gather [hbm4b:s5+s3], $0x80, v4, vm0, $0xb8;
	[tilespmem:$0x18200] =	vst v63  }
0x1d6: {  	_ = 	snop  }
0x1d7: {  	[tilespmem:s11], [sflag:$0x1] =	stream.indirect_vreg.gather [hbm4b:s6+s3], $0x80, v4, vm0, $0xb8;
	[tilespmem:$0x18200] =	vst v63  }
0x1d8: {  	_ = 	snop  }
0x1d9: {  	[tilespmem:s12], [sflag:$0x1] =	stream.indirect_vreg.gather [hbm4b:s2+s3], $0x80, v3, vm0, $0xb8;
	[tilespmem:$0x18200] =	vst v63  }
0x1da: {  	_ = 	snop  }
0x1db: {  	[tilespmem:s13], [sflag:$0x1] =	stream.indirect_vreg.gather [hbm4b:s5+s3], $0x80, v3, vm0, $0xb8;
	[tilespmem:$0x18200] =	vst v63  }
0x1dc: {  	s29 =	simm.s32 $0x2A00  }
0x1dd: {  	[tilespmem:s29], [sflag:$0x1] =	stream.indirect_vreg.gather [hbm4b:s6+s3], $0x80, v3, vm0, $0xb8;
	[tilespmem:$0x18200] =	vst v63  }
0x1de: {  	v3 =	vld [tilespmem:$0x110];
	_ =	sdelay $0x4  }
0x1df: {  	v49 =	vshrl.u32 v3, $0x3  }
0x1e0: {  	v4 =	vmul.u32 $0x30, v49  }
0x1e1: {  	v3 =	vand.u32 $0x7, v3  }
0x1e2: {  	v3 =	vor.u32 v3, v4  }
0x1e3: {  	v4 =	vperm.xlane v3, v0;
	_ =	sdelay $0x1  }
0x1e4: {  	v4 =	vadd.s32 v1, v4;
	_ =	sdelay $0x3  }
0x1e5: {  	s30 =	simm.s32 $0x3200;
	v3 =	vperm.xlane v3, v2  }
0x1e6: {  	[tilespmem:s30], [sflag:$0x1] =	stream.indirect_vreg.gather [hbm4b:s2+s3], $0x80, v4, vm0, $0xb8;
	[tilespmem:$0x18200] =	vst v63  }
0x1e7: {  	v3 =	vadd.s32 v1, v3  }
0x1e8: {  	[tilespmem:s14], [sflag:$0x1] =	stream.indirect_vreg.gather [hbm4b:s5+s3], $0x80, v4, vm0, $0xb8;
	[tilespmem:$0x18200] =	vst v63  }
0x1e9: {  	_ = 	snop  }
0x1ea: {  	[tilespmem:s15], [sflag:$0x1] =	stream.indirect_vreg.gather [hbm4b:s6+s3], $0x80, v4, vm0, $0xb8;
	[tilespmem:$0x18200] =	vst v63  }
0x1eb: {  	_ = 	snop  }
0x1ec: {  	[tilespmem:s16], [sflag:$0x1] =	stream.indirect_vreg.gather [hbm4b:s2+s3], $0x80, v3, vm0, $0xb8;
	[tilespmem:$0x18200] =	vst v63  }
0x1ed: {  	_ = 	snop  }
0x1ee: {  	[tilespmem:s17], [sflag:$0x1] =	stream.indirect_vreg.gather [hbm4b:s5+s3], $0x80, v3, vm0, $0xb8;
	[tilespmem:$0x18200] =	vst v63  }
0x1ef: {  	s31 =	simm.s32 $0x5A00  }
0x1f0: {  	[tilespmem:s31], [sflag:$0x1] =	stream.indirect_vreg.gather [hbm4b:s6+s3], $0x80, v3, vm0, $0xb8;
	[tilespmem:$0x18200] =	vst v63  }
0x1f1: {  	v3 =	vld [tilespmem:$0x120];
	_ =	sdelay $0x4  }
0x1f2: {  	v50 =	vshrl.u32 v3, $0x3  }
0x1f3: {  	v4 =	vmul.u32 $0x30, v50  }
0x1f4: {  	v3 =	vand.u32 $0x7, v3  }
0x1f5: {  	v3 =	vor.u32 v3, v4  }
0x1f6: {  	v4 =	vperm.xlane v3, v0;
	_ =	sdelay $0x1  }
0x1f7: {  	v4 =	vadd.s32 v1, v4;
	_ =	sdelay $0x3  }
0x1f8: {  	s26 =	simm.s32 $0x6200;
	v3 =	vperm.xlane v3, v2  }
0x1f9: {  	[tilespmem:s26], [sflag:$0x1] =	stream.indirect_vreg.gather [hbm4b:s2+s3], $0x80, v4, vm0, $0xb8;
	[tilespmem:$0x18200] =	vst v63  }
0x1fa: {  	v3 =	vadd.s32 v1, v3  }
0x1fb: {  	[tilespmem:s18], [sflag:$0x1] =	stream.indirect_vreg.gather [hbm4b:s5+s3], $0x80, v4, vm0, $0xb8;
	[tilespmem:$0x18200] =	vst v63  }
0x1fc: {  	_ = 	snop  }
0x1fd: {  	[tilespmem:s19], [sflag:$0x1] =	stream.indirect_vreg.gather [hbm4b:s6+s3], $0x80, v4, vm0, $0xb8;
	[tilespmem:$0x18200] =	vst v63  }
0x1fe: {  	_ = 	snop  }
0x1ff: {  	[tilespmem:s20], [sflag:$0x1] =	stream.indirect_vreg.gather [hbm4b:s2+s3], $0x80, v3, vm0, $0xb8;
	[tilespmem:$0x18200] =	vst v63  }
0x200: {  	_ = 	snop  }
0x201: {  	[tilespmem:s21], [sflag:$0x1] =	stream.indirect_vreg.gather [hbm4b:s5+s3], $0x80, v3, vm0, $0xb8;
	[tilespmem:$0x18200] =	vst v63  }
0x202: {  	s28 =	simm.s32 $0x8A00  }
0x203: {  	[tilespmem:s28], [sflag:$0x1] =	stream.indirect_vreg.gather [hbm4b:s6+s3], $0x80, v3, vm0, $0xb8;
	[tilespmem:$0x18200] =	vst v63  }
0x204: {  	v3 =	vld [tilespmem:$0x130];
	_ =	sdelay $0x4  }
0x205: {  	v51 =	vshrl.u32 v3, $0x3  }
0x206: {  	v4 =	vmul.u32 $0x30, v51  }
0x207: {  	v3 =	vand.u32 $0x7, v3  }
0x208: {  	v3 =	vor.u32 v3, v4  }
0x209: {  	v4 =	vperm.xlane v3, v0;
	_ =	sdelay $0x1  }
0x20a: {  	v4 =	vadd.s32 v1, v4;
	_ =	sdelay $0x3  }
0x20b: {  	s29 =	simm.s32 $0x9200;
	v3 =	vperm.xlane v3, v2  }
0x20c: {  	[tilespmem:s29], [sflag:$0x1] =	stream.indirect_vreg.gather [hbm4b:s2+s3], $0x80, v4, vm0, $0xb8;
	[tilespmem:$0x18200] =	vst v63  }
0x20d: {  	v3 =	vadd.s32 v1, v3  }
0x20e: {  	[tilespmem:s22], [sflag:$0x1] =	stream.indirect_vreg.gather [hbm4b:s5+s3], $0x80, v4, vm0, $0xb8;
	[tilespmem:$0x18200] =	vst v63  }
0x20f: {  	_ = 	snop  }
0x210: {  	[tilespmem:s23], [sflag:$0x1] =	stream.indirect_vreg.gather [hbm4b:s6+s3], $0x80, v4, vm0, $0xb8;
	[tilespmem:$0x18200] =	vst v63  }
0x211: {  	_ = 	snop  }
0x212: {  	[tilespmem:s0], [sflag:$0x1] =	stream.indirect_vreg.gather [hbm4b:s2+s3], $0x80, v3, vm0, $0xb8;
	[tilespmem:$0x18200] =	vst v63  }
0x213: {  	s30 =	simm.s32 $0xB200  }
0x214: {  	[tilespmem:s30], [sflag:$0x1] =	stream.indirect_vreg.gather [hbm4b:s5+s3], $0x80, v3, vm0, $0xb8;
	[tilespmem:$0x18200] =	vst v63  }
0x215: {  	s31 =	simm.s32 $0xBA00  }
0x216: {  	[tilespmem:s31], [sflag:$0x1] =	stream.indirect_vreg.gather [hbm4b:s6+s3], $0x80, v3, vm0, $0xb8;
	[tilespmem:$0x18200] =	vst v63  }
0x217: {  	v3 =	vld [tilespmem:$0x140];
	_ =	sdelay $0x4  }
0x218: {  	v52 =	vshrl.u32 v3, $0x3  }
0x219: {  	v4 =	vmul.u32 $0x30, v52  }
0x21a: {  	v3 =	vand.u32 $0x7, v3  }
0x21b: {  	v3 =	vor.u32 v3, v4  }
0x21c: {  	v4 =	vperm.xlane v3, v0;
	_ =	sdelay $0x1  }
0x21d: {  	v4 =	vadd.s32 v1, v4;
	_ =	sdelay $0x3  }
0x21e: {  	s26 =	simm.s32 $0xC200;
	v3 =	vperm.xlane v3, v2  }
0x21f: {  	[tilespmem:s26], [sflag:$0x1] =	stream.indirect_vreg.gather [hbm4b:s2+s3], $0x80, v4, vm0, $0xb8;
	[tilespmem:$0x18200] =	vst v63  }
0x220: {  	s24 =	simm.s32 $0xCA00;
	v3 =	vadd.s32 v1, v3  }
0x221: {  	[tilespmem:s24], [sflag:$0x1] =	stream.indirect_vreg.gather [hbm4b:s5+s3], $0x80, v4, vm0, $0xb8;
	[tilespmem:$0x18200] =	vst v63  }
0x222: {  	s25 =	simm.s32 $0xD200  }
0x223: {  	[tilespmem:s25], [sflag:$0x1] =	stream.indirect_vreg.gather [hbm4b:s6+s3], $0x80, v4, vm0, $0xb8;
	[tilespmem:$0x18200] =	vst v63  }
0x224: {  	s28 =	simm.s32 $0xDA00  }
0x225: {  	[tilespmem:s28], [sflag:$0x1] =	stream.indirect_vreg.gather [hbm4b:s2+s3], $0x80, v3, vm0, $0xb8;
	[tilespmem:$0x18200] =	vst v63  }
0x226: {  	s29 =	simm.s32 $0xE200  }
0x227: {  	[tilespmem:s29], [sflag:$0x1] =	stream.indirect_vreg.gather [hbm4b:s5+s3], $0x80, v3, vm0, $0xb8;
	[tilespmem:$0x18200] =	vst v63  }
0x228: {  	s30 =	simm.s32 $0xEA00  }
0x229: {  	[tilespmem:s30], [sflag:$0x1] =	stream.indirect_vreg.gather [hbm4b:s6+s3], $0x80, v3, vm0, $0xb8;
	[tilespmem:$0x18200] =	vst v63  }
0x22a: {  	v3 =	vld [tilespmem:$0x150];
	_ =	sdelay $0x4  }
0x22b: {  	v53 =	vshrl.u32 v3, $0x3  }
0x22c: {  	v4 =	vmul.u32 $0x30, v53  }
0x22d: {  	v3 =	vand.u32 $0x7, v3  }
0x22e: {  	v3 =	vor.u32 v3, v4  }
0x22f: {  	v4 =	vperm.xlane v3, v0;
	_ =	sdelay $0x1  }
0x230: {  	v4 =	vadd.s32 v1, v4;
	_ =	sdelay $0x3  }
0x231: {  	s31 =	simm.s32 $0xF200;
	v3 =	vperm.xlane v3, v2  }
0x232: {  	[tilespmem:s31], [sflag:$0x1] =	stream.indirect_vreg.gather [hbm4b:s2+s3], $0x80, v4, vm0, $0xb8;
	[tilespmem:$0x18200] =	vst v63  }
0x233: {  	s29 =	simm.s32 $0xFA00;
	v3 =	vadd.s32 v1, v3  }
0x234: {  	[tilespmem:s29], [sflag:$0x1] =	stream.indirect_vreg.gather [hbm4b:s5+s3], $0x80, v4, vm0, $0xb8;
	[tilespmem:$0x18200] =	vst v63  }
0x235: {  	s30 =	simm.s32 $0x10200  }
0x236: {  	[tilespmem:s30], [sflag:$0x1] =	stream.indirect_vreg.gather [hbm4b:s6+s3], $0x80, v4, vm0, $0xb8;
	[tilespmem:$0x18200] =	vst v63  }
0x237: {  	s31 =	simm.s32 $0x10A00  }
0x238: {  	[tilespmem:s31], [sflag:$0x1] =	stream.indirect_vreg.gather [hbm4b:s2+s3], $0x80, v3, vm0, $0xb8;
	[tilespmem:$0x18200] =	vst v63  }
0x239: {  	s10 =	simm.s32 $0x11200  }
0x23a: {  	[tilespmem:s10], [sflag:$0x1] =	stream.indirect_vreg.gather [hbm4b:s5+s3], $0x80, v3, vm0, $0xb8;
	[tilespmem:$0x18200] =	vst v63  }
0x23b: {  	s10 =	simm.s32 $0x11A00  }
0x23c: {  	[tilespmem:s10], [sflag:$0x1] =	stream.indirect_vreg.gather [hbm4b:s6+s3], $0x80, v3, vm0, $0xb8;
	[tilespmem:$0x18200] =	vst v63  }
0x23d: {  	v3 =	vld [tilespmem:$0x160];
	_ =	sdelay $0x4  }
0x23e: {  	v54 =	vshrl.u32 v3, $0x3  }
0x23f: {  	v4 =	vmul.u32 $0x30, v54  }
0x240: {  	v3 =	vand.u32 $0x7, v3  }
0x241: {  	v3 =	vor.u32 v3, v4  }
0x242: {  	v4 =	vperm.xlane v3, v0;
	_ =	sdelay $0x1  }
0x243: {  	v4 =	vadd.s32 v1, v4;
	_ =	sdelay $0x3  }
0x244: {  	s10 =	simm.s32 $0x12200;
	v3 =	vperm.xlane v3, v2  }
0x245: {  	[tilespmem:s10], [sflag:$0x1] =	stream.indirect_vreg.gather [hbm4b:s2+s3], $0x80, v4, vm0, $0xb8;
	[tilespmem:$0x18200] =	vst v63  }
0x246: {  	v3 =	vadd.s32 v1, v3;
	s10 =	simm.s32 $0x12A00  }
0x247: {  	[tilespmem:s10], [sflag:$0x1] =	stream.indirect_vreg.gather [hbm4b:s5+s3], $0x80, v4, vm0, $0xb8;
	[tilespmem:$0x18200] =	vst v63  }
0x248: {  	s10 =	simm.s32 $0x13200  }
0x249: {  	[tilespmem:s10], [sflag:$0x1] =	stream.indirect_vreg.gather [hbm4b:s6+s3], $0x80, v4, vm0, $0xb8;
	[tilespmem:$0x18200] =	vst v63  }
0x24a: {  	s10 =	simm.s32 $0x13A00  }
0x24b: {  	[tilespmem:s10], [sflag:$0x1] =	stream.indirect_vreg.gather [hbm4b:s2+s3], $0x80, v3, vm0, $0xb8;
	[tilespmem:$0x18200] =	vst v63  }
0x24c: {  	s10 =	simm.s32 $0x14200  }
0x24d: {  	[tilespmem:s10], [sflag:$0x1] =	stream.indirect_vreg.gather [hbm4b:s5+s3], $0x80, v3, vm0, $0xb8;
	[tilespmem:$0x18200] =	vst v63  }
0x24e: {  	s10 =	simm.s32 $0x14A00  }
0x24f: {  	[tilespmem:s10], [sflag:$0x1] =	stream.indirect_vreg.gather [hbm4b:s6+s3], $0x80, v3, vm0, $0xb8;
	[tilespmem:$0x18200] =	vst v63  }
0x250: {  	v3 =	vld [tilespmem:$0x170];
	_ =	sdelay $0x4  }
0x251: {  	v55 =	vshrl.u32 v3, $0x3  }
0x252: {  	v4 =	vmul.u32 $0x30, v55  }
0x253: {  	v3 =	vand.u32 $0x7, v3  }
0x254: {  	v3 =	vor.u32 v3, v4  }
0x255: {  	v4 =	vperm.xlane v3, v0;
	_ =	sdelay $0x1  }
0x256: {  	v4 =	vadd.s32 v1, v4;
	_ =	sdelay $0x3  }
0x257: {  	s10 =	simm.s32 $0x15200;
	v3 =	vperm.xlane v3, v2  }
0x258: {  	[tilespmem:s10], [sflag:$0x1] =	stream.indirect_vreg.gather [hbm4b:s2+s3], $0x80, v4, vm0, $0xb8;
	[tilespmem:$0x18200] =	vst v63  }
0x259: {  	v3 =	vadd.s32 v1, v3;
	s10 =	simm.s32 $0x15A00  }
0x25a: {  	[tilespmem:s10], [sflag:$0x1] =	stream.indirect_vreg.gather [hbm4b:s5+s3], $0x80, v4, vm0, $0xb8;
	[tilespmem:$0x18200] =	vst v63  }
0x25b: {  	s10 =	simm.s32 $0x16200  }
0x25c: {  	[tilespmem:s10], [sflag:$0x1] =	stream.indirect_vreg.gather [hbm4b:s6+s3], $0x80, v4, vm0, $0xb8;
	[tilespmem:$0x18200] =	vst v63  }
0x25d: {  	s10 =	simm.s32 $0x16A00  }
0x25e: {  	[tilespmem:s10], [sflag:$0x1] =	stream.indirect_vreg.gather [hbm4b:s2+s3], $0x80, v3, vm0, $0xb8;
	[tilespmem:$0x18200] =	vst v63  }
0x25f: {  	s10 =	simm.s32 $0x17200  }
0x260: {  	[tilespmem:s10], [sflag:$0x1] =	stream.indirect_vreg.gather [hbm4b:s5+s3], $0x80, v3, vm0, $0xb8;
	[tilespmem:$0x18200] =	vst v63  }
0x261: {  	s10 =	simm.s32 $0x17A00  }
0x262: {  	[tilespmem:s10], [sflag:$0x1] =	stream.indirect_vreg.gather [hbm4b:s6+s3], $0x80, v3, vm0, $0xb8;
	[tilespmem:$0x18200] =	vst v63  }
0x263: {  	_ =	swait.ge [sflag:s4], $0x18000  }
0x264: {  	[sflag:s4] =	ssyncset.done $0x0  }
0x265: {  	s10 =	rddreg [dreg:$0x18];
	[sflag:s4] =	ssyncadd.s32 $0xFFFE8000  }
0x266: {  	[hbm4b:s10+s3] =	stream.linear.scatter [tilespmem:s9], [sflag:$0x2], $0x18000, $0x38;
	[tilespmem:$0x18200] =	vst v63  }
0x267: {  	_ =	swait.ge [sflag:s8], $0x18000  }
0x268: {  	[sflag:s8] =	ssyncset.done $0x0  }
0x269: {  	s10 =	rddreg [dreg:$0x19];
	[sflag:s8] =	ssyncadd.s32 $0xFFFE8000  }
0x26a: {  	[hbm4b:s10+s3] =	stream.linear.scatter [tilespmem:s9], [sflag:$0x2], $0x18000, $0x38;
	[tilespmem:$0x18200] =	vst v63  }
0x26b: {  	_ =	swait.ge [sflag:s8], $0x18000  }
0x26c: {  	[sflag:s8] =	ssyncset.done $0x0  }
0x26d: {  	s10 =	rddreg [dreg:$0x1a];
	[sflag:s8] =	ssyncadd.s32 $0xFFFE8000  }
0x26e: {  	[hbm4b:s10+s3] =	stream.linear.scatter [tilespmem:s9], [sflag:$0x2], $0x18000, $0x38;
	[tilespmem:$0x18200] =	vst v63  }
0x26f: {  	_ =	swait.ge [sflag:s8], $0x18000  }
0x270: {  	[sflag:s8] =	ssyncset.done $0x0  }
0x271: {  	s10 =	rddreg [dreg:$0x1b];
	[sflag:s8] =	ssyncadd.s32 $0xFFFE8000  }
0x272: {  	[hbm4b:s10+s3] =	stream.linear.scatter [tilespmem:s9], [sflag:$0x2], $0x18000, $0x38;
	[tilespmem:$0x18200] =	vst v63  }
0x273: {  	_ =	swait.ge [sflag:s8], $0x18000  }
0x274: {  	[sflag:s8] =	ssyncset.done $0x0  }
0x275: {  	s10 =	rddreg [dreg:$0x1c];
	[sflag:s8] =	ssyncadd.s32 $0xFFFE8000  }
0x276: {  	[hbm4b:s10+s3] =	stream.linear.scatter [tilespmem:s9], [sflag:$0x2], $0x18000, $0x38;
	[tilespmem:$0x18200] =	vst v63  }
0x277: {  	_ =	swait.ge [sflag:s8], $0x18000  }
0x278: {  	[sflag:s8] =	ssyncset.done $0x0  }
0x279: {  	s10 =	rddreg [dreg:$0x1d];
	[sflag:s8] =	ssyncadd.s32 $0xFFFE8000  }
0x27a: {  	[hbm4b:s10+s3] =	stream.linear.scatter [tilespmem:s9], [sflag:$0x2], $0x18000, $0x38;
	[tilespmem:$0x18200] =	vst v63  }
0x27b: {  	_ =	swait.ge [sflag:s8], $0x18000  }
0x27c: {  	[sflag:s8] =	ssyncset.done $0x0  }
0x27d: {  	s10 =	rddreg [dreg:$0x1e];
	[sflag:s8] =	ssyncadd.s32 $0xFFFE8000  }
0x27e: {  	[hbm4b:s10+s3] =	stream.linear.scatter [tilespmem:s9], [sflag:$0x2], $0x18000, $0x38;
	[tilespmem:$0x18200] =	vst v63  }
0x27f: {  	_ =	swait.ge [sflag:s8], $0x18000  }
0x280: {  	[sflag:s8] =	ssyncset.done $0x0  }
0x281: {  	s10 =	rddreg [dreg:$0x1f];
	[sflag:s8] =	ssyncadd.s32 $0xFFFE8000  }
0x282: {  	[hbm4b:s10+s3] =	stream.linear.scatter [tilespmem:s9], [sflag:$0x2], $0x18000, $0x38;
	[tilespmem:$0x18200] =	vst v63  }
0x283: {  	_ =	swait.ge [sflag:s8], $0x18000  }
0x284: {  	s10 =	sld [smem:$0x7EF]  }
0x285: {  	[sflag:s8] =	ssyncset.done $0x0  }
0x286: {  	[sflag:s8] =	ssyncadd.s32 $0xFFFE8000  }
0x287: {  	[hbm4b:s10+s3] =	stream.linear.scatter [tilespmem:s9], [sflag:$0x2], $0x18000, $0x38;
	[tilespmem:$0x18200] =	vst v63  }
0x288: {  	_ =	swait.ge [sflag:s8], $0x18000  }
0x289: {  	s10 =	sld [smem:$0x7F0]  }
0x28a: {  	[sflag:s8] =	ssyncset.done $0x0  }
0x28b: {  	[sflag:s8] =	ssyncadd.s32 $0xFFFE8000  }
0x28c: {  	[hbm4b:s10+s3] =	stream.linear.scatter [tilespmem:s9], [sflag:$0x2], $0x18000, $0x38;
	[tilespmem:$0x18200] =	vst v63  }
0x28d: {  	_ =	swait.ge [sflag:s8], $0x18000  }
0x28e: {  	[sflag:s8] =	ssyncset.done $0x0  }
0x28f: {  	[sflag:s8] =	ssyncadd.s32 $0xFFFE8000  }
0x290: {  	v3 =	vld [tilespmem:$0x180];
	_ =	sdelay $0x4  }
0x291: {  	v56 =	vshrl.u32 v3, $0x3  }
0x292: {  	v4 =	vmul.u32 $0x30, v56  }
0x293: {  	v3 =	vand.u32 $0x7, v3  }
0x294: {  	v3 =	vor.u32 v3, v4  }
0x295: {  	v4 =	vperm.xlane v3, v0;
	_ =	sdelay $0x1  }
0x296: {  	v4 =	vadd.s32 v1, v4;
	_ =	sdelay $0x3  }
0x297: {  	v3 =	vperm.xlane v3, v2  }
0x298: {  	[tilespmem:s9], [sflag:$0x1] =	stream.indirect_vreg.gather [hbm4b:s2+s3], $0x80, v4, vm0, $0xb8;
	[tilespmem:$0x18200] =	vst v63  }
0x299: {  	s1 =	simm.s32 $0xA00;
	v3 =	vadd.s32 v1, v3  }
0x29a: {  	[tilespmem:s1], [sflag:$0x1] =	stream.indirect_vreg.gather [hbm4b:s5+s3], $0x80, v4, vm0, $0xb8;
	[tilespmem:$0x18200] =	vst v63  }
0x29b: {  	s11 =	simm.s32 $0x1200  }
0x29c: {  	[tilespmem:s11], [sflag:$0x1] =	stream.indirect_vreg.gather [hbm4b:s6+s3], $0x80, v4, vm0, $0xb8;
	[tilespmem:$0x18200] =	vst v63  }
0x29d: {  	s12 =	simm.s32 $0x1A00  }
0x29e: {  	[tilespmem:s12], [sflag:$0x1] =	stream.indirect_vreg.gather [hbm4b:s2+s3], $0x80, v3, vm0, $0xb8;
	[tilespmem:$0x18200] =	vst v63  }
0x29f: {  	s13 =	simm.s32 $0x2200  }
0x2a0: {  	[tilespmem:s13], [sflag:$0x1] =	stream.indirect_vreg.gather [hbm4b:s5+s3], $0x80, v3, vm0, $0xb8;
	[tilespmem:$0x18200] =	vst v63  }
0x2a1: {  	s12 =	simm.s32 $0x2A00  }
0x2a2: {  	[tilespmem:s12], [sflag:$0x1] =	stream.indirect_vreg.gather [hbm4b:s6+s3], $0x80, v3, vm0, $0xb8;
	[tilespmem:$0x18200] =	vst v63  }
0x2a3: {  	v3 =	vld [tilespmem:$0x190];
	_ =	sdelay $0x4  }
0x2a4: {  	v57 =	vshrl.u32 v3, $0x3  }
0x2a5: {  	v4 =	vmul.u32 $0x30, v57  }
0x2a6: {  	v3 =	vand.u32 $0x7, v3  }
0x2a7: {  	v3 =	vor.u32 v3, v4  }
0x2a8: {  	v4 =	vperm.xlane v3, v0;
	_ =	sdelay $0x1  }
0x2a9: {  	v4 =	vadd.s32 v1, v4;
	_ =	sdelay $0x3  }
0x2aa: {  	s13 =	simm.s32 $0x3200;
	v3 =	vperm.xlane v3, v2  }
0x2ab: {  	[tilespmem:s13], [sflag:$0x1] =	stream.indirect_vreg.gather [hbm4b:s2+s3], $0x80, v4, vm0, $0xb8;
	[tilespmem:$0x18200] =	vst v63  }
0x2ac: {  	s14 =	simm.s32 $0x3A00;
	v3 =	vadd.s32 v1, v3  }
0x2ad: {  	[tilespmem:s14], [sflag:$0x1] =	stream.indirect_vreg.gather [hbm4b:s5+s3], $0x80, v4, vm0, $0xb8;
	[tilespmem:$0x18200] =	vst v63  }
0x2ae: {  	s15 =	simm.s32 $0x4200  }
0x2af: {  	[tilespmem:s15], [sflag:$0x1] =	stream.indirect_vreg.gather [hbm4b:s6+s3], $0x80, v4, vm0, $0xb8;
	[tilespmem:$0x18200] =	vst v63  }
0x2b0: {  	s16 =	simm.s32 $0x4A00  }
0x2b1: {  	[tilespmem:s16], [sflag:$0x1] =	stream.indirect_vreg.gather [hbm4b:s2+s3], $0x80, v3, vm0, $0xb8;
	[tilespmem:$0x18200] =	vst v63  }
0x2b2: {  	s17 =	simm.s32 $0x5200  }
0x2b3: {  	[tilespmem:s17], [sflag:$0x1] =	stream.indirect_vreg.gather [hbm4b:s5+s3], $0x80, v3, vm0, $0xb8;
	[tilespmem:$0x18200] =	vst v63  }
0x2b4: {  	s16 =	simm.s32 $0x5A00  }
0x2b5: {  	[tilespmem:s16], [sflag:$0x1] =	stream.indirect_vreg.gather [hbm4b:s6+s3], $0x80, v3, vm0, $0xb8;
	[tilespmem:$0x18200] =	vst v63  }
0x2b6: {  	v3 =	vld [tilespmem:$0x1A0];
	_ =	sdelay $0x4  }
0x2b7: {  	v58 =	vshrl.u32 v3, $0x3  }
0x2b8: {  	v4 =	vmul.u32 $0x30, v58  }
0x2b9: {  	v3 =	vand.u32 $0x7, v3  }
0x2ba: {  	v3 =	vor.u32 v3, v4  }
0x2bb: {  	v4 =	vperm.xlane v3, v0;
	_ =	sdelay $0x1  }
0x2bc: {  	v4 =	vadd.s32 v1, v4;
	_ =	sdelay $0x3  }
0x2bd: {  	s17 =	simm.s32 $0x6200;
	v3 =	vperm.xlane v3, v2  }
0x2be: {  	[tilespmem:s17], [sflag:$0x1] =	stream.indirect_vreg.gather [hbm4b:s2+s3], $0x80, v4, vm0, $0xb8;
	[tilespmem:$0x18200] =	vst v63  }
0x2bf: {  	s18 =	simm.s32 $0x6A00;
	v3 =	vadd.s32 v1, v3  }
0x2c0: {  	[tilespmem:s18], [sflag:$0x1] =	stream.indirect_vreg.gather [hbm4b:s5+s3], $0x80, v4, vm0, $0xb8;
	[tilespmem:$0x18200] =	vst v63  }
0x2c1: {  	s19 =	simm.s32 $0x7200  }
0x2c2: {  	[tilespmem:s19], [sflag:$0x1] =	stream.indirect_vreg.gather [hbm4b:s6+s3], $0x80, v4, vm0, $0xb8;
	[tilespmem:$0x18200] =	vst v63  }
0x2c3: {  	s20 =	simm.s32 $0x7A00  }
0x2c4: {  	[tilespmem:s20], [sflag:$0x1] =	stream.indirect_vreg.gather [hbm4b:s2+s3], $0x80, v3, vm0, $0xb8;
	[tilespmem:$0x18200] =	vst v63  }
0x2c5: {  	s21 =	simm.s32 $0x8200  }
0x2c6: {  	[tilespmem:s21], [sflag:$0x1] =	stream.indirect_vreg.gather [hbm4b:s5+s3], $0x80, v3, vm0, $0xb8;
	[tilespmem:$0x18200] =	vst v63  }
0x2c7: {  	s19 =	simm.s32 $0x8A00  }
0x2c8: {  	[tilespmem:s19], [sflag:$0x1] =	stream.indirect_vreg.gather [hbm4b:s6+s3], $0x80, v3, vm0, $0xb8;
	[tilespmem:$0x18200] =	vst v63  }
0x2c9: {  	v3 =	vld [tilespmem:$0x1B0];
	_ =	sdelay $0x4  }
0x2ca: {  	v59 =	vshrl.u32 v3, $0x3  }
0x2cb: {  	v4 =	vmul.u32 $0x30, v59  }
0x2cc: {  	v3 =	vand.u32 $0x7, v3  }
0x2cd: {  	v3 =	vor.u32 v3, v4  }
0x2ce: {  	v4 =	vperm.xlane v3, v0;
	_ =	sdelay $0x1  }
0x2cf: {  	v4 =	vadd.s32 v1, v4;
	_ =	sdelay $0x3  }
0x2d0: {  	s20 =	simm.s32 $0x9200;
	v3 =	vperm.xlane v3, v2  }
0x2d1: {  	[tilespmem:s20], [sflag:$0x1] =	stream.indirect_vreg.gather [hbm4b:s2+s3], $0x80, v4, vm0, $0xb8;
	[tilespmem:$0x18200] =	vst v63  }
0x2d2: {  	s22 =	simm.s32 $0x9A00;
	v3 =	vadd.s32 v1, v3  }
0x2d3: {  	[tilespmem:s22], [sflag:$0x1] =	stream.indirect_vreg.gather [hbm4b:s5+s3], $0x80, v4, vm0, $0xb8;
	[tilespmem:$0x18200] =	vst v63  }
0x2d4: {  	s23 =	simm.s32 $0xA200  }
0x2d5: {  	[tilespmem:s23], [sflag:$0x1] =	stream.indirect_vreg.gather [hbm4b:s6+s3], $0x80, v4, vm0, $0xb8;
	[tilespmem:$0x18200] =	vst v63  }
0x2d6: {  	s0 =	simm.s32 $0xAA00  }
0x2d7: {  	[tilespmem:s0], [sflag:$0x1] =	stream.indirect_vreg.gather [hbm4b:s2+s3], $0x80, v3, vm0, $0xb8;
	[tilespmem:$0x18200] =	vst v63  }
0x2d8: {  	s21 =	simm.s32 $0xB200  }
0x2d9: {  	[tilespmem:s21], [sflag:$0x1] =	stream.indirect_vreg.gather [hbm4b:s5+s3], $0x80, v3, vm0, $0xb8;
	[tilespmem:$0x18200] =	vst v63  }
0x2da: {  	s22 =	simm.s32 $0xBA00  }
0x2db: {  	[tilespmem:s22], [sflag:$0x1] =	stream.indirect_vreg.gather [hbm4b:s6+s3], $0x80, v3, vm0, $0xb8;
	[tilespmem:$0x18200] =	vst v63  }
0x2dc: {  	v3 =	vld [tilespmem:$0x1C0];
	_ =	sdelay $0x4  }
0x2dd: {  	v60 =	vshrl.u32 v3, $0x3  }
0x2de: {  	v4 =	vmul.u32 $0x30, v60  }
0x2df: {  	v3 =	vand.u32 $0x7, v3  }
0x2e0: {  	v3 =	vor.u32 v3, v4  }
0x2e1: {  	v4 =	vperm.xlane v3, v0;
	_ =	sdelay $0x1  }
0x2e2: {  	v4 =	vadd.s32 v1, v4;
	_ =	sdelay $0x3  }
0x2e3: {  	s23 =	simm.s32 $0xC200;
	v3 =	vperm.xlane v3, v2  }
0x2e4: {  	[tilespmem:s23], [sflag:$0x1] =	stream.indirect_vreg.gather [hbm4b:s2+s3], $0x80, v4, vm0, $0xb8;
	[tilespmem:$0x18200] =	vst v63  }
0x2e5: {  	s24 =	simm.s32 $0xCA00;
	v3 =	vadd.s32 v1, v3  }
0x2e6: {  	[tilespmem:s24], [sflag:$0x1] =	stream.indirect_vreg.gather [hbm4b:s5+s3], $0x80, v4, vm0, $0xb8;
	[tilespmem:$0x18200] =	vst v63  }
0x2e7: {  	s25 =	simm.s32 $0xD200  }
0x2e8: {  	[tilespmem:s25], [sflag:$0x1] =	stream.indirect_vreg.gather [hbm4b:s6+s3], $0x80, v4, vm0, $0xb8;
	[tilespmem:$0x18200] =	vst v63  }
0x2e9: {  	s26 =	simm.s32 $0xDA00  }
0x2ea: {  	[tilespmem:s26], [sflag:$0x1] =	stream.indirect_vreg.gather [hbm4b:s2+s3], $0x80, v3, vm0, $0xb8;
	[tilespmem:$0x18200] =	vst v63  }
0x2eb: {  	s28 =	simm.s32 $0xE200  }
0x2ec: {  	[tilespmem:s28], [sflag:$0x1] =	stream.indirect_vreg.gather [hbm4b:s5+s3], $0x80, v3, vm0, $0xb8;
	[tilespmem:$0x18200] =	vst v63  }
0x2ed: {  	s26 =	simm.s32 $0xEA00  }
0x2ee: {  	[tilespmem:s26], [sflag:$0x1] =	stream.indirect_vreg.gather [hbm4b:s6+s3], $0x80, v3, vm0, $0xb8;
	[tilespmem:$0x18200] =	vst v63  }
0x2ef: {  	v3 =	vld [tilespmem:$0x1D0];
	_ =	sdelay $0x4  }
0x2f0: {  	v61 =	vshrl.u32 v3, $0x3  }
0x2f1: {  	v4 =	vmul.u32 $0x30, v61  }
0x2f2: {  	v3 =	vand.u32 $0x7, v3  }
0x2f3: {  	v3 =	vor.u32 v3, v4  }
0x2f4: {  	v4 =	vperm.xlane v3, v0;
	_ =	sdelay $0x1  }
0x2f5: {  	v4 =	vadd.s32 v1, v4;
	_ =	sdelay $0x3  }
0x2f6: {  	s28 =	simm.s32 $0xF200;
	v3 =	vperm.xlane v3, v2  }
0x2f7: {  	[tilespmem:s28], [sflag:$0x1] =	stream.indirect_vreg.gather [hbm4b:s2+s3], $0x80, v4, vm0, $0xb8;
	[tilespmem:$0x18200] =	vst v63  }
0x2f8: {  	s29 =	simm.s32 $0xFA00;
	v3 =	vadd.s32 v1, v3  }
0x2f9: {  	[tilespmem:s29], [sflag:$0x1] =	stream.indirect_vreg.gather [hbm4b:s5+s3], $0x80, v4, vm0, $0xb8;
	[tilespmem:$0x18200] =	vst v63  }
0x2fa: {  	s30 =	simm.s32 $0x10200  }
0x2fb: {  	[tilespmem:s30], [sflag:$0x1] =	stream.indirect_vreg.gather [hbm4b:s6+s3], $0x80, v4, vm0, $0xb8;
	[tilespmem:$0x18200] =	vst v63  }
0x2fc: {  	s31 =	simm.s32 $0x10A00  }
0x2fd: {  	[tilespmem:s31], [sflag:$0x1] =	stream.indirect_vreg.gather [hbm4b:s2+s3], $0x80, v3, vm0, $0xb8;
	[tilespmem:$0x18200] =	vst v63  }
0x2fe: {  	s30 =	simm.s32 $0x11200  }
0x2ff: {  	[tilespmem:s30], [sflag:$0x1] =	stream.indirect_vreg.gather [hbm4b:s5+s3], $0x80, v3, vm0, $0xb8;
	[tilespmem:$0x18200] =	vst v63  }
0x300: {  	s31 =	simm.s32 $0x11A00  }
0x301: {  	[tilespmem:s31], [sflag:$0x1] =	stream.indirect_vreg.gather [hbm4b:s6+s3], $0x80, v3, vm0, $0xb8;
	[tilespmem:$0x18200] =	vst v63  }
0x302: {  	v3 =	vld [tilespmem:$0x1E0];
	_ =	sdelay $0x4  }
0x303: {  	v62 =	vshrl.u32 v3, $0x3  }
0x304: {  	v4 =	vmul.u32 $0x30, v62  }
0x305: {  	v3 =	vand.u32 $0x7, v3  }
0x306: {  	v3 =	vor.u32 v3, v4  }
0x307: {  	v4 =	vperm.xlane v3, v0;
	_ =	sdelay $0x1  }
0x308: {  	v4 =	vadd.s32 v1, v4;
	_ =	sdelay $0x3  }
0x309: {  	s1 =	simm.s32 $0x12200;
	v3 =	vperm.xlane v3, v2  }
0x30a: {  	[tilespmem:s1], [sflag:$0x1] =	stream.indirect_vreg.gather [hbm4b:s2+s3], $0x80, v4, vm0, $0xb8;
	[tilespmem:$0x18200] =	vst v63  }
0x30b: {  	s10 =	simm.s32 $0x12A00;
	v3 =	vadd.s32 v1, v3  }
0x30c: {  	[tilespmem:s10], [sflag:$0x1] =	stream.indirect_vreg.gather [hbm4b:s5+s3], $0x80, v4, vm0, $0xb8;
	[tilespmem:$0x18200] =	vst v63  }
0x30d: {  	s11 =	simm.s32 $0x13200  }
0x30e: {  	[tilespmem:s11], [sflag:$0x1] =	stream.indirect_vreg.gather [hbm4b:s6+s3], $0x80, v4, vm0, $0xb8;
	[tilespmem:$0x18200] =	vst v63  }
0x30f: {  	s12 =	simm.s32 $0x13A00  }
0x310: {  	[tilespmem:s12], [sflag:$0x1] =	stream.indirect_vreg.gather [hbm4b:s2+s3], $0x80, v3, vm0, $0xb8;
	[tilespmem:$0x18200] =	vst v63  }
0x311: {  	s13 =	simm.s32 $0x14200  }
0x312: {  	[tilespmem:s13], [sflag:$0x1] =	stream.indirect_vreg.gather [hbm4b:s5+s3], $0x80, v3, vm0, $0xb8;
	[tilespmem:$0x18200] =	vst v63  }
0x313: {  	s14 =	simm.s32 $0x14A00  }
0x314: {  	[tilespmem:s14], [sflag:$0x1] =	stream.indirect_vreg.gather [hbm4b:s6+s3], $0x80, v3, vm0, $0xb8;
	[tilespmem:$0x18200] =	vst v63  }
0x315: {  	v3 =	vld [tilespmem:$0x1F0];
	_ =	sdelay $0x4  }
0x316: {  	v63 =	vshrl.u32 v3, $0x3  }
0x317: {  	v4 =	vmul.u32 $0x30, v63  }
0x318: {  	v3 =	vand.u32 $0x7, v3  }
0x319: {  	v3 =	vor.u32 v3, v4  }
0x31a: {  	v4 =	vperm.xlane v3, v0;
	_ =	sdelay $0x1  }
0x31b: {  	v4 =	vadd.s32 v1, v4;
	_ =	sdelay $0x3  }
0x31c: {  	s15 =	simm.s32 $0x15200;
	v3 =	vperm.xlane v3, v2  }
0x31d: {  	[tilespmem:s15], [sflag:$0x1] =	stream.indirect_vreg.gather [hbm4b:s2+s3], $0x80, v4, vm0, $0xb8;
	[tilespmem:$0x18200] =	vst v63  }
0x31e: {  	s16 =	simm.s32 $0x15A00;
	v3 =	vadd.s32 v1, v3  }
0x31f: {  	[tilespmem:s16], [sflag:$0x1] =	stream.indirect_vreg.gather [hbm4b:s5+s3], $0x80, v4, vm0, $0xb8;
	[tilespmem:$0x18200] =	vst v63  }
0x320: {  	s17 =	simm.s32 $0x16200  }
0x321: {  	[tilespmem:s17], [sflag:$0x1] =	stream.indirect_vreg.gather [hbm4b:s6+s3], $0x80, v4, vm0, $0xb8;
	[tilespmem:$0x18200] =	vst v63  }
0x322: {  	s18 =	simm.s32 $0x16A00  }
0x323: {  	[tilespmem:s18], [sflag:$0x1] =	stream.indirect_vreg.gather [hbm4b:s2+s3], $0x80, v3, vm0, $0xb8;
	[tilespmem:$0x18200] =	vst v63  }
0x324: {  	s19 =	simm.s32 $0x17200  }
0x325: {  	[tilespmem:s19], [sflag:$0x1] =	stream.indirect_vreg.gather [hbm4b:s5+s3], $0x80, v3, vm0, $0xb8;
	[tilespmem:$0x18200] =	vst v63  }
0x326: {  	s20 =	simm.s32 $0x17A00  }
0x327: {  	[tilespmem:s20], [sflag:$0x1] =	stream.indirect_vreg.gather [hbm4b:s6+s3], $0x80, v3, vm0, $0xb8;
	[tilespmem:$0x18200] =	vst v63  }
0x328: {  	_ =	swait.ge [sflag:s4], $0x18000  }
0x329: {  	s21 =	sld [smem:$0x7F1]  }
0x32a: {  	[sflag:s4] =	ssyncset.done $0x0  }
0x32b: {  	[sflag:s4] =	ssyncadd.s32 $0xFFFE8000  }
0x32c: {  	[hbm4b:s21+s3] =	stream.linear.scatter [tilespmem:s9], [sflag:$0x2], $0x16800, $0x38;
	[tilespmem:$0x18200] =	vst v63  }
0x32d: {  	_ =	swait.ge [sflag:s8], $0x16800  }
0x32e: {  	s22 =	sld [smem:$0x7F2]  }
0x32f: {  	[sflag:s8] =	ssyncset.done $0x0  }
0x330: {  	[sflag:s8] =	ssyncadd.s32 $0xFFFE9800  }
0x331: {  	[hbm4b:s22+s3] =	stream.linear.scatter [tilespmem:s9], [sflag:$0x2], $0x16800, $0x38;
	[tilespmem:$0x18200] =	vst v63  }
0x332: {  	_ =	swait.ge [sflag:s8], $0x16800  }
0x333: {  	s23 =	sld [smem:$0x7F3]  }
0x334: {  	[sflag:s8] =	ssyncset.done $0x0  }
0x335: {  	[sflag:s8] =	ssyncadd.s32 $0xFFFE9800  }
0x336: {  	[hbm4b:s23+s3] =	stream.linear.scatter [tilespmem:s9], [sflag:$0x2], $0x16800, $0x38;
	[tilespmem:$0x18200] =	vst v63  }
0x337: {  	_ =	swait.ge [sflag:s8], $0x16800  }
0x338: {  	s24 =	sld [smem:$0x7F4]  }
0x339: {  	[sflag:s8] =	ssyncset.done $0x0  }
0x33a: {  	[sflag:s8] =	ssyncadd.s32 $0xFFFE9800  }
0x33b: {  	[hbm4b:s24+s3] =	stream.linear.scatter [tilespmem:s9], [sflag:$0x2], $0x16800, $0x38;
	[tilespmem:$0x18200] =	vst v63  }
0x33c: {  	_ =	swait.ge [sflag:s8], $0x16800  }
0x33d: {  	s25 =	sld [smem:$0x7F5]  }
0x33e: {  	[sflag:s8] =	ssyncset.done $0x0  }
0x33f: {  	[sflag:s8] =	ssyncadd.s32 $0xFFFE9800  }
0x340: {  	[hbm4b:s25+s3] =	stream.linear.scatter [tilespmem:s9], [sflag:$0x2], $0x16800, $0x38;
	[tilespmem:$0x18200] =	vst v63  }
0x341: {  	_ =	swait.ge [sflag:s8], $0x16800  }
0x342: {  	s26 =	sld [smem:$0x7F6]  }
0x343: {  	[sflag:s8] =	ssyncset.done $0x0  }
0x344: {  	[sflag:s8] =	ssyncadd.s32 $0xFFFE9800  }
0x345: {  	[hbm4b:s26+s3] =	stream.linear.scatter [tilespmem:s9], [sflag:$0x2], $0x16800, $0x38;
	[tilespmem:$0x18200] =	vst v63  }
0x346: {  	_ =	swait.ge [sflag:s8], $0x16800  }
0x347: {  	s28 =	sld [smem:$0x7F7]  }
0x348: {  	[sflag:s8] =	ssyncset.done $0x0  }
0x349: {  	[sflag:s8] =	ssyncadd.s32 $0xFFFE9800  }
0x34a: {  	[hbm4b:s28+s3] =	stream.linear.scatter [tilespmem:s9], [sflag:$0x2], $0x16800, $0x38;
	[tilespmem:$0x18200] =	vst v63  }
0x34b: {  	_ =	swait.ge [sflag:s8], $0x16800  }
0x34c: {  	s29 =	sld [smem:$0x7F8]  }
0x34d: {  	[sflag:s8] =	ssyncset.done $0x0  }
0x34e: {  	[sflag:s8] =	ssyncadd.s32 $0xFFFE9800  }
0x34f: {  	[hbm4b:s29+s3] =	stream.linear.scatter [tilespmem:s9], [sflag:$0x2], $0x16800, $0x38;
	[tilespmem:$0x18200] =	vst v63  }
0x350: {  	_ =	swait.ge [sflag:s8], $0x16800  }
0x351: {  	s30 =	sld [smem:$0x7FA]  }
0x352: {  	[sflag:s8] =	ssyncset.done $0x0  }
0x353: {  	[sflag:s8] =	ssyncadd.s32 $0xFFFE9800  }
0x354: {  	[hbm4b:s30+s3] =	stream.linear.scatter [tilespmem:s9], [sflag:$0x2], $0x16800, $0x38;
	[tilespmem:$0x18200] =	vst v63  }
0x355: {  	_ =	swait.ge [sflag:s8], $0x16800  }
0x356: {  	s31 =	sld [smem:$0x7FB]  }
0x357: {  	p0 =	sne.s32 s7, $0x1;
	[sflag:s8] =	ssyncset.done $0x0  }
.Ltmp0:
0x358: {  	[sflag:s8] =	ssyncadd.s32 $0xFFFE9800;
	(pc) =	sbr.rel @p0 .LBB2_1-.Ltmp0, $4  }
0x359: {  	[hbm4b:s31+s3] =	stream.linear.scatter [tilespmem:s9], [sflag:$0x2], $0x16800, $0x38;
	[tilespmem:$0x18200] =	vst v63  }
0x35a: {  	_ =	swait.ge [sflag:s8], $0x16800  }
0x35b: {  	[sflag:s8] =	ssyncset.done $0x0  }
0x35c: {  	s7 =	sadd.s32 $0xFFFFFFFF, s7;
	[sflag:s8] =	ssyncadd.s32 $0xFFFE9800  }
0x35d: {  	_ =	sfence.sel $0x180000  }
0x35e: {  	[bflag:$0x0] =	sbarrier.arrive $0xFFFF  }
0x35f: {  	_ =	strace $0x90000047  }
0x360: {  	s0 =	stileid.u32;
	[bflag:$0x2] =	sbarrier.arrive $0xFFFF  }
0x361: {  	p0 =	sne.s32 s0, $0x0;
	s0 =	rddreg [dreg:$0x3]  }
0x362: {  	s0 =	sadd.s32 @!p0 $0x100000, s0  }
0x363: {  	[sflag:s0] =	ssyncadd.tile.s32 @!p0 $0x1;
	_ =	shalt  }
.Lfunc_end2:
_tile_overlayer_lowered:
.L_overlay_start_2:
0x364: {  	(tag) =	ssettag $0x2  }
0x365: {  	s0 =	rddreg [dreg:$0x0];
	s2 =	stileid.u32  }
0x366: {  	s1 =	rddreg [dreg:$0x1];
	p0 =	sne.s32 s2, $0x0  }
0x367: {  	s3 =	rddreg [dreg:$0x2];
	[bflag:$0x3] =	sbarrier.arrive $0xFFFF;
	s2 =	simm.s32 @!p0 $0x1C02  }
0x368: {  	[timem:s3], [sflag:s2] =	dma.local @!p0 [hbm:s0], s1  }
0x369: {  	s0 =	simm.s32 @!p0 $0x2  }
0x36a: {  	_ =	swait.ge @!p0 [sflag:s0], s1  }
0x36b: {  	s1 =	ssub.s32 @!p0 $0x0, s1;
	[sflag:s0] =	ssyncset.done @!p0 $0x0  }
0x36c: {  	[sflag:s0] =	ssyncadd.s32 @!p0 s1  }
0x36d: {  	[bflag:$0x3] =	sbarrier.arrive $0xFFFF  }
0x36e: {  	_ =	shalt  }

</sc_bundles>
